<compile_context>
chip_gen: v7x
topology: tpu7x:2x2x1
jax: 0.10.2.dev20260603
libtpu: 0.0.44.dev20260713+nightly
codegen_flags: <defaults>
</compile_context>

<pallas_src>
import functools

import jax
import jax.numpy as jnp
from jax import lax
from jax.experimental import pallas as pl
from jax.experimental.pallas import tpu as pltpu
from jax.experimental.pallas import tpu_sc as plsc

B_ROWS = 16384
L_LABELS = 200
L_HALF = L_LABELS // 2
C_CLICK = 50
C_HALF = C_CLICK // 2
M_INPUT = B_ROWS * 202
TAB_ROWS = M_INPUT // 128
ROW_BLK = 512
N_BLKS = B_ROWS // ROW_BLK
TOTAL_IDX = B_ROWS * C_CLICK
NUM_WORKERS = 32
ROWS_PER_W = B_ROWS // NUM_WORKERS
WORDS_PER_W = ROWS_PER_W * C_HALF
ELEMS_PER_W = TOTAL_IDX // NUM_WORKERS
SUB_ROWS = 128
N_SUB = ROWS_PER_W // SUB_ROWS
SUB_WORDS = SUB_ROWS * C_HALF
SUB_GROUPS = SUB_WORDS // 16
HI_BASE = SUB_ROWS * 128 - 128


def _popcount32(v):
    m1 = jnp.int32(0x55555555)
    m2 = jnp.int32(0x33333333)
    m4 = jnp.int32(0x0F0F0F0F)
    v = v - (lax.shift_right_logical(v, 1) & m1)
    v = (v & m2) + (lax.shift_right_logical(v, 2) & m2)
    v = (v + lax.shift_right_logical(v, 4)) & m4
    return lax.shift_right_logical(v * jnp.int32(0x01010101), 24)


def _shift_lanes_right(x, sh):
    n = x.shape[1]
    z = jnp.zeros((1, sh), jnp.int32)
    return jnp.concatenate([z, x[:, : n - sh]], axis=1)


def _offsets_body(labels_ref, lc_ref, w0_ref, addr_ref, carry_ref):
    i = pl.program_id(0)

    @pl.when(i == 0)
    def _():
        carry_ref[0] = 0

    iota32 = lax.broadcasted_iota(jnp.int32, (32, ROW_BLK), 0)

    def body(j, bm):
        lrow = labels_ref[pl.ds(j, 1), :]
        w = lax.shift_right_logical(lrow, 5)
        b = lax.shift_left(jnp.int32(1), lrow & 31)
        return bm | jnp.where(iota32 == w, b, 0)

    bm = lax.fori_loop(
        0, L_LABELS, body, jnp.zeros((32, ROW_BLK), jnp.int32), unroll=8
    )
    uniq = jnp.sum(_popcount32(bm), axis=0, keepdims=True)
    inc = uniq + 1

    x = inc
    sh = 1
    while sh < ROW_BLK:
        x = x + _shift_lanes_right(x, sh)
        sh *= 2
    excl = x - inc
    carry = carry_ref[0]
    offs = excl + carry
    carry_ref[0] = carry + jnp.sum(inc)
    w0_ref[...] = lax.shift_right_logical(offs, 7)

    lane = lax.broadcasted_iota(jnp.int32, (1, ROW_BLK), 1)
    rm128 = (lane & (SUB_ROWS - 1)) * 128
    t = lc_ref[...] + (offs & 127)
    addr = t + rm128 + jnp.where(t >= 128, jnp.int32(HI_BASE), jnp.int32(0))
    addr_ref[...] = addr[:C_HALF, :] | lax.shift_left(addr[C_HALF:, :], 16)


def _compute_addr(labels_t, lc_t):
    return pl.pallas_call(
        _offsets_body,
        grid=(N_BLKS,),
        in_specs=[
            pl.BlockSpec((L_LABELS, ROW_BLK), lambda i: (0, i)),
            pl.BlockSpec((C_CLICK, ROW_BLK), lambda i: (0, i)),
        ],
        out_specs=[
            pl.BlockSpec((1, ROW_BLK), lambda i: (0, i)),
            pl.BlockSpec((C_HALF, ROW_BLK), lambda i: (0, i)),
        ],
        out_shape=[
            jax.ShapeDtypeStruct((1, B_ROWS), jnp.int32),
            jax.ShapeDtypeStruct((C_HALF, B_ROWS), jnp.int32),
        ],
        scratch_shapes=[pltpu.SMEM((1,), jnp.int32)],
        compiler_params=pltpu.CompilerParams(
            dimension_semantics=("arbitrary",)
        ),
    )(labels_t, lc_t)


def _gather_sc(table, w0, addr_rm):
    mesh = plsc.VectorSubcoreMesh(core_axis_name="c", subcore_axis_name="s")

    @functools.partial(
        pl.kernel,
        out_type=jax.ShapeDtypeStruct((TOTAL_IDX,), jnp.float32),
        mesh=mesh,
        compiler_params=pltpu.CompilerParams(needs_layout_passes=False),
        scratch_types=[
            pltpu.VMEM((ROWS_PER_W,), jnp.int32),
            pltpu.VMEM((ROWS_PER_W,), jnp.int32),
            pltpu.VMEM((WORDS_PER_W,), jnp.int32),
            pltpu.VMEM((2 * SUB_ROWS, 128), jnp.float32),
            pltpu.VMEM((2 * SUB_ROWS, 128), jnp.float32),
            pltpu.VMEM((ELEMS_PER_W,), jnp.float32),
            pltpu.SemaphoreType.DMA,
            pltpu.SemaphoreType.DMA,
        ],
    )
    def gather_kernel(
        tab_hbm, w0_hbm, addr_hbm, out_hbm,
        w0_v, w1_v, addr_v, bufa_v, bufb_v, val_v, sem0, sem1,
    ):
        wid = lax.axis_index("s") * 2 + lax.axis_index("c")
        rbase = wid * ROWS_PER_W
        pbase = wid * WORDS_PER_W
        ebase = wid * ELEMS_PER_W
        pltpu.sync_copy(w0_hbm.at[pl.ds(rbase, ROWS_PER_W)], w0_v)

        def mk_w1(i, _):
            w1_v[pl.ds(i * 16, 16)] = w0_v[pl.ds(i * 16, 16)] + 1
            return 0

        lax.fori_loop(0, ROWS_PER_W // 16, mk_w1, 0, unroll=8)

        mask16 = jnp.int32(0xFFFF)
        bufs = (bufa_v, bufb_v)
        sems = (sem0, sem1)

        def fire(b):
            p = b % 2
            buf, sem = bufs[p], sems[p]
            c0 = pltpu.async_copy(
                tab_hbm.at[w0_v.at[pl.ds(b * SUB_ROWS, SUB_ROWS)]],
                buf.at[pl.ds(0, SUB_ROWS)],
                sem,
            )
            c1 = pltpu.async_copy(
                tab_hbm.at[w1_v.at[pl.ds(b * SUB_ROWS, SUB_ROWS)]],
                buf.at[pl.ds(SUB_ROWS, SUB_ROWS)],
                sem,
            )
            return c0, c1

        pending = {0: fire(0)}
        pltpu.sync_copy(addr_hbm.at[pl.ds(pbase, WORDS_PER_W)], addr_v)
        for b in range(N_SUB):
            if b + 1 < N_SUB:
                pending[b + 1] = fire(b + 1)
            h0, h1 = pending.pop(b)
            h0.wait()
            h1.wait()
            buf_v = bufs[b % 2]

            wbase = b * SUB_WORDS
            vbase = b * SUB_WORDS * 2

            def body(g, _, buf_v=buf_v, wbase=wbase, vbase=vbase):
                w = addr_v[pl.ds(wbase + g * 16, 16)]
                lo = w & mask16
                hi = lax.shift_right_logical(w, 16)
                for half, off in ((lo, 0), (hi, 16)):
                    row = lax.shift_right_logical(half, 7)
                    col = half & 127
                    val_v[pl.ds(vbase + g * 32 + off, 16)] = plsc.load_gather(
                        buf_v, [row, col]
                    )
                return 0

            lax.fori_loop(0, SUB_GROUPS, body, 0, unroll=8)
        pltpu.sync_copy(val_v, out_hbm.at[pl.ds(ebase, ELEMS_PER_W)])

    return gather_kernel(table, w0, addr_rm)


def _loss_body(g_ref, out_ref):
    x = g_ref[...]
    s = -jnp.log(jax.nn.sigmoid(x) + 1e-8)
    out_ref[0, 0] = jnp.sum(s) * (1.0 / TOTAL_IDX)


def _reduce_loss(gathered2d):
    return pl.pallas_call(
        _loss_body,
        out_shape=jax.ShapeDtypeStruct((1, 1), jnp.float32),
        out_specs=pl.BlockSpec(memory_space=pltpu.SMEM),
    )(gathered2d)


def kernel(input, labels, labels_clicked):
    labels_t = labels.T
    lc_t = labels_clicked.T
    w0, addr = _compute_addr(labels_t, lc_t)
    table = input.reshape(TAB_ROWS, 128)
    addr_rm = addr.T.reshape(-1)
    gathered = _gather_sc(table, w0.reshape(-1), addr_rm)
    out = _reduce_loss(gathered.reshape(6400, 128))
    return out[0, 0]

# --- scband reference (transcript-rebuilt; emitter-appended) ---
"""Pipeline reference for scband-point-loss-17540646437123 (READ-ONLY COPY).

The authoritative reference and input builder live on the scoring server;
editing this copy changes nothing except your own understanding.
"""

import jax, jax.numpy as jnp
import numpy as np


def setup_inputs(seed: int = 0) -> dict:
    key = jax.random.key(seed)
    k1, k2, k3 = jax.random.split(key, 3)
    B, L, C = 16384, 200, 50
    M = B * 202  # upper bound on max index: sum over rows of (unique+1) <= B*201, plus clicked < 50
    inp = jax.random.normal(k1, (M,), dtype=jnp.float32)
    labels = jax.random.randint(k2, (B, L), 0, 1000)
    labels_clicked = jax.random.randint(k3, (B, C), 0, 50)
    return {"input": inp, "labels": labels, "labels_clicked": labels_clicked}


def reference(input, labels, labels_clicked):
    # Per-row unique counts (same value as torch.unique(labels[i]).numel()),
    # computed vectorized: sort each row, count distinct adjacent values.
    labels_sorted = jnp.sort(labels, axis=1)
    uniq_counts = 1 + (labels_sorted[:, 1:] != labels_sorted[:, :-1]).sum(axis=1)
    increments = uniq_counts + 1  # max_l += unique(labels[i]).numel() + 1
    # offset for row i is the running max_l BEFORE row i's increment
    offsets = jnp.concatenate([jnp.zeros((1,), dtype=increments.dtype), jnp.cumsum(increments)[:-1]])
    idx = (labels_clicked + offsets[:, None]).reshape(-1)
    loss = -jnp.log(jax.nn.sigmoid(input[idx]) + 1e-08).mean()
    return loss

if __name__ == "__main__":
    import jax
    _d = setup_inputs()
    print(jax.jit(kernel)(*tuple(_d.values())))

</pallas_src>

<mosaic_0001>
#map = affine_map<(d0, d1) -> (0, 0)>
#map1 = affine_map<(d0, d1) -> (0)>
module attributes {stable_mosaic.version = 14 : i64} {
  func.func @gather_kernel(%arg0: i32, %arg1: i32, %arg2: memref<25856x128xf32, #tpu.memory_space<hbm>>, %arg3: memref<16384xi32, #tpu.memory_space<hbm>>, %arg4: memref<409600xi32, #tpu.memory_space<hbm>>, %arg5: memref<819200xf32, #tpu.memory_space<hbm>>, %arg6: memref<512xi32, #tpu.memory_space<vmem>>, %arg7: memref<512xi32, #tpu.memory_space<vmem>>, %arg8: memref<12800xi32, #tpu.memory_space<vmem>>, %arg9: memref<256x128xf32, #tpu.memory_space<vmem>>, %arg10: memref<256x128xf32, #tpu.memory_space<vmem>>, %arg11: memref<25600xf32, #tpu.memory_space<vmem>>, %arg12: memref<!tpu.dma_semaphore, #tpu.memory_space<semaphore_mem>>, %arg13: memref<!tpu.dma_semaphore, #tpu.memory_space<semaphore_mem>>) attributes {dimension_semantics = [#tpu.dimension_semantics<core_parallel>, #tpu.dimension_semantics<subcore_parallel>], iteration_bounds = array<i64: 2, 16>, scalar_prefetch = 0 : i64, scratch_operands = 8 : i64, tpu.core_type = #tpu.core_type<sc_vector_subcore>, window_params = [{transform_indices = #map}, {transform_indices = #map1}, {transform_indices = #map1}, {transform_indices = #map1}]} {
    %mul3A = arith.constant 2 : i32
    %mul3A_0 = arith.muli %arg1, %mul3A : i32
    %add3A = arith.addi %mul3A_0, %arg0 : i32
    %mul3A_1 = arith.constant 512 : i32
    %mul3A_2 = arith.muli %add3A, %mul3A_1 : i32
    %mul3A_3 = arith.constant 12800 : i32
    %mul3A_4 = arith.muli %add3A, %mul3A_3 : i32
    %mul3A_5 = arith.constant 25600 : i32
    %mul3A_6 = arith.muli %add3A, %mul3A_5 : i32
    "tpu.region"() ({
      %run_scoped3A = tpu.sem_alloc : memref<!tpu.dma_semaphore, #tpu.memory_space<semaphore_mem>>
      %dma_start3A_171 = tpu.memref_slice %arg3[%mul3A_2] : memref<16384xi32, #tpu.memory_space<hbm>> -> memref<512xi32, #tpu.memory_space<hbm>>
      %dma_start3A_172 = tpu.memref_slice %arg3[%mul3A_2] : memref<16384xi32, #tpu.memory_space<hbm>> -> memref<512xi32, #tpu.memory_space<hbm>>
      tpu.enqueue_dma source(%dma_start3A_172 : memref<512xi32, #tpu.memory_space<hbm>>) target(%arg6 : memref<512xi32, #tpu.memory_space<vmem>>) target_semaphore(%run_scoped3A : memref<!tpu.dma_semaphore, #tpu.memory_space<semaphore_mem>>)
      %dma_wait3A_173 = tpu.memref_slice %arg3[%mul3A_2] : memref<16384xi32, #tpu.memory_space<hbm>> -> memref<512xi32, #tpu.memory_space<hbm>>
      %dma_wait3A_174 = tpu.memref_slice %arg3[%mul3A_2] : memref<16384xi32, #tpu.memory_space<hbm>> -> memref<512xi32, #tpu.memory_space<hbm>>
      tpu.wait_dma2 semaphore(%run_scoped3A : memref<!tpu.dma_semaphore, #tpu.memory_space<semaphore_mem>>) src(%dma_wait3A_174 : memref<512xi32, #tpu.memory_space<hbm>>) dst(%arg6 : memref<512xi32, #tpu.memory_space<vmem>>)
      tpu.yield
    }) : () -> ()
    %scan3A = arith.constant 0 : i32
    %scan3A_7 = arith.constant 0 : i32
    %scan3A_8 = arith.constant 32 : i32
    %scan3A_9 = arith.addi %scan3A_7, %scan3A_8 : i32
    %scan3A_10 = arith.constant 8 : i32
    %scan3A_11 = scf.for %scan3A_171 = %scan3A_7 to %scan3A_9 step %scan3A_10 iter_args(%scan3A_172 = %scan3A) -> (i32)  : i32 {
      %mul3A_173 = arith.constant 16 : i32
      %mul3A_174 = arith.muli %scan3A_171, %mul3A_173 : i32
      %get3A = arith.index_cast %mul3A_174 : i32 to index
      %get3A_175 = tpu.vector_load %arg6[%get3A] {strides = array<i32>} : memref<512xi32, #tpu.memory_space<vmem>>, vector<16xi32>,
      %add3A_176 = arith.constant 1 : i32
      %add3A_177 = vector.broadcast %add3A_176 : i32 to vector<16xi32>
      %add3A_178 = arith.addi %get3A_175, %add3A_177 : vector<16xi32>
      %mul3A_179 = arith.constant 16 : i32
      %mul3A_180 = arith.muli %scan3A_171, %mul3A_179 : i32
      %swap3A = arith.index_cast %mul3A_180 : i32 to index
      %swap3A_181 = tpu.vector_load %arg7[%swap3A] {strides = array<i32>} : memref<512xi32, #tpu.memory_space<vmem>>, vector<16xi32>,
      tpu.vector_store %arg7[%swap3A], %add3A_178 {strides = array<i32>} : memref<512xi32, #tpu.memory_space<vmem>>, vector<16xi32>,
      %scan3A_182 = arith.constant 0 : i32
      %scan3A_183 = arith.constant 1 : i32
      %scan3A_184 = arith.addi %scan3A_171, %scan3A_183 : i32
      %mul3A_185 = arith.constant 16 : i32
      %mul3A_186 = arith.muli %scan3A_184, %mul3A_185 : i32
      %get3A_187 = arith.index_cast %mul3A_186 : i32 to index
      %get3A_188 = tpu.vector_load %arg6[%get3A_187] {strides = array<i32>} : memref<512xi32, #tpu.memory_space<vmem>>, vector<16xi32>,
      %add3A_189 = arith.constant 1 : i32
      %add3A_190 = vector.broadcast %add3A_189 : i32 to vector<16xi32>
      %add3A_191 = arith.addi %get3A_188, %add3A_190 : vector<16xi32>
      %mul3A_192 = arith.constant 16 : i32
      %mul3A_193 = arith.muli %scan3A_184, %mul3A_192 : i32
      %swap3A_194 = arith.index_cast %mul3A_193 : i32 to index
      %swap3A_195 = tpu.vector_load %arg7[%swap3A_194] {strides = array<i32>} : memref<512xi32, #tpu.memory_space<vmem>>, vector<16xi32>,
      tpu.vector_store %arg7[%swap3A_194], %add3A_191 {strides = array<i32>} : memref<512xi32, #tpu.memory_space<vmem>>, vector<16xi32>,
      %scan3A_196 = arith.constant 0 : i32
      %scan3A_197 = arith.constant 2 : i32
      %scan3A_198 = arith.addi %scan3A_171, %scan3A_197 : i32
      %mul3A_199 = arith.constant 16 : i32
      %mul3A_200 = arith.muli %scan3A_198, %mul3A_199 : i32
      %get3A_201 = arith.index_cast %mul3A_200 : i32 to index
      %get3A_202 = tpu.vector_load %arg6[%get3A_201] {strides = array<i32>} : memref<512xi32, #tpu.memory_space<vmem>>, vector<16xi32>,
      %add3A_203 = arith.constant 1 : i32
      %add3A_204 = vector.broadcast %add3A_203 : i32 to vector<16xi32>
      %add3A_205 = arith.addi %get3A_202, %add3A_204 : vector<16xi32>
      %mul3A_206 = arith.constant 16 : i32
      %mul3A_207 = arith.muli %scan3A_198, %mul3A_206 : i32
      %swap3A_208 = arith.index_cast %mul3A_207 : i32 to index
      %swap3A_209 = tpu.vector_load %arg7[%swap3A_208] {strides = array<i32>} : memref<512xi32, #tpu.memory_space<vmem>>, vector<16xi32>,
      tpu.vector_store %arg7[%swap3A_208], %add3A_205 {strides = array<i32>} : memref<512xi32, #tpu.memory_space<vmem>>, vector<16xi32>,
      %scan3A_210 = arith.constant 0 : i32
      %scan3A_211 = arith.constant 3 : i32
      %scan3A_212 = arith.addi %scan3A_171, %scan3A_211 : i32
      %mul3A_213 = arith.constant 16 : i32
      %mul3A_214 = arith.muli %scan3A_212, %mul3A_213 : i32
      %get3A_215 = arith.index_cast %mul3A_214 : i32 to index
      %get3A_216 = tpu.vector_load %arg6[%get3A_215] {strides = array<i32>} : memref<512xi32, #tpu.memory_space<vmem>>, vector<16xi32>,
      %add3A_217 = arith.constant 1 : i32
      %add3A_218 = vector.broadcast %add3A_217 : i32 to vector<16xi32>
      %add3A_219 = arith.addi %get3A_216, %add3A_218 : vector<16xi32>
      %mul3A_220 = arith.constant 16 : i32
      %mul3A_221 = arith.muli %scan3A_212, %mul3A_220 : i32
      %swap3A_222 = arith.index_cast %mul3A_221 : i32 to index
      %swap3A_223 = tpu.vector_load %arg7[%swap3A_222] {strides = array<i32>} : memref<512xi32, #tpu.memory_space<vmem>>, vector<16xi32>,
      tpu.vector_store %arg7[%swap3A_222], %add3A_219 {strides = array<i32>} : memref<512xi32, #tpu.memory_space<vmem>>, vector<16xi32>,
      %scan3A_224 = arith.constant 0 : i32
      %scan3A_225 = arith.constant 4 : i32
      %scan3A_226 = arith.addi %scan3A_171, %scan3A_225 : i32
      %mul3A_227 = arith.constant 16 : i32
      %mul3A_228 = arith.muli %scan3A_226, %mul3A_227 : i32
      %get3A_229 = arith.index_cast %mul3A_228 : i32 to index
      %get3A_230 = tpu.vector_load %arg6[%get3A_229] {strides = array<i32>} : memref<512xi32, #tpu.memory_space<vmem>>, vector<16xi32>,
      %add3A_231 = arith.constant 1 : i32
      %add3A_232 = vector.broadcast %add3A_231 : i32 to vector<16xi32>
      %add3A_233 = arith.addi %get3A_230, %add3A_232 : vector<16xi32>
      %mul3A_234 = arith.constant 16 : i32
      %mul3A_235 = arith.muli %scan3A_226, %mul3A_234 : i32
      %swap3A_236 = arith.index_cast %mul3A_235 : i32 to index
      %swap3A_237 = tpu.vector_load %arg7[%swap3A_236] {strides = array<i32>} : memref<512xi32, #tpu.memory_space<vmem>>, vector<16xi32>,
      tpu.vector_store %arg7[%swap3A_236], %add3A_233 {strides = array<i32>} : memref<512xi32, #tpu.memory_space<vmem>>, vector<16xi32>,
      %scan3A_238 = arith.constant 0 : i32
      %scan3A_239 = arith.constant 5 : i32
      %scan3A_240 = arith.addi %scan3A_171, %scan3A_239 : i32
      %mul3A_241 = arith.constant 16 : i32
      %mul3A_242 = arith.muli %scan3A_240, %mul3A_241 : i32
      %get3A_243 = arith.index_cast %mul3A_242 : i32 to index
      %get3A_244 = tpu.vector_load %arg6[%get3A_243] {strides = array<i32>} : memref<512xi32, #tpu.memory_space<vmem>>, vector<16xi32>,
      %add3A_245 = arith.constant 1 : i32
      %add3A_246 = vector.broadcast %add3A_245 : i32 to vector<16xi32>
      %add3A_247 = arith.addi %get3A_244, %add3A_246 : vector<16xi32>
      %mul3A_248 = arith.constant 16 : i32
      %mul3A_249 = arith.muli %scan3A_240, %mul3A_248 : i32
      %swap3A_250 = arith.index_cast %mul3A_249 : i32 to index
      %swap3A_251 = tpu.vector_load %arg7[%swap3A_250] {strides = array<i32>} : memref<512xi32, #tpu.memory_space<vmem>>, vector<16xi32>,
      tpu.vector_store %arg7[%swap3A_250], %add3A_247 {strides = array<i32>} : memref<512xi32, #tpu.memory_space<vmem>>, vector<16xi32>,
      %scan3A_252 = arith.constant 0 : i32
      %scan3A_253 = arith.constant 6 : i32
      %scan3A_254 = arith.addi %scan3A_171, %scan3A_253 : i32
      %mul3A_255 = arith.constant 16 : i32
      %mul3A_256 = arith.muli %scan3A_254, %mul3A_255 : i32
      %get3A_257 = arith.index_cast %mul3A_256 : i32 to index
      %get3A_258 = tpu.vector_load %arg6[%get3A_257] {strides = array<i32>} : memref<512xi32, #tpu.memory_space<vmem>>, vector<16xi32>,
      %add3A_259 = arith.constant 1 : i32
      %add3A_260 = vector.broadcast %add3A_259 : i32 to vector<16xi32>
      %add3A_261 = arith.addi %get3A_258, %add3A_260 : vector<16xi32>
      %mul3A_262 = arith.constant 16 : i32
      %mul3A_263 = arith.muli %scan3A_254, %mul3A_262 : i32
      %swap3A_264 = arith.index_cast %mul3A_263 : i32 to index
      %swap3A_265 = tpu.vector_load %arg7[%swap3A_264] {strides = array<i32>} : memref<512xi32, #tpu.memory_space<vmem>>, vector<16xi32>,
      tpu.vector_store %arg7[%swap3A_264], %add3A_261 {strides = array<i32>} : memref<512xi32, #tpu.memory_space<vmem>>, vector<16xi32>,
      %scan3A_266 = arith.constant 0 : i32
      %scan3A_267 = arith.constant 7 : i32
      %scan3A_268 = arith.addi %scan3A_171, %scan3A_267 : i32
      %mul3A_269 = arith.constant 16 : i32
      %mul3A_270 = arith.muli %scan3A_268, %mul3A_269 : i32
      %get3A_271 = arith.index_cast %mul3A_270 : i32 to index
      %get3A_272 = tpu.vector_load %arg6[%get3A_271] {strides = array<i32>} : memref<512xi32, #tpu.memory_space<vmem>>, vector<16xi32>,
      %add3A_273 = arith.constant 1 : i32
      %add3A_274 = vector.broadcast %add3A_273 : i32 to vector<16xi32>
      %add3A_275 = arith.addi %get3A_272, %add3A_274 : vector<16xi32>
      %mul3A_276 = arith.constant 16 : i32
      %mul3A_277 = arith.muli %scan3A_268, %mul3A_276 : i32
      %swap3A_278 = arith.index_cast %mul3A_277 : i32 to index
      %swap3A_279 = tpu.vector_load %arg7[%swap3A_278] {strides = array<i32>} : memref<512xi32, #tpu.memory_space<vmem>>, vector<16xi32>,
      tpu.vector_store %arg7[%swap3A_278], %add3A_275 {strides = array<i32>} : memref<512xi32, #tpu.memory_space<vmem>>, vector<16xi32>,
      %scan3A_280 = arith.constant 0 : i32
      scf.yield %scan3A_280 : i32
    }
    %scan3A_12 = arith.constant 32 : i32
    %dma_start3A = arith.constant 0 : i32
    %dma_start3A_13 = arith.constant 0 : i32
    %dma_start3A_14 = tpu.memref_slice %arg9[%dma_start3A, %dma_start3A_13] : memref<256x128xf32, #tpu.memory_space<vmem>> -> memref<128x128xf32, #tpu.memory_space<vmem>>
    %dma_start3A_15 = arith.constant 0 : i32
    %dma_start3A_16 = tpu.memref_slice %arg6[%dma_start3A_15] : memref<512xi32, #tpu.memory_space<vmem>> -> memref<128xi32, #tpu.memory_space<vmem>>
    %dma_start3A_17 = arith.constant 0 : i32
    %dma_start3A_18 = arith.constant 0 : i32
    %dma_start3A_19 = tpu.memref_slice %arg2[%dma_start3A_17, %dma_start3A_18] : memref<25856x128xf32, #tpu.memory_space<hbm>> -> memref<25856x128xf32, #tpu.memory_space<hbm>>
    tpu.enqueue_indirect_dma source(%dma_start3A_19 : memref<25856x128xf32, #tpu.memory_space<hbm>>) target(%dma_start3A_14 : memref<128x128xf32, #tpu.memory_space<vmem>>) offsets(%dma_start3A_16 : memref<128xi32, #tpu.memory_space<vmem>>) semaphore(%arg12 : memref<!tpu.dma_semaphore, #tpu.memory_space<semaphore_mem>>)
    %dma_start3A_20 = arith.constant 128 : i32
    %dma_start3A_21 = arith.constant 0 : i32
    %dma_start3A_22 = tpu.memref_slice %arg9[%dma_start3A_20, %dma_start3A_21] : memref<256x128xf32, #tpu.memory_space<vmem>> -> memref<128x128xf32, #tpu.memory_space<vmem>>
    %dma_start3A_23 = arith.constant 0 : i32
    %dma_start3A_24 = tpu.memref_slice %arg7[%dma_start3A_23] : memref<512xi32, #tpu.memory_space<vmem>> -> memref<128xi32, #tpu.memory_space<vmem>>
    %dma_start3A_25 = arith.constant 0 : i32
    %dma_start3A_26 = arith.constant 0 : i32
    %dma_start3A_27 = tpu.memref_slice %arg2[%dma_start3A_25, %dma_start3A_26] : memref<25856x128xf32, #tpu.memory_space<hbm>> -> memref<25856x128xf32, #tpu.memory_space<hbm>>
    tpu.enqueue_indirect_dma source(%dma_start3A_27 : memref<25856x128xf32, #tpu.memory_space<hbm>>) target(%dma_start3A_22 : memref<128x128xf32, #tpu.memory_space<vmem>>) offsets(%dma_start3A_24 : memref<128xi32, #tpu.memory_space<vmem>>) semaphore(%arg12 : memref<!tpu.dma_semaphore, #tpu.memory_space<semaphore_mem>>)
    "tpu.region"() ({
      %run_scoped3A = tpu.sem_alloc : memref<!tpu.dma_semaphore, #tpu.memory_space<semaphore_mem>>
      %dma_start3A_171 = tpu.memref_slice %arg4[%mul3A_4] : memref<409600xi32, #tpu.memory_space<hbm>> -> memref<12800xi32, #tpu.memory_space<hbm>>
      %dma_start3A_172 = tpu.memref_slice %arg4[%mul3A_4] : memref<409600xi32, #tpu.memory_space<hbm>> -> memref<12800xi32, #tpu.memory_space<hbm>>
      tpu.enqueue_dma source(%dma_start3A_172 : memref<12800xi32, #tpu.memory_space<hbm>>) target(%arg8 : memref<12800xi32, #tpu.memory_space<vmem>>) target_semaphore(%run_scoped3A : memref<!tpu.dma_semaphore, #tpu.memory_space<semaphore_mem>>)
      %dma_wait3A_173 = tpu.memref_slice %arg4[%mul3A_4] : memref<409600xi32, #tpu.memory_space<hbm>> -> memref<12800xi32, #tpu.memory_space<hbm>>
      %dma_wait3A_174 = tpu.memref_slice %arg4[%mul3A_4] : memref<409600xi32, #tpu.memory_space<hbm>> -> memref<12800xi32, #tpu.memory_space<hbm>>
      tpu.wait_dma2 semaphore(%run_scoped3A : memref<!tpu.dma_semaphore, #tpu.memory_space<semaphore_mem>>) src(%dma_wait3A_174 : memref<12800xi32, #tpu.memory_space<hbm>>) dst(%arg8 : memref<12800xi32, #tpu.memory_space<vmem>>)
      tpu.yield
    }) : () -> ()
    %dma_start3A_28 = arith.constant 0 : i32
    %dma_start3A_29 = arith.constant 0 : i32
    %dma_start3A_30 = tpu.memref_slice %arg10[%dma_start3A_28, %dma_start3A_29] : memref<256x128xf32, #tpu.memory_space<vmem>> -> memref<128x128xf32, #tpu.memory_space<vmem>>
    %dma_start3A_31 = arith.constant 128 : i32
    %dma_start3A_32 = tpu.memref_slice %arg6[%dma_start3A_31] : memref<512xi32, #tpu.memory_space<vmem>> -> memref<128xi32, #tpu.memory_space<vmem>>
    %dma_start3A_33 = arith.constant 0 : i32
    %dma_start3A_34 = arith.constant 0 : i32
    %dma_start3A_35 = tpu.memref_slice %arg2[%dma_start3A_33, %dma_start3A_34] : memref<25856x128xf32, #tpu.memory_space<hbm>> -> memref<25856x128xf32, #tpu.memory_space<hbm>>
    tpu.enqueue_indirect_dma source(%dma_start3A_35 : memref<25856x128xf32, #tpu.memory_space<hbm>>) target(%dma_start3A_30 : memref<128x128xf32, #tpu.memory_space<vmem>>) offsets(%dma_start3A_32 : memref<128xi32, #tpu.memory_space<vmem>>) semaphore(%arg13 : memref<!tpu.dma_semaphore, #tpu.memory_space<semaphore_mem>>)
    %dma_start3A_36 = arith.constant 128 : i32
    %dma_start3A_37 = arith.constant 0 : i32
    %dma_start3A_38 = tpu.memref_slice %arg10[%dma_start3A_36, %dma_start3A_37] : memref<256x128xf32, #tpu.memory_space<vmem>> -> memref<128x128xf32, #tpu.memory_space<vmem>>
    %dma_start3A_39 = arith.constant 128 : i32
    %dma_start3A_40 = tpu.memref_slice %arg7[%dma_start3A_39] : memref<512xi32, #tpu.memory_space<vmem>> -> memref<128xi32, #tpu.memory_space<vmem>>
    %dma_start3A_41 = arith.constant 0 : i32
    %dma_start3A_42 = arith.constant 0 : i32
    %dma_start3A_43 = tpu.memref_slice %arg2[%dma_start3A_41, %dma_start3A_42] : memref<25856x128xf32, #tpu.memory_space<hbm>> -> memref<25856x128xf32, #tpu.memory_space<hbm>>
    tpu.enqueue_indirect_dma source(%dma_start3A_43 : memref<25856x128xf32, #tpu.memory_space<hbm>>) target(%dma_start3A_38 : memref<128x128xf32, #tpu.memory_space<vmem>>) offsets(%dma_start3A_40 : memref<128xi32, #tpu.memory_space<vmem>>) semaphore(%arg13 : memref<!tpu.dma_semaphore, #tpu.memory_space<semaphore_mem>>)
    %dma_wait3A = arith.constant 0 : i32
    %dma_wait3A_44 = arith.constant 0 : i32
    %dma_wait3A_45 = tpu.memref_slice %arg9[%dma_wait3A, %dma_wait3A_44] : memref<256x128xf32, #tpu.memory_space<vmem>> -> memref<128x128xf32, #tpu.memory_space<vmem>>
    %dma_wait3A_46 = arith.constant 0 : i32
    %dma_wait3A_47 = tpu.memref_slice %arg6[%dma_wait3A_46] : memref<512xi32, #tpu.memory_space<vmem>> -> memref<128xi32, #tpu.memory_space<vmem>>
    %dma_wait3A_48 = arith.constant 0 : i32
    %dma_wait3A_49 = arith.constant 0 : i32
    %dma_wait3A_50 = tpu.memref_slice %arg2[%dma_wait3A_48, %dma_wait3A_49] : memref<25856x128xf32, #tpu.memory_space<hbm>> -> memref<25856x128xf32, #tpu.memory_space<hbm>>
    tpu.wait_indirect_dma semaphore(%arg12 : memref<!tpu.dma_semaphore, #tpu.memory_space<semaphore_mem>>) src(%dma_wait3A_50 : memref<25856x128xf32, #tpu.memory_space<hbm>>) dst(%dma_wait3A_45 : memref<128x128xf32, #tpu.memory_space<vmem>>)
    %dma_wait3A_51 = arith.constant 128 : i32
    %dma_wait3A_52 = arith.constant 0 : i32
    %dma_wait3A_53 = tpu.memref_slice %arg9[%dma_wait3A_51, %dma_wait3A_52] : memref<256x128xf32, #tpu.memory_space<vmem>> -> memref<128x128xf32, #tpu.memory_space<vmem>>
    %dma_wait3A_54 = arith.constant 0 : i32
    %dma_wait3A_55 = tpu.memref_slice %arg7[%dma_wait3A_54] : memref<512xi32, #tpu.memory_space<vmem>> -> memref<128xi32, #tpu.memory_space<vmem>>
    %dma_wait3A_56 = arith.constant 0 : i32
    %dma_wait3A_57 = arith.constant 0 : i32
    %dma_wait3A_58 = tpu.memref_slice %arg2[%dma_wait3A_56, %dma_wait3A_57] : memref<25856x128xf32, #tpu.memory_space<hbm>> -> memref<25856x128xf32, #tpu.memory_space<hbm>>
    tpu.wait_indirect_dma semaphore(%arg12 : memref<!tpu.dma_semaphore, #tpu.memory_space<semaphore_mem>>) src(%dma_wait3A_58 : memref<25856x128xf32, #tpu.memory_space<hbm>>) dst(%dma_wait3A_53 : memref<128x128xf32, #tpu.memory_space<vmem>>)
    %scan3A_59 = arith.constant 65535 : i32
    %scan3A_60 = arith.constant 0 : i32
    %scan3A_61 = arith.constant 0 : i32
    %scan3A_62 = arith.constant 200 : i32
    %scan3A_63 = arith.addi %scan3A_61, %scan3A_62 : i32
    %scan3A_64 = arith.constant 8 : i32
    %scan3A_65 = scf.for %scan3A_171 = %scan3A_61 to %scan3A_63 step %scan3A_64 iter_args(%scan3A_172 = %scan3A_60) -> (i32)  : i32 {
      %mul3A_173 = arith.constant 16 : i32
      %mul3A_174 = arith.muli %scan3A_171, %mul3A_173 : i32
      %add3A_175 = arith.constant 0 : i32
      %add3A_176 = arith.addi %add3A_175, %mul3A_174 : i32
      %get3A = arith.index_cast %add3A_176 : i32 to index
      %get3A_177 = tpu.vector_load %arg8[%get3A] {strides = array<i32>} : memref<12800xi32, #tpu.memory_space<vmem>>, vector<16xi32>,
      %and3A = vector.broadcast %scan3A_59 : i32 to vector<16xi32>
      %and3A_178 = arith.andi %get3A_177, %and3A : vector<16xi32>
      %shift_right_logical3A = arith.constant 16 : i32
      %shift_right_logical3A_179 = vector.broadcast %shift_right_logical3A : i32 to vector<16xi32>
      %shift_right_logical3A_180 = arith.shrui %get3A_177, %shift_right_logical3A_179 : vector<16xi32>
      %shift_right_logical3A_181 = arith.constant 7 : i32
      %shift_right_logical3A_182 = vector.broadcast %shift_right_logical3A_181 : i32 to vector<16xi32>
      %shift_right_logical3A_183 = arith.shrui %and3A_178, %shift_right_logical3A_182 : vector<16xi32>
      %and3A_184 = arith.constant 127 : i32
      %and3A_185 = vector.broadcast %and3A_184 : i32 to vector<16xi32>
      %and3A_186 = arith.andi %and3A_178, %and3A_185 : vector<16xi32>
      %gather3A = tpu.vector_load_idx %arg9[%shift_right_logical3A_183, %and3A_186] : memref<256x128xf32, #tpu.memory_space<vmem>>[vector<16xi32>, vector<16xi32>], vector<16xf32>,
      %mul3A_187 = arith.constant 32 : i32
      %mul3A_188 = arith.muli %scan3A_171, %mul3A_187 : i32
      %add3A_189 = arith.constant 0 : i32
      %add3A_190 = arith.addi %add3A_189, %mul3A_188 : i32
      %add3A_191 = arith.constant 0 : i32
      %add3A_192 = arith.addi %add3A_190, %add3A_191 : i32
      %swap3A = arith.index_cast %add3A_192 : i32 to index
      %swap3A_193 = tpu.vector_load %arg11[%swap3A] {strides = array<i32>} : memref<25600xf32, #tpu.memory_space<vmem>>, vector<16xf32>,
      tpu.vector_store %arg11[%swap3A], %gather3A {strides = array<i32>} : memref<25600xf32, #tpu.memory_space<vmem>>, vector<16xf32>,
      %shift_right_logical3A_194 = arith.constant 7 : i32
      %shift_right_logical3A_195 = vector.broadcast %shift_right_logical3A_194 : i32 to vector<16xi32>
      %shift_right_logical3A_196 = arith.shrui %shift_right_logical3A_180, %shift_right_logical3A_195 : vector<16xi32>
      %and3A_197 = arith.constant 127 : i32
      %and3A_198 = vector.broadcast %and3A_197 : i32 to vector<16xi32>
      %and3A_199 = arith.andi %shift_right_logical3A_180, %and3A_198 : vector<16xi32>
      %gather3A_200 = tpu.vector_load_idx %arg9[%shift_right_logical3A_196, %and3A_199] : memref<256x128xf32, #tpu.memory_space<vmem>>[vector<16xi32>, vector<16xi32>], vector<16xf32>,
      %mul3A_201 = arith.constant 32 : i32
      %mul3A_202 = arith.muli %scan3A_171, %mul3A_201 : i32
      %add3A_203 = arith.constant 0 : i32
      %add3A_204 = arith.addi %add3A_203, %mul3A_202 : i32
      %add3A_205 = arith.constant 16 : i32
      %add3A_206 = arith.addi %add3A_204, %add3A_205 : i32
      %swap3A_207 = arith.index_cast %add3A_206 : i32 to index
      %swap3A_208 = tpu.vector_load %arg11[%swap3A_207] {strides = array<i32>} : memref<25600xf32, #tpu.memory_space<vmem>>, vector<16xf32>,
      tpu.vector_store %arg11[%swap3A_207], %gather3A_200 {strides = array<i32>} : memref<25600xf32, #tpu.memory_space<vmem>>, vector<16xf32>,
      %scan3A_209 = arith.constant 0 : i32
      %scan3A_210 = arith.constant 1 : i32
      %scan3A_211 = arith.addi %scan3A_171, %scan3A_210 : i32
      %mul3A_212 = arith.constant 16 : i32
      %mul3A_213 = arith.muli %scan3A_211, %mul3A_212 : i32
      %add3A_214 = arith.constant 0 : i32
      %add3A_215 = arith.addi %add3A_214, %mul3A_213 : i32
      %get3A_216 = arith.index_cast %add3A_215 : i32 to index
      %get3A_217 = tpu.vector_load %arg8[%get3A_216] {strides = array<i32>} : memref<12800xi32, #tpu.memory_space<vmem>>, vector<16xi32>,
      %and3A_218 = vector.broadcast %scan3A_59 : i32 to vector<16xi32>
      %and3A_219 = arith.andi %get3A_217, %and3A_218 : vector<16xi32>
      %shift_right_logical3A_220 = arith.constant 16 : i32
      %shift_right_logical3A_221 = vector.broadcast %shift_right_logical3A_220 : i32 to vector<16xi32>
      %shift_right_logical3A_222 = arith.shrui %get3A_217, %shift_right_logical3A_221 : vector<16xi32>
      %shift_right_logical3A_223 = arith.constant 7 : i32
      %shift_right_logical3A_224 = vector.broadcast %shift_right_logical3A_223 : i32 to vector<16xi32>
      %shift_right_logical3A_225 = arith.shrui %and3A_219, %shift_right_logical3A_224 : vector<16xi32>
      %and3A_226 = arith.constant 127 : i32
      %and3A_227 = vector.broadcast %and3A_226 : i32 to vector<16xi32>
      %and3A_228 = arith.andi %and3A_219, %and3A_227 : vector<16xi32>
      %gather3A_229 = tpu.vector_load_idx %arg9[%shift_right_logical3A_225, %and3A_228] : memref<256x128xf32, #tpu.memory_space<vmem>>[vector<16xi32>, vector<16xi32>], vector<16xf32>,
      %mul3A_230 = arith.constant 32 : i32
      %mul3A_231 = arith.muli %scan3A_211, %mul3A_230 : i32
      %add3A_232 = arith.constant 0 : i32
      %add3A_233 = arith.addi %add3A_232, %mul3A_231 : i32
      %add3A_234 = arith.constant 0 : i32
      %add3A_235 = arith.addi %add3A_233, %add3A_234 : i32
      %swap3A_236 = arith.index_cast %add3A_235 : i32 to index
      %swap3A_237 = tpu.vector_load %arg11[%swap3A_236] {strides = array<i32>} : memref<25600xf32, #tpu.memory_space<vmem>>, vector<16xf32>,
      tpu.vector_store %arg11[%swap3A_236], %gather3A_229 {strides = array<i32>} : memref<25600xf32, #tpu.memory_space<vmem>>, vector<16xf32>,
      %shift_right_logical3A_238 = arith.constant 7 : i32
      %shift_right_logical3A_239 = vector.broadcast %shift_right_logical3A_238 : i32 to vector<16xi32>
      %shift_right_logical3A_240 = arith.shrui %shift_right_logical3A_222, %shift_right_logical3A_239 : vector<16xi32>
      %and3A_241 = arith.constant 127 : i32
      %and3A_242 = vector.broadcast %and3A_241 : i32 to vector<16xi32>
      %and3A_243 = arith.andi %shift_right_logical3A_222, %and3A_242 : vector<16xi32>
      %gather3A_244 = tpu.vector_load_idx %arg9[%shift_right_logical3A_240, %and3A_243] : memref<256x128xf32, #tpu.memory_space<vmem>>[vector<16xi32>, vector<16xi32>], vector<16xf32>,
      %mul3A_245 = arith.constant 32 : i32
      %mul3A_246 = arith.muli %scan3A_211, %mul3A_245 : i32
      %add3A_247 = arith.constant 0 : i32
      %add3A_248 = arith.addi %add3A_247, %mul3A_246 : i32
      %add3A_249 = arith.constant 16 : i32
      %add3A_250 = arith.addi %add3A_248, %add3A_249 : i32
      %swap3A_251 = arith.index_cast %add3A_250 : i32 to index
      %swap3A_252 = tpu.vector_load %arg11[%swap3A_251] {strides = array<i32>} : memref<25600xf32, #tpu.memory_space<vmem>>, vector<16xf32>,
      tpu.vector_store %arg11[%swap3A_251], %gather3A_244 {strides = array<i32>} : memref<25600xf32, #tpu.memory_space<vmem>>, vector<16xf32>,
      %scan3A_253 = arith.constant 0 : i32
      %scan3A_254 = arith.constant 2 : i32
      %scan3A_255 = arith.addi %scan3A_171, %scan3A_254 : i32
      %mul3A_256 = arith.constant 16 : i32
      %mul3A_257 = arith.muli %scan3A_255, %mul3A_256 : i32
      %add3A_258 = arith.constant 0 : i32
      %add3A_259 = arith.addi %add3A_258, %mul3A_257 : i32
      %get3A_260 = arith.index_cast %add3A_259 : i32 to index
      %get3A_261 = tpu.vector_load %arg8[%get3A_260] {strides = array<i32>} : memref<12800xi32, #tpu.memory_space<vmem>>, vector<16xi32>,
      %and3A_262 = vector.broadcast %scan3A_59 : i32 to vector<16xi32>
      %and3A_263 = arith.andi %get3A_261, %and3A_262 : vector<16xi32>
      %shift_right_logical3A_264 = arith.constant 16 : i32
      %shift_right_logical3A_265 = vector.broadcast %shift_right_logical3A_264 : i32 to vector<16xi32>
      %shift_right_logical3A_266 = arith.shrui %get3A_261, %shift_right_logical3A_265 : vector<16xi32>
      %shift_right_logical3A_267 = arith.constant 7 : i32
      %shift_right_logical3A_268 = vector.broadcast %shift_right_logical3A_267 : i32 to vector<16xi32>
      %shift_right_logical3A_269 = arith.shrui %and3A_263, %shift_right_logical3A_268 : vector<16xi32>
      %and3A_270 = arith.constant 127 : i32
      %and3A_271 = vector.broadcast %and3A_270 : i32 to vector<16xi32>
      %and3A_272 = arith.andi %and3A_263, %and3A_271 : vector<16xi32>
      %gather3A_273 = tpu.vector_load_idx %arg9[%shift_right_logical3A_269, %and3A_272] : memref<256x128xf32, #tpu.memory_space<vmem>>[vector<16xi32>, vector<16xi32>], vector<16xf32>,
      %mul3A_274 = arith.constant 32 : i32
      %mul3A_275 = arith.muli %scan3A_255, %mul3A_274 : i32
      %add3A_276 = arith.constant 0 : i32
      %add3A_277 = arith.addi %add3A_276, %mul3A_275 : i32
      %add3A_278 = arith.constant 0 : i32
      %add3A_279 = arith.addi %add3A_277, %add3A_278 : i32
      %swap3A_280 = arith.index_cast %add3A_279 : i32 to index
      %swap3A_281 = tpu.vector_load %arg11[%swap3A_280] {strides = array<i32>} : memref<25600xf32, #tpu.memory_space<vmem>>, vector<16xf32>,
      tpu.vector_store %arg11[%swap3A_280], %gather3A_273 {strides = array<i32>} : memref<25600xf32, #tpu.memory_space<vmem>>, vector<16xf32>,
      %shift_right_logical3A_282 = arith.constant 7 : i32
      %shift_right_logical3A_283 = vector.broadcast %shift_right_logical3A_282 : i32 to vector<16xi32>
      %shift_right_logical3A_284 = arith.shrui %shift_right_logical3A_266, %shift_right_logical3A_283 : vector<16xi32>
      %and3A_285 = arith.constant 127 : i32
      %and3A_286 = vector.broadcast %and3A_285 : i32 to vector<16xi32>
      %and3A_287 = arith.andi %shift_right_logical3A_266, %and3A_286 : vector<16xi32>
      %gather3A_288 = tpu.vector_load_idx %arg9[%shift_right_logical3A_284, %and3A_287] : memref<256x128xf32, #tpu.memory_space<vmem>>[vector<16xi32>, vector<16xi32>], vector<16xf32>,
      %mul3A_289 = arith.constant 32 : i32
      %mul3A_290 = arith.muli %scan3A_255, %mul3A_289 : i32
      %add3A_291 = arith.constant 0 : i32
      %add3A_292 = arith.addi %add3A_291, %mul3A_290 : i32
      %add3A_293 = arith.constant 16 : i32
      %add3A_294 = arith.addi %add3A_292, %add3A_293 : i32
      %swap3A_295 = arith.index_cast %add3A_294 : i32 to index
      %swap3A_296 = tpu.vector_load %arg11[%swap3A_295] {strides = array<i32>} : memref<25600xf32, #tpu.memory_space<vmem>>, vector<16xf32>,
      tpu.vector_store %arg11[%swap3A_295], %gather3A_288 {strides = array<i32>} : memref<25600xf32, #tpu.memory_space<vmem>>, vector<16xf32>,
      %scan3A_297 = arith.constant 0 : i32
      %scan3A_298 = arith.constant 3 : i32
      %scan3A_299 = arith.addi %scan3A_171, %scan3A_298 : i32
      %mul3A_300 = arith.constant 16 : i32
      %mul3A_301 = arith.muli %scan3A_299, %mul3A_300 : i32
      %add3A_302 = arith.constant 0 : i32
      %add3A_303 = arith.addi %add3A_302, %mul3A_301 : i32
      %get3A_304 = arith.index_cast %add3A_303 : i32 to index
      %get3A_305 = tpu.vector_load %arg8[%get3A_304] {strides = array<i32>} : memref<12800xi32, #tpu.memory_space<vmem>>, vector<16xi32>,
      %and3A_306 = vector.broadcast %scan3A_59 : i32 to vector<16xi32>
      %and3A_307 = arith.andi %get3A_305, %and3A_306 : vector<16xi32>
      %shift_right_logical3A_308 = arith.constant 16 : i32
      %shift_right_logical3A_309 = vector.broadcast %shift_right_logical3A_308 : i32 to vector<16xi32>
      %shift_right_logical3A_310 = arith.shrui %get3A_305, %shift_right_logical3A_309 : vector<16xi32>
      %shift_right_logical3A_311 = arith.constant 7 : i32
      %shift_right_logical3A_312 = vector.broadcast %shift_right_logical3A_311 : i32 to vector<16xi32>
      %shift_right_logical3A_313 = arith.shrui %and3A_307, %shift_right_logical3A_312 : vector<16xi32>
      %and3A_314 = arith.constant 127 : i32
      %and3A_315 = vector.broadcast %and3A_314 : i32 to vector<16xi32>
      %and3A_316 = arith.andi %and3A_307, %and3A_315 : vector<16xi32>
      %gather3A_317 = tpu.vector_load_idx %arg9[%shift_right_logical3A_313, %and3A_316] : memref<256x128xf32, #tpu.memory_space<vmem>>[vector<16xi32>, vector<16xi32>], vector<16xf32>,
      %mul3A_318 = arith.constant 32 : i32
      %mul3A_319 = arith.muli %scan3A_299, %mul3A_318 : i32
      %add3A_320 = arith.constant 0 : i32
      %add3A_321 = arith.addi %add3A_320, %mul3A_319 : i32
      %add3A_322 = arith.constant 0 : i32
      %add3A_323 = arith.addi %add3A_321, %add3A_322 : i32
      %swap3A_324 = arith.index_cast %add3A_323 : i32 to index
      %swap3A_325 = tpu.vector_load %arg11[%swap3A_324] {strides = array<i32>} : memref<25600xf32, #tpu.memory_space<vmem>>, vector<16xf32>,
      tpu.vector_store %arg11[%swap3A_324], %gather3A_317 {strides = array<i32>} : memref<25600xf32, #tpu.memory_space<vmem>>, vector<16xf32>,
      %shift_right_logical3A_326 = arith.constant 7 : i32
      %shift_right_logical3A_327 = vector.broadcast %shift_right_logical3A_326 : i32 to vector<16xi32>
      %shift_right_logical3A_328 = arith.shrui %shift_right_logical3A_310, %shift_right_logical3A_327 : vector<16xi32>
      %and3A_329 = arith.constant 127 : i32
      %and3A_330 = vector.broadcast %and3A_329 : i32 to vector<16xi32>
      %and3A_331 = arith.andi %shift_right_logical3A_310, %and3A_330 : vector<16xi32>
      %gather3A_332 = tpu.vector_load_idx %arg9[%shift_right_logical3A_328, %and3A_331] : memref<256x128xf32, #tpu.memory_space<vmem>>[vector<16xi32>, vector<16xi32>], vector<16xf32>,
      %mul3A_333 = arith.constant 32 : i32
      %mul3A_334 = arith.muli %scan3A_299, %mul3A_333 : i32
      %add3A_335 = arith.constant 0 : i32
      %add3A_336 = arith.addi %add3A_335, %mul3A_334 : i32
      %add3A_337 = arith.constant 16 : i32
      %add3A_338 = arith.addi %add3A_336, %add3A_337 : i32
      %swap3A_339 = arith.index_cast %add3A_338 : i32 to index
      %swap3A_340 = tpu.vector_load %arg11[%swap3A_339] {strides = array<i32>} : memref<25600xf32, #tpu.memory_space<vmem>>, vector<16xf32>,
      tpu.vector_store %arg11[%swap3A_339], %gather3A_332 {strides = array<i32>} : memref<25600xf32, #tpu.memory_space<vmem>>, vector<16xf32>,
      %scan3A_341 = arith.constant 0 : i32
      %scan3A_342 = arith.constant 4 : i32
      %scan3A_343 = arith.addi %scan3A_171, %scan3A_342 : i32
      %mul3A_344 = arith.constant 16 : i32
      %mul3A_345 = arith.muli %scan3A_343, %mul3A_344 : i32
      %add3A_346 = arith.constant 0 : i32
      %add3A_347 = arith.addi %add3A_346, %mul3A_345 : i32
      %get3A_348 = arith.index_cast %add3A_347 : i32 to index
      %get3A_349 = tpu.vector_load %arg8[%get3A_348] {strides = array<i32>} : memref<12800xi32, #tpu.memory_space<vmem>>, vector<16xi32>,
      %and3A_350 = vector.broadcast %scan3A_59 : i32 to vector<16xi32>
      %and3A_351 = arith.andi %get3A_349, %and3A_350 : vector<16xi32>
      %shift_right_logical3A_352 = arith.constant 16 : i32
      %shift_right_logical3A_353 = vector.broadcast %shift_right_logical3A_352 : i32 to vector<16xi32>
      %shift_right_logical3A_354 = arith.shrui %get3A_349, %shift_right_logical3A_353 : vector<16xi32>
      %shift_right_logical3A_355 = arith.constant 7 : i32
      %shift_right_logical3A_356 = vector.broadcast %shift_right_logical3A_355 : i32 to vector<16xi32>
      %shift_right_logical3A_357 = arith.shrui %and3A_351, %shift_right_logical3A_356 : vector<16xi32>
      %and3A_358 = arith.constant 127 : i32
      %and3A_359 = vector.broadcast %and3A_358 : i32 to vector<16xi32>
      %and3A_360 = arith.andi %and3A_351, %and3A_359 : vector<16xi32>
      %gather3A_361 = tpu.vector_load_idx %arg9[%shift_right_logical3A_357, %and3A_360] : memref<256x128xf32, #tpu.memory_space<vmem>>[vector<16xi32>, vector<16xi32>], vector<16xf32>,
      %mul3A_362 = arith.constant 32 : i32
      %mul3A_363 = arith.muli %scan3A_343, %mul3A_362 : i32
      %add3A_364 = arith.constant 0 : i32
      %add3A_365 = arith.addi %add3A_364, %mul3A_363 : i32
      %add3A_366 = arith.constant 0 : i32
      %add3A_367 = arith.addi %add3A_365, %add3A_366 : i32
      %swap3A_368 = arith.index_cast %add3A_367 : i32 to index
      %swap3A_369 = tpu.vector_load %arg11[%swap3A_368] {strides = array<i32>} : memref<25600xf32, #tpu.memory_space<vmem>>, vector<16xf32>,
      tpu.vector_store %arg11[%swap3A_368], %gather3A_361 {strides = array<i32>} : memref<25600xf32, #tpu.memory_space<vmem>>, vector<16xf32>,
      %shift_right_logical3A_370 = arith.constant 7 : i32
      %shift_right_logical3A_371 = vector.broadcast %shift_right_logical3A_370 : i32 to vector<16xi32>
      %shift_right_logical3A_372 = arith.shrui %shift_right_logical3A_354, %shift_right_logical3A_371 : vector<16xi32>
      %and3A_373 = arith.constant 127 : i32
      %and3A_374 = vector.broadcast %and3A_373 : i32 to vector<16xi32>
      %and3A_375 = arith.andi %shift_right_logical3A_354, %and3A_374 : vector<16xi32>
      %gather3A_376 = tpu.vector_load_idx %arg9[%shift_right_logical3A_372, %and3A_375] : memref<256x128xf32, #tpu.memory_space<vmem>>[vector<16xi32>, vector<16xi32>], vector<16xf32>,
      %mul3A_377 = arith.constant 32 : i32
      %mul3A_378 = arith.muli %scan3A_343, %mul3A_377 : i32
      %add3A_379 = arith.constant 0 : i32
      %add3A_380 = arith.addi %add3A_379, %mul3A_378 : i32
      %add3A_381 = arith.constant 16 : i32
      %add3A_382 = arith.addi %add3A_380, %add3A_381 : i32
      %swap3A_383 = arith.index_cast %add3A_382 : i32 to index
      %swap3A_384 = tpu.vector_load %arg11[%swap3A_383] {strides = array<i32>} : memref<25600xf32, #tpu.memory_space<vmem>>, vector<16xf32>,
      tpu.vector_store %arg11[%swap3A_383], %gather3A_376 {strides = array<i32>} : memref<25600xf32, #tpu.memory_space<vmem>>, vector<16xf32>,
      %scan3A_385 = arith.constant 0 : i32
      %scan3A_386 = arith.constant 5 : i32
      %scan3A_387 = arith.addi %scan3A_171, %scan3A_386 : i32
      %mul3A_388 = arith.constant 16 : i32
      %mul3A_389 = arith.muli %scan3A_387, %mul3A_388 : i32
      %add3A_390 = arith.constant 0 : i32
      %add3A_391 = arith.addi %add3A_390, %mul3A_389 : i32
      %get3A_392 = arith.index_cast %add3A_391 : i32 to index
      %get3A_393 = tpu.vector_load %arg8[%get3A_392] {strides = array<i32>} : memref<12800xi32, #tpu.memory_space<vmem>>, vector<16xi32>,
      %and3A_394 = vector.broadcast %scan3A_59 : i32 to vector<16xi32>
      %and3A_395 = arith.andi %get3A_393, %and3A_394 : vector<16xi32>
      %shift_right_logical3A_396 = arith.constant 16 : i32
      %shift_right_logical3A_397 = vector.broadcast %shift_right_logical3A_396 : i32 to vector<16xi32>
      %shift_right_logical3A_398 = arith.shrui %get3A_393, %shift_right_logical3A_397 : vector<16xi32>
      %shift_right_logical3A_399 = arith.constant 7 : i32
      %shift_right_logical3A_400 = vector.broadcast %shift_right_logical3A_399 : i32 to vector<16xi32>
      %shift_right_logical3A_401 = arith.shrui %and3A_395, %shift_right_logical3A_400 : vector<16xi32>
      %and3A_402 = arith.constant 127 : i32
      %and3A_403 = vector.broadcast %and3A_402 : i32 to vector<16xi32>
      %and3A_404 = arith.andi %and3A_395, %and3A_403 : vector<16xi32>
      %gather3A_405 = tpu.vector_load_idx %arg9[%shift_right_logical3A_401, %and3A_404] : memref<256x128xf32, #tpu.memory_space<vmem>>[vector<16xi32>, vector<16xi32>], vector<16xf32>,
      %mul3A_406 = arith.constant 32 : i32
      %mul3A_407 = arith.muli %scan3A_387, %mul3A_406 : i32
      %add3A_408 = arith.constant 0 : i32
      %add3A_409 = arith.addi %add3A_408, %mul3A_407 : i32
      %add3A_410 = arith.constant 0 : i32
      %add3A_411 = arith.addi %add3A_409, %add3A_410 : i32
      %swap3A_412 = arith.index_cast %add3A_411 : i32 to index
      %swap3A_413 = tpu.vector_load %arg11[%swap3A_412] {strides = array<i32>} : memref<25600xf32, #tpu.memory_space<vmem>>, vector<16xf32>,
      tpu.vector_store %arg11[%swap3A_412], %gather3A_405 {strides = array<i32>} : memref<25600xf32, #tpu.memory_space<vmem>>, vector<16xf32>,
      %shift_right_logical3A_414 = arith.constant 7 : i32
      %shift_right_logical3A_415 = vector.broadcast %shift_right_logical3A_414 : i32 to vector<16xi32>
      %shift_right_logical3A_416 = arith.shrui %shift_right_logical3A_398, %shift_right_logical3A_415 : vector<16xi32>
      %and3A_417 = arith.constant 127 : i32
      %and3A_418 = vector.broadcast %and3A_417 : i32 to vector<16xi32>
      %and3A_419 = arith.andi %shift_right_logical3A_398, %and3A_418 : vector<16xi32>
      %gather3A_420 = tpu.vector_load_idx %arg9[%shift_right_logical3A_416, %and3A_419] : memref<256x128xf32, #tpu.memory_space<vmem>>[vector<16xi32>, vector<16xi32>], vector<16xf32>,
      %mul3A_421 = arith.constant 32 : i32
      %mul3A_422 = arith.muli %scan3A_387, %mul3A_421 : i32
      %add3A_423 = arith.constant 0 : i32
      %add3A_424 = arith.addi %add3A_423, %mul3A_422 : i32
      %add3A_425 = arith.constant 16 : i32
      %add3A_426 = arith.addi %add3A_424, %add3A_425 : i32
      %swap3A_427 = arith.index_cast %add3A_426 : i32 to index
      %swap3A_428 = tpu.vector_load %arg11[%swap3A_427] {strides = array<i32>} : memref<25600xf32, #tpu.memory_space<vmem>>, vector<16xf32>,
      tpu.vector_store %arg11[%swap3A_427], %gather3A_420 {strides = array<i32>} : memref<25600xf32, #tpu.memory_space<vmem>>, vector<16xf32>,
      %scan3A_429 = arith.constant 0 : i32
      %scan3A_430 = arith.constant 6 : i32
      %scan3A_431 = arith.addi %scan3A_171, %scan3A_430 : i32
      %mul3A_432 = arith.constant 16 : i32
      %mul3A_433 = arith.muli %scan3A_431, %mul3A_432 : i32
      %add3A_434 = arith.constant 0 : i32
      %add3A_435 = arith.addi %add3A_434, %mul3A_433 : i32
      %get3A_436 = arith.index_cast %add3A_435 : i32 to index
      %get3A_437 = tpu.vector_load %arg8[%get3A_436] {strides = array<i32>} : memref<12800xi32, #tpu.memory_space<vmem>>, vector<16xi32>,
      %and3A_438 = vector.broadcast %scan3A_59 : i32 to vector<16xi32>
      %and3A_439 = arith.andi %get3A_437, %and3A_438 : vector<16xi32>
      %shift_right_logical3A_440 = arith.constant 16 : i32
      %shift_right_logical3A_441 = vector.broadcast %shift_right_logical3A_440 : i32 to vector<16xi32>
      %shift_right_logical3A_442 = arith.shrui %get3A_437, %shift_right_logical3A_441 : vector<16xi32>
      %shift_right_logical3A_443 = arith.constant 7 : i32
      %shift_right_logical3A_444 = vector.broadcast %shift_right_logical3A_443 : i32 to vector<16xi32>
      %shift_right_logical3A_445 = arith.shrui %and3A_439, %shift_right_logical3A_444 : vector<16xi32>
      %and3A_446 = arith.constant 127 : i32
      %and3A_447 = vector.broadcast %and3A_446 : i32 to vector<16xi32>
      %and3A_448 = arith.andi %and3A_439, %and3A_447 : vector<16xi32>
      %gather3A_449 = tpu.vector_load_idx %arg9[%shift_right_logical3A_445, %and3A_448] : memref<256x128xf32, #tpu.memory_space<vmem>>[vector<16xi32>, vector<16xi32>], vector<16xf32>,
      %mul3A_450 = arith.constant 32 : i32
      %mul3A_451 = arith.muli %scan3A_431, %mul3A_450 : i32
      %add3A_452 = arith.constant 0 : i32
      %add3A_453 = arith.addi %add3A_452, %mul3A_451 : i32
      %add3A_454 = arith.constant 0 : i32
      %add3A_455 = arith.addi %add3A_453, %add3A_454 : i32
      %swap3A_456 = arith.index_cast %add3A_455 : i32 to index
      %swap3A_457 = tpu.vector_load %arg11[%swap3A_456] {strides = array<i32>} : memref<25600xf32, #tpu.memory_space<vmem>>, vector<16xf32>,
      tpu.vector_store %arg11[%swap3A_456], %gather3A_449 {strides = array<i32>} : memref<25600xf32, #tpu.memory_space<vmem>>, vector<16xf32>,
      %shift_right_logical3A_458 = arith.constant 7 : i32
      %shift_right_logical3A_459 = vector.broadcast %shift_right_logical3A_458 : i32 to vector<16xi32>
      %shift_right_logical3A_460 = arith.shrui %shift_right_logical3A_442, %shift_right_logical3A_459 : vector<16xi32>
      %and3A_461 = arith.constant 127 : i32
      %and3A_462 = vector.broadcast %and3A_461 : i32 to vector<16xi32>
      %and3A_463 = arith.andi %shift_right_logical3A_442, %and3A_462 : vector<16xi32>
      %gather3A_464 = tpu.vector_load_idx %arg9[%shift_right_logical3A_460, %and3A_463] : memref<256x128xf32, #tpu.memory_space<vmem>>[vector<16xi32>, vector<16xi32>], vector<16xf32>,
      %mul3A_465 = arith.constant 32 : i32
      %mul3A_466 = arith.muli %scan3A_431, %mul3A_465 : i32
      %add3A_467 = arith.constant 0 : i32
      %add3A_468 = arith.addi %add3A_467, %mul3A_466 : i32
      %add3A_469 = arith.constant 16 : i32
      %add3A_470 = arith.addi %add3A_468, %add3A_469 : i32
      %swap3A_471 = arith.index_cast %add3A_470 : i32 to index
      %swap3A_472 = tpu.vector_load %arg11[%swap3A_471] {strides = array<i32>} : memref<25600xf32, #tpu.memory_space<vmem>>, vector<16xf32>,
      tpu.vector_store %arg11[%swap3A_471], %gather3A_464 {strides = array<i32>} : memref<25600xf32, #tpu.memory_space<vmem>>, vector<16xf32>,
      %scan3A_473 = arith.constant 0 : i32
      %scan3A_474 = arith.constant 7 : i32
      %scan3A_475 = arith.addi %scan3A_171, %scan3A_474 : i32
      %mul3A_476 = arith.constant 16 : i32
      %mul3A_477 = arith.muli %scan3A_475, %mul3A_476 : i32
      %add3A_478 = arith.constant 0 : i32
      %add3A_479 = arith.addi %add3A_478, %mul3A_477 : i32
      %get3A_480 = arith.index_cast %add3A_479 : i32 to index
      %get3A_481 = tpu.vector_load %arg8[%get3A_480] {strides = array<i32>} : memref<12800xi32, #tpu.memory_space<vmem>>, vector<16xi32>,
      %and3A_482 = vector.broadcast %scan3A_59 : i32 to vector<16xi32>
      %and3A_483 = arith.andi %get3A_481, %and3A_482 : vector<16xi32>
      %shift_right_logical3A_484 = arith.constant 16 : i32
      %shift_right_logical3A_485 = vector.broadcast %shift_right_logical3A_484 : i32 to vector<16xi32>
      %shift_right_logical3A_486 = arith.shrui %get3A_481, %shift_right_logical3A_485 : vector<16xi32>
      %shift_right_logical3A_487 = arith.constant 7 : i32
      %shift_right_logical3A_488 = vector.broadcast %shift_right_logical3A_487 : i32 to vector<16xi32>
      %shift_right_logical3A_489 = arith.shrui %and3A_483, %shift_right_logical3A_488 : vector<16xi32>
      %and3A_490 = arith.constant 127 : i32
      %and3A_491 = vector.broadcast %and3A_490 : i32 to vector<16xi32>
      %and3A_492 = arith.andi %and3A_483, %and3A_491 : vector<16xi32>
      %gather3A_493 = tpu.vector_load_idx %arg9[%shift_right_logical3A_489, %and3A_492] : memref<256x128xf32, #tpu.memory_space<vmem>>[vector<16xi32>, vector<16xi32>], vector<16xf32>,
      %mul3A_494 = arith.constant 32 : i32
      %mul3A_495 = arith.muli %scan3A_475, %mul3A_494 : i32
      %add3A_496 = arith.constant 0 : i32
      %add3A_497 = arith.addi %add3A_496, %mul3A_495 : i32
      %add3A_498 = arith.constant 0 : i32
      %add3A_499 = arith.addi %add3A_497, %add3A_498 : i32
      %swap3A_500 = arith.index_cast %add3A_499 : i32 to index
      %swap3A_501 = tpu.vector_load %arg11[%swap3A_500] {strides = array<i32>} : memref<25600xf32, #tpu.memory_space<vmem>>, vector<16xf32>,
      tpu.vector_store %arg11[%swap3A_500], %gather3A_493 {strides = array<i32>} : memref<25600xf32, #tpu.memory_space<vmem>>, vector<16xf32>,
      %shift_right_logical3A_502 = arith.constant 7 : i32
      %shift_right_logical3A_503 = vector.broadcast %shift_right_logical3A_502 : i32 to vector<16xi32>
      %shift_right_logical3A_504 = arith.shrui %shift_right_logical3A_486, %shift_right_logical3A_503 : vector<16xi32>
      %and3A_505 = arith.constant 127 : i32
      %and3A_506 = vector.broadcast %and3A_505 : i32 to vector<16xi32>
      %and3A_507 = arith.andi %shift_right_logical3A_486, %and3A_506 : vector<16xi32>
      %gather3A_508 = tpu.vector_load_idx %arg9[%shift_right_logical3A_504, %and3A_507] : memref<256x128xf32, #tpu.memory_space<vmem>>[vector<16xi32>, vector<16xi32>], vector<16xf32>,
      %mul3A_509 = arith.constant 32 : i32
      %mul3A_510 = arith.muli %scan3A_475, %mul3A_509 : i32
      %add3A_511 = arith.constant 0 : i32
      %add3A_512 = arith.addi %add3A_511, %mul3A_510 : i32
      %add3A_513 = arith.constant 16 : i32
      %add3A_514 = arith.addi %add3A_512, %add3A_513 : i32
      %swap3A_515 = arith.index_cast %add3A_514 : i32 to index
      %swap3A_516 = tpu.vector_load %arg11[%swap3A_515] {strides = array<i32>} : memref<25600xf32, #tpu.memory_space<vmem>>, vector<16xf32>,
      tpu.vector_store %arg11[%swap3A_515], %gather3A_508 {strides = array<i32>} : memref<25600xf32, #tpu.memory_space<vmem>>, vector<16xf32>,
      %scan3A_517 = arith.constant 0 : i32
      scf.yield %scan3A_517 : i32
    }
    %scan3A_66 = arith.constant 200 : i32
    %dma_start3A_67 = arith.constant 0 : i32
    %dma_start3A_68 = arith.constant 0 : i32
    %dma_start3A_69 = tpu.memref_slice %arg9[%dma_start3A_67, %dma_start3A_68] : memref<256x128xf32, #tpu.memory_space<vmem>> -> memref<128x128xf32, #tpu.memory_space<vmem>>
    %dma_start3A_70 = arith.constant 256 : i32
    %dma_start3A_71 = tpu.memref_slice %arg6[%dma_start3A_70] : memref<512xi32, #tpu.memory_space<vmem>> -> memref<128xi32, #tpu.memory_space<vmem>>
    %dma_start3A_72 = arith.constant 0 : i32
    %dma_start3A_73 = arith.constant 0 : i32
    %dma_start3A_74 = tpu.memref_slice %arg2[%dma_start3A_72, %dma_start3A_73] : memref<25856x128xf32, #tpu.memory_space<hbm>> -> memref<25856x128xf32, #tpu.memory_space<hbm>>
    tpu.enqueue_indirect_dma source(%dma_start3A_74 : memref<25856x128xf32, #tpu.memory_space<hbm>>) target(%dma_start3A_69 : memref<128x128xf32, #tpu.memory_space<vmem>>) offsets(%dma_start3A_71 : memref<128xi32, #tpu.memory_space<vmem>>) semaphore(%arg12 : memref<!tpu.dma_semaphore, #tpu.memory_space<semaphore_mem>>)
    %dma_start3A_75 = arith.constant 128 : i32
    %dma_start3A_76 = arith.constant 0 : i32
    %dma_start3A_77 = tpu.memref_slice %arg9[%dma_start3A_75, %dma_start3A_76] : memref<256x128xf32, #tpu.memory_space<vmem>> -> memref<128x128xf32, #tpu.memory_space<vmem>>
    %dma_start3A_78 = arith.constant 256 : i32
    %dma_start3A_79 = tpu.memref_slice %arg7[%dma_start3A_78] : memref<512xi32, #tpu.memory_space<vmem>> -> memref<128xi32, #tpu.memory_space<vmem>>
    %dma_start3A_80 = arith.constant 0 : i32
    %dma_start3A_81 = arith.constant 0 : i32
    %dma_start3A_82 = tpu.memref_slice %arg2[%dma_start3A_80, %dma_start3A_81] : memref<25856x128xf32, #tpu.memory_space<hbm>> -> memref<25856x128xf32, #tpu.memory_space<hbm>>
    tpu.enqueue_indirect_dma source(%dma_start3A_82 : memref<25856x128xf32, #tpu.memory_space<hbm>>) target(%dma_start3A_77 : memref<128x128xf32, #tpu.memory_space<vmem>>) offsets(%dma_start3A_79 : memref<128xi32, #tpu.memory_space<vmem>>) semaphore(%arg12 : memref<!tpu.dma_semaphore, #tpu.memory_space<semaphore_mem>>)
    %dma_wait3A_83 = arith.constant 0 : i32
    %dma_wait3A_84 = arith.constant 0 : i32
    %dma_wait3A_85 = tpu.memref_slice %arg10[%dma_wait3A_83, %dma_wait3A_84] : memref<256x128xf32, #tpu.memory_space<vmem>> -> memref<128x128xf32, #tpu.memory_space<vmem>>
    %dma_wait3A_86 = arith.constant 128 : i32
    %dma_wait3A_87 = tpu.memref_slice %arg6[%dma_wait3A_86] : memref<512xi32, #tpu.memory_space<vmem>> -> memref<128xi32, #tpu.memory_space<vmem>>
    %dma_wait3A_88 = arith.constant 0 : i32
    %dma_wait3A_89 = arith.constant 0 : i32
    %dma_wait3A_90 = tpu.memref_slice %arg2[%dma_wait3A_88, %dma_wait3A_89] : memref<25856x128xf32, #tpu.memory_space<hbm>> -> memref<25856x128xf32, #tpu.memory_space<hbm>>
    tpu.wait_indirect_dma semaphore(%arg13 : memref<!tpu.dma_semaphore, #tpu.memory_space<semaphore_mem>>) src(%dma_wait3A_90 : memref<25856x128xf32, #tpu.memory_space<hbm>>) dst(%dma_wait3A_85 : memref<128x128xf32, #tpu.memory_space<vmem>>)
    %dma_wait3A_91 = arith.constant 128 : i32
    %dma_wait3A_92 = arith.constant 0 : i32
    %dma_wait3A_93 = tpu.memref_slice %arg10[%dma_wait3A_91, %dma_wait3A_92] : memref<256x128xf32, #tpu.memory_space<vmem>> -> memref<128x128xf32, #tpu.memory_space<vmem>>
    %dma_wait3A_94 = arith.constant 128 : i32
    %dma_wait3A_95 = tpu.memref_slice %arg7[%dma_wait3A_94] : memref<512xi32, #tpu.memory_space<vmem>> -> memref<128xi32, #tpu.memory_space<vmem>>
    %dma_wait3A_96 = arith.constant 0 : i32
    %dma_wait3A_97 = arith.constant 0 : i32
    %dma_wait3A_98 = tpu.memref_slice %arg2[%dma_wait3A_96, %dma_wait3A_97] : memref<25856x128xf32, #tpu.memory_space<hbm>> -> memref<25856x128xf32, #tpu.memory_space<hbm>>
    tpu.wait_indirect_dma semaphore(%arg13 : memref<!tpu.dma_semaphore, #tpu.memory_space<semaphore_mem>>) src(%dma_wait3A_98 : memref<25856x128xf32, #tpu.memory_space<hbm>>) dst(%dma_wait3A_93 : memref<128x128xf32, #tpu.memory_space<vmem>>)
    %scan3A_99 = arith.constant 65535 : i32
    %scan3A_100 = arith.constant 0 : i32
    %scan3A_101 = arith.constant 0 : i32
    %scan3A_102 = arith.constant 200 : i32
    %scan3A_103 = arith.addi %scan3A_101, %scan3A_102 : i32
    %scan3A_104 = arith.constant 8 : i32
    %scan3A_105 = scf.for %scan3A_171 = %scan3A_101 to %scan3A_103 step %scan3A_104 iter_args(%scan3A_172 = %scan3A_100) -> (i32)  : i32 {
      %mul3A_173 = arith.constant 16 : i32
      %mul3A_174 = arith.muli %scan3A_171, %mul3A_173 : i32
      %add3A_175 = arith.constant 3200 : i32
      %add3A_176 = arith.addi %add3A_175, %mul3A_174 : i32
      %get3A = arith.index_cast %add3A_176 : i32 to index
      %get3A_177 = tpu.vector_load %arg8[%get3A] {strides = array<i32>} : memref<12800xi32, #tpu.memory_space<vmem>>, vector<16xi32>,
      %and3A = vector.broadcast %scan3A_99 : i32 to vector<16xi32>
      %and3A_178 = arith.andi %get3A_177, %and3A : vector<16xi32>
      %shift_right_logical3A = arith.constant 16 : i32
      %shift_right_logical3A_179 = vector.broadcast %shift_right_logical3A : i32 to vector<16xi32>
      %shift_right_logical3A_180 = arith.shrui %get3A_177, %shift_right_logical3A_179 : vector<16xi32>
      %shift_right_logical3A_181 = arith.constant 7 : i32
      %shift_right_logical3A_182 = vector.broadcast %shift_right_logical3A_181 : i32 to vector<16xi32>
      %shift_right_logical3A_183 = arith.shrui %and3A_178, %shift_right_logical3A_182 : vector<16xi32>
      %and3A_184 = arith.constant 127 : i32
      %and3A_185 = vector.broadcast %and3A_184 : i32 to vector<16xi32>
      %and3A_186 = arith.andi %and3A_178, %and3A_185 : vector<16xi32>
      %gather3A = tpu.vector_load_idx %arg10[%shift_right_logical3A_183, %and3A_186] : memref<256x128xf32, #tpu.memory_space<vmem>>[vector<16xi32>, vector<16xi32>], vector<16xf32>,
      %mul3A_187 = arith.constant 32 : i32
      %mul3A_188 = arith.muli %scan3A_171, %mul3A_187 : i32
      %add3A_189 = arith.constant 6400 : i32
      %add3A_190 = arith.addi %add3A_189, %mul3A_188 : i32
      %add3A_191 = arith.constant 0 : i32
      %add3A_192 = arith.addi %add3A_190, %add3A_191 : i32
      %swap3A = arith.index_cast %add3A_192 : i32 to index
      %swap3A_193 = tpu.vector_load %arg11[%swap3A] {strides = array<i32>} : memref<25600xf32, #tpu.memory_space<vmem>>, vector<16xf32>,
      tpu.vector_store %arg11[%swap3A], %gather3A {strides = array<i32>} : memref<25600xf32, #tpu.memory_space<vmem>>, vector<16xf32>,
      %shift_right_logical3A_194 = arith.constant 7 : i32
      %shift_right_logical3A_195 = vector.broadcast %shift_right_logical3A_194 : i32 to vector<16xi32>
      %shift_right_logical3A_196 = arith.shrui %shift_right_logical3A_180, %shift_right_logical3A_195 : vector<16xi32>
      %and3A_197 = arith.constant 127 : i32
      %and3A_198 = vector.broadcast %and3A_197 : i32 to vector<16xi32>
      %and3A_199 = arith.andi %shift_right_logical3A_180, %and3A_198 : vector<16xi32>
      %gather3A_200 = tpu.vector_load_idx %arg10[%shift_right_logical3A_196, %and3A_199] : memref<256x128xf32, #tpu.memory_space<vmem>>[vector<16xi32>, vector<16xi32>], vector<16xf32>,
      %mul3A_201 = arith.constant 32 : i32
      %mul3A_202 = arith.muli %scan3A_171, %mul3A_201 : i32
      %add3A_203 = arith.constant 6400 : i32
      %add3A_204 = arith.addi %add3A_203, %mul3A_202 : i32
      %add3A_205 = arith.constant 16 : i32
      %add3A_206 = arith.addi %add3A_204, %add3A_205 : i32
      %swap3A_207 = arith.index_cast %add3A_206 : i32 to index
      %swap3A_208 = tpu.vector_load %arg11[%swap3A_207] {strides = array<i32>} : memref<25600xf32, #tpu.memory_space<vmem>>, vector<16xf32>,
      tpu.vector_store %arg11[%swap3A_207], %gather3A_200 {strides = array<i32>} : memref<25600xf32, #tpu.memory_space<vmem>>, vector<16xf32>,
      %scan3A_209 = arith.constant 0 : i32
      %scan3A_210 = arith.constant 1 : i32
      %scan3A_211 = arith.addi %scan3A_171, %scan3A_210 : i32
      %mul3A_212 = arith.constant 16 : i32
      %mul3A_213 = arith.muli %scan3A_211, %mul3A_212 : i32
      %add3A_214 = arith.constant 3200 : i32
      %add3A_215 = arith.addi %add3A_214, %mul3A_213 : i32
      %get3A_216 = arith.index_cast %add3A_215 : i32 to index
      %get3A_217 = tpu.vector_load %arg8[%get3A_216] {strides = array<i32>} : memref<12800xi32, #tpu.memory_space<vmem>>, vector<16xi32>,
      %and3A_218 = vector.broadcast %scan3A_99 : i32 to vector<16xi32>
      %and3A_219 = arith.andi %get3A_217, %and3A_218 : vector<16xi32>
      %shift_right_logical3A_220 = arith.constant 16 : i32
      %shift_right_logical3A_221 = vector.broadcast %shift_right_logical3A_220 : i32 to vector<16xi32>
      %shift_right_logical3A_222 = arith.shrui %get3A_217, %shift_right_logical3A_221 : vector<16xi32>
      %shift_right_logical3A_223 = arith.constant 7 : i32
      %shift_right_logical3A_224 = vector.broadcast %shift_right_logical3A_223 : i32 to vector<16xi32>
      %shift_right_logical3A_225 = arith.shrui %and3A_219, %shift_right_logical3A_224 : vector<16xi32>
      %and3A_226 = arith.constant 127 : i32
      %and3A_227 = vector.broadcast %and3A_226 : i32 to vector<16xi32>
      %and3A_228 = arith.andi %and3A_219, %and3A_227 : vector<16xi32>
      %gather3A_229 = tpu.vector_load_idx %arg10[%shift_right_logical3A_225, %and3A_228] : memref<256x128xf32, #tpu.memory_space<vmem>>[vector<16xi32>, vector<16xi32>], vector<16xf32>,
      %mul3A_230 = arith.constant 32 : i32
      %mul3A_231 = arith.muli %scan3A_211, %mul3A_230 : i32
      %add3A_232 = arith.constant 6400 : i32
      %add3A_233 = arith.addi %add3A_232, %mul3A_231 : i32
      %add3A_234 = arith.constant 0 : i32
      %add3A_235 = arith.addi %add3A_233, %add3A_234 : i32
      %swap3A_236 = arith.index_cast %add3A_235 : i32 to index
      %swap3A_237 = tpu.vector_load %arg11[%swap3A_236] {strides = array<i32>} : memref<25600xf32, #tpu.memory_space<vmem>>, vector<16xf32>,
      tpu.vector_store %arg11[%swap3A_236], %gather3A_229 {strides = array<i32>} : memref<25600xf32, #tpu.memory_space<vmem>>, vector<16xf32>,
      %shift_right_logical3A_238 = arith.constant 7 : i32
      %shift_right_logical3A_239 = vector.broadcast %shift_right_logical3A_238 : i32 to vector<16xi32>
      %shift_right_logical3A_240 = arith.shrui %shift_right_logical3A_222, %shift_right_logical3A_239 : vector<16xi32>
      %and3A_241 = arith.constant 127 : i32
      %and3A_242 = vector.broadcast %and3A_241 : i32 to vector<16xi32>
      %and3A_243 = arith.andi %shift_right_logical3A_222, %and3A_242 : vector<16xi32>
      %gather3A_244 = tpu.vector_load_idx %arg10[%shift_right_logical3A_240, %and3A_243] : memref<256x128xf32, #tpu.memory_space<vmem>>[vector<16xi32>, vector<16xi32>], vector<16xf32>,
      %mul3A_245 = arith.constant 32 : i32
      %mul3A_246 = arith.muli %scan3A_211, %mul3A_245 : i32
      %add3A_247 = arith.constant 6400 : i32
      %add3A_248 = arith.addi %add3A_247, %mul3A_246 : i32
      %add3A_249 = arith.constant 16 : i32
      %add3A_250 = arith.addi %add3A_248, %add3A_249 : i32
      %swap3A_251 = arith.index_cast %add3A_250 : i32 to index
      %swap3A_252 = tpu.vector_load %arg11[%swap3A_251] {strides = array<i32>} : memref<25600xf32, #tpu.memory_space<vmem>>, vector<16xf32>,
      tpu.vector_store %arg11[%swap3A_251], %gather3A_244 {strides = array<i32>} : memref<25600xf32, #tpu.memory_space<vmem>>, vector<16xf32>,
      %scan3A_253 = arith.constant 0 : i32
      %scan3A_254 = arith.constant 2 : i32
      %scan3A_255 = arith.addi %scan3A_171, %scan3A_254 : i32
      %mul3A_256 = arith.constant 16 : i32
      %mul3A_257 = arith.muli %scan3A_255, %mul3A_256 : i32
      %add3A_258 = arith.constant 3200 : i32
      %add3A_259 = arith.addi %add3A_258, %mul3A_257 : i32
      %get3A_260 = arith.index_cast %add3A_259 : i32 to index
      %get3A_261 = tpu.vector_load %arg8[%get3A_260] {strides = array<i32>} : memref<12800xi32, #tpu.memory_space<vmem>>, vector<16xi32>,
      %and3A_262 = vector.broadcast %scan3A_99 : i32 to vector<16xi32>
      %and3A_263 = arith.andi %get3A_261, %and3A_262 : vector<16xi32>
      %shift_right_logical3A_264 = arith.constant 16 : i32
      %shift_right_logical3A_265 = vector.broadcast %shift_right_logical3A_264 : i32 to vector<16xi32>
      %shift_right_logical3A_266 = arith.shrui %get3A_261, %shift_right_logical3A_265 : vector<16xi32>
      %shift_right_logical3A_267 = arith.constant 7 : i32
      %shift_right_logical3A_268 = vector.broadcast %shift_right_logical3A_267 : i32 to vector<16xi32>
      %shift_right_logical3A_269 = arith.shrui %and3A_263, %shift_right_logical3A_268 : vector<16xi32>
      %and3A_270 = arith.constant 127 : i32
      %and3A_271 = vector.broadcast %and3A_270 : i32 to vector<16xi32>
      %and3A_272 = arith.andi %and3A_263, %and3A_271 : vector<16xi32>
      %gather3A_273 = tpu.vector_load_idx %arg10[%shift_right_logical3A_269, %and3A_272] : memref<256x128xf32, #tpu.memory_space<vmem>>[vector<16xi32>, vector<16xi32>], vector<16xf32>,
      %mul3A_274 = arith.constant 32 : i32
      %mul3A_275 = arith.muli %scan3A_255, %mul3A_274 : i32
      %add3A_276 = arith.constant 6400 : i32
      %add3A_277 = arith.addi %add3A_276, %mul3A_275 : i32
      %add3A_278 = arith.constant 0 : i32
      %add3A_279 = arith.addi %add3A_277, %add3A_278 : i32
      %swap3A_280 = arith.index_cast %add3A_279 : i32 to index
      %swap3A_281 = tpu.vector_load %arg11[%swap3A_280] {strides = array<i32>} : memref<25600xf32, #tpu.memory_space<vmem>>, vector<16xf32>,
      tpu.vector_store %arg11[%swap3A_280], %gather3A_273 {strides = array<i32>} : memref<25600xf32, #tpu.memory_space<vmem>>, vector<16xf32>,
      %shift_right_logical3A_282 = arith.constant 7 : i32
      %shift_right_logical3A_283 = vector.broadcast %shift_right_logical3A_282 : i32 to vector<16xi32>
      %shift_right_logical3A_284 = arith.shrui %shift_right_logical3A_266, %shift_right_logical3A_283 : vector<16xi32>
      %and3A_285 = arith.constant 127 : i32
      %and3A_286 = vector.broadcast %and3A_285 : i32 to vector<16xi32>
      %and3A_287 = arith.andi %shift_right_logical3A_266, %and3A_286 : vector<16xi32>
      %gather3A_288 = tpu.vector_load_idx %arg10[%shift_right_logical3A_284, %and3A_287] : memref<256x128xf32, #tpu.memory_space<vmem>>[vector<16xi32>, vector<16xi32>], vector<16xf32>,
      %mul3A_289 = arith.constant 32 : i32
      %mul3A_290 = arith.muli %scan3A_255, %mul3A_289 : i32
      %add3A_291 = arith.constant 6400 : i32
      %add3A_292 = arith.addi %add3A_291, %mul3A_290 : i32
      %add3A_293 = arith.constant 16 : i32
      %add3A_294 = arith.addi %add3A_292, %add3A_293 : i32
      %swap3A_295 = arith.index_cast %add3A_294 : i32 to index
      %swap3A_296 = tpu.vector_load %arg11[%swap3A_295] {strides = array<i32>} : memref<25600xf32, #tpu.memory_space<vmem>>, vector<16xf32>,
      tpu.vector_store %arg11[%swap3A_295], %gather3A_288 {strides = array<i32>} : memref<25600xf32, #tpu.memory_space<vmem>>, vector<16xf32>,
      %scan3A_297 = arith.constant 0 : i32
      %scan3A_298 = arith.constant 3 : i32
      %scan3A_299 = arith.addi %scan3A_171, %scan3A_298 : i32
      %mul3A_300 = arith.constant 16 : i32
      %mul3A_301 = arith.muli %scan3A_299, %mul3A_300 : i32
      %add3A_302 = arith.constant 3200 : i32
      %add3A_303 = arith.addi %add3A_302, %mul3A_301 : i32
      %get3A_304 = arith.index_cast %add3A_303 : i32 to index
      %get3A_305 = tpu.vector_load %arg8[%get3A_304] {strides = array<i32>} : memref<12800xi32, #tpu.memory_space<vmem>>, vector<16xi32>,
      %and3A_306 = vector.broadcast %scan3A_99 : i32 to vector<16xi32>
      %and3A_307 = arith.andi %get3A_305, %and3A_306 : vector<16xi32>
      %shift_right_logical3A_308 = arith.constant 16 : i32
      %shift_right_logical3A_309 = vector.broadcast %shift_right_logical3A_308 : i32 to vector<16xi32>
      %shift_right_logical3A_310 = arith.shrui %get3A_305, %shift_right_logical3A_309 : vector<16xi32>
      %shift_right_logical3A_311 = arith.constant 7 : i32
      %shift_right_logical3A_312 = vector.broadcast %shift_right_logical3A_311 : i32 to vector<16xi32>
      %shift_right_logical3A_313 = arith.shrui %and3A_307, %shift_right_logical3A_312 : vector<16xi32>
      %and3A_314 = arith.constant 127 : i32
      %and3A_315 = vector.broadcast %and3A_314 : i32 to vector<16xi32>
      %and3A_316 = arith.andi %and3A_307, %and3A_315 : vector<16xi32>
      %gather3A_317 = tpu.vector_load_idx %arg10[%shift_right_logical3A_313, %and3A_316] : memref<256x128xf32, #tpu.memory_space<vmem>>[vector<16xi32>, vector<16xi32>], vector<16xf32>,
      %mul3A_318 = arith.constant 32 : i32
      %mul3A_319 = arith.muli %scan3A_299, %mul3A_318 : i32
      %add3A_320 = arith.constant 6400 : i32
      %add3A_321 = arith.addi %add3A_320, %mul3A_319 : i32
      %add3A_322 = arith.constant 0 : i32
      %add3A_323 = arith.addi %add3A_321, %add3A_322 : i32
      %swap3A_324 = arith.index_cast %add3A_323 : i32 to index
      %swap3A_325 = tpu.vector_load %arg11[%swap3A_324] {strides = array<i32>} : memref<25600xf32, #tpu.memory_space<vmem>>, vector<16xf32>,
      tpu.vector_store %arg11[%swap3A_324], %gather3A_317 {strides = array<i32>} : memref<25600xf32, #tpu.memory_space<vmem>>, vector<16xf32>,
      %shift_right_logical3A_326 = arith.constant 7 : i32
      %shift_right_logical3A_327 = vector.broadcast %shift_right_logical3A_326 : i32 to vector<16xi32>
      %shift_right_logical3A_328 = arith.shrui %shift_right_logical3A_310, %shift_right_logical3A_327 : vector<16xi32>
      %and3A_329 = arith.constant 127 : i32
      %and3A_330 = vector.broadcast %and3A_329 : i32 to vector<16xi32>
      %and3A_331 = arith.andi %shift_right_logical3A_310, %and3A_330 : vector<16xi32>
      %gather3A_332 = tpu.vector_load_idx %arg10[%shift_right_logical3A_328, %and3A_331] : memref<256x128xf32, #tpu.memory_space<vmem>>[vector<16xi32>, vector<16xi32>], vector<16xf32>,
      %mul3A_333 = arith.constant 32 : i32
      %mul3A_334 = arith.muli %scan3A_299, %mul3A_333 : i32
      %add3A_335 = arith.constant 6400 : i32
      %add3A_336 = arith.addi %add3A_335, %mul3A_334 : i32
      %add3A_337 = arith.constant 16 : i32
      %add3A_338 = arith.addi %add3A_336, %add3A_337 : i32
      %swap3A_339 = arith.index_cast %add3A_338 : i32 to index
      %swap3A_340 = tpu.vector_load %arg11[%swap3A_339] {strides = array<i32>} : memref<25600xf32, #tpu.memory_space<vmem>>, vector<16xf32>,
      tpu.vector_store %arg11[%swap3A_339], %gather3A_332 {strides = array<i32>} : memref<25600xf32, #tpu.memory_space<vmem>>, vector<16xf32>,
      %scan3A_341 = arith.constant 0 : i32
      %scan3A_342 = arith.constant 4 : i32
      %scan3A_343 = arith.addi %scan3A_171, %scan3A_342 : i32
      %mul3A_344 = arith.constant 16 : i32
      %mul3A_345 = arith.muli %scan3A_343, %mul3A_344 : i32
      %add3A_346 = arith.constant 3200 : i32
      %add3A_347 = arith.addi %add3A_346, %mul3A_345 : i32
      %get3A_348 = arith.index_cast %add3A_347 : i32 to index
      %get3A_349 = tpu.vector_load %arg8[%get3A_348] {strides = array<i32>} : memref<12800xi32, #tpu.memory_space<vmem>>, vector<16xi32>,
      %and3A_350 = vector.broadcast %scan3A_99 : i32 to vector<16xi32>
      %and3A_351 = arith.andi %get3A_349, %and3A_350 : vector<16xi32>
      %shift_right_logical3A_352 = arith.constant 16 : i32
      %shift_right_logical3A_353 = vector.broadcast %shift_right_logical3A_352 : i32 to vector<16xi32>
      %shift_right_logical3A_354 = arith.shrui %get3A_349, %shift_right_logical3A_353 : vector<16xi32>
      %shift_right_logical3A_355 = arith.constant 7 : i32
      %shift_right_logical3A_356 = vector.broadcast %shift_right_logical3A_355 : i32 to vector<16xi32>
      %shift_right_logical3A_357 = arith.shrui %and3A_351, %shift_right_logical3A_356 : vector<16xi32>
      %and3A_358 = arith.constant 127 : i32
      %and3A_359 = vector.broadcast %and3A_358 : i32 to vector<16xi32>
      %and3A_360 = arith.andi %and3A_351, %and3A_359 : vector<16xi32>
      %gather3A_361 = tpu.vector_load_idx %arg10[%shift_right_logical3A_357, %and3A_360] : memref<256x128xf32, #tpu.memory_space<vmem>>[vector<16xi32>, vector<16xi32>], vector<16xf32>,
      %mul3A_362 = arith.constant 32 : i32
      %mul3A_363 = arith.muli %scan3A_343, %mul3A_362 : i32
      %add3A_364 = arith.constant 6400 : i32
      %add3A_365 = arith.addi %add3A_364, %mul3A_363 : i32
      %add3A_366 = arith.constant 0 : i32
      %add3A_367 = arith.addi %add3A_365, %add3A_366 : i32
      %swap3A_368 = arith.index_cast %add3A_367 : i32 to index
      %swap3A_369 = tpu.vector_load %arg11[%swap3A_368] {strides = array<i32>} : memref<25600xf32, #tpu.memory_space<vmem>>, vector<16xf32>,
      tpu.vector_store %arg11[%swap3A_368], %gather3A_361 {strides = array<i32>} : memref<25600xf32, #tpu.memory_space<vmem>>, vector<16xf32>,
      %shift_right_logical3A_370 = arith.constant 7 : i32
      %shift_right_logical3A_371 = vector.broadcast %shift_right_logical3A_370 : i32 to vector<16xi32>
      %shift_right_logical3A_372 = arith.shrui %shift_right_logical3A_354, %shift_right_logical3A_371 : vector<16xi32>
      %and3A_373 = arith.constant 127 : i32
      %and3A_374 = vector.broadcast %and3A_373 : i32 to vector<16xi32>
      %and3A_375 = arith.andi %shift_right_logical3A_354, %and3A_374 : vector<16xi32>
      %gather3A_376 = tpu.vector_load_idx %arg10[%shift_right_logical3A_372, %and3A_375] : memref<256x128xf32, #tpu.memory_space<vmem>>[vector<16xi32>, vector<16xi32>], vector<16xf32>,
      %mul3A_377 = arith.constant 32 : i32
      %mul3A_378 = arith.muli %scan3A_343, %mul3A_377 : i32
      %add3A_379 = arith.constant 6400 : i32
      %add3A_380 = arith.addi %add3A_379, %mul3A_378 : i32
      %add3A_381 = arith.constant 16 : i32
      %add3A_382 = arith.addi %add3A_380, %add3A_381 : i32
      %swap3A_383 = arith.index_cast %add3A_382 : i32 to index
      %swap3A_384 = tpu.vector_load %arg11[%swap3A_383] {strides = array<i32>} : memref<25600xf32, #tpu.memory_space<vmem>>, vector<16xf32>,
      tpu.vector_store %arg11[%swap3A_383], %gather3A_376 {strides = array<i32>} : memref<25600xf32, #tpu.memory_space<vmem>>, vector<16xf32>,
      %scan3A_385 = arith.constant 0 : i32
      %scan3A_386 = arith.constant 5 : i32
      %scan3A_387 = arith.addi %scan3A_171, %scan3A_386 : i32
      %mul3A_388 = arith.constant 16 : i32
      %mul3A_389 = arith.muli %scan3A_387, %mul3A_388 : i32
      %add3A_390 = arith.constant 3200 : i32
      %add3A_391 = arith.addi %add3A_390, %mul3A_389 : i32
      %get3A_392 = arith.index_cast %add3A_391 : i32 to index
      %get3A_393 = tpu.vector_load %arg8[%get3A_392] {strides = array<i32>} : memref<12800xi32, #tpu.memory_space<vmem>>, vector<16xi32>,
      %and3A_394 = vector.broadcast %scan3A_99 : i32 to vector<16xi32>
      %and3A_395 = arith.andi %get3A_393, %and3A_394 : vector<16xi32>
      %shift_right_logical3A_396 = arith.constant 16 : i32
      %shift_right_logical3A_397 = vector.broadcast %shift_right_logical3A_396 : i32 to vector<16xi32>
      %shift_right_logical3A_398 = arith.shrui %get3A_393, %shift_right_logical3A_397 : vector<16xi32>
      %shift_right_logical3A_399 = arith.constant 7 : i32
      %shift_right_logical3A_400 = vector.broadcast %shift_right_logical3A_399 : i32 to vector<16xi32>
      %shift_right_logical3A_401 = arith.shrui %and3A_395, %shift_right_logical3A_400 : vector<16xi32>
      %and3A_402 = arith.constant 127 : i32
      %and3A_403 = vector.broadcast %and3A_402 : i32 to vector<16xi32>
      %and3A_404 = arith.andi %and3A_395, %and3A_403 : vector<16xi32>
      %gather3A_405 = tpu.vector_load_idx %arg10[%shift_right_logical3A_401, %and3A_404] : memref<256x128xf32, #tpu.memory_space<vmem>>[vector<16xi32>, vector<16xi32>], vector<16xf32>,
      %mul3A_406 = arith.constant 32 : i32
      %mul3A_407 = arith.muli %scan3A_387, %mul3A_406 : i32
      %add3A_408 = arith.constant 6400 : i32
      %add3A_409 = arith.addi %add3A_408, %mul3A_407 : i32
      %add3A_410 = arith.constant 0 : i32
      %add3A_411 = arith.addi %add3A_409, %add3A_410 : i32
      %swap3A_412 = arith.index_cast %add3A_411 : i32 to index
      %swap3A_413 = tpu.vector_load %arg11[%swap3A_412] {strides = array<i32>} : memref<25600xf32, #tpu.memory_space<vmem>>, vector<16xf32>,
      tpu.vector_store %arg11[%swap3A_412], %gather3A_405 {strides = array<i32>} : memref<25600xf32, #tpu.memory_space<vmem>>, vector<16xf32>,
      %shift_right_logical3A_414 = arith.constant 7 : i32
      %shift_right_logical3A_415 = vector.broadcast %shift_right_logical3A_414 : i32 to vector<16xi32>
      %shift_right_logical3A_416 = arith.shrui %shift_right_logical3A_398, %shift_right_logical3A_415 : vector<16xi32>
      %and3A_417 = arith.constant 127 : i32
      %and3A_418 = vector.broadcast %and3A_417 : i32 to vector<16xi32>
      %and3A_419 = arith.andi %shift_right_logical3A_398, %and3A_418 : vector<16xi32>
      %gather3A_420 = tpu.vector_load_idx %arg10[%shift_right_logical3A_416, %and3A_419] : memref<256x128xf32, #tpu.memory_space<vmem>>[vector<16xi32>, vector<16xi32>], vector<16xf32>,
      %mul3A_421 = arith.constant 32 : i32
      %mul3A_422 = arith.muli %scan3A_387, %mul3A_421 : i32
      %add3A_423 = arith.constant 6400 : i32
      %add3A_424 = arith.addi %add3A_423, %mul3A_422 : i32
      %add3A_425 = arith.constant 16 : i32
      %add3A_426 = arith.addi %add3A_424, %add3A_425 : i32
      %swap3A_427 = arith.index_cast %add3A_426 : i32 to index
      %swap3A_428 = tpu.vector_load %arg11[%swap3A_427] {strides = array<i32>} : memref<25600xf32, #tpu.memory_space<vmem>>, vector<16xf32>,
      tpu.vector_store %arg11[%swap3A_427], %gather3A_420 {strides = array<i32>} : memref<25600xf32, #tpu.memory_space<vmem>>, vector<16xf32>,
      %scan3A_429 = arith.constant 0 : i32
      %scan3A_430 = arith.constant 6 : i32
      %scan3A_431 = arith.addi %scan3A_171, %scan3A_430 : i32
      %mul3A_432 = arith.constant 16 : i32
      %mul3A_433 = arith.muli %scan3A_431, %mul3A_432 : i32
      %add3A_434 = arith.constant 3200 : i32
      %add3A_435 = arith.addi %add3A_434, %mul3A_433 : i32
      %get3A_436 = arith.index_cast %add3A_435 : i32 to index
      %get3A_437 = tpu.vector_load %arg8[%get3A_436] {strides = array<i32>} : memref<12800xi32, #tpu.memory_space<vmem>>, vector<16xi32>,
      %and3A_438 = vector.broadcast %scan3A_99 : i32 to vector<16xi32>
      %and3A_439 = arith.andi %get3A_437, %and3A_438 : vector<16xi32>
      %shift_right_logical3A_440 = arith.constant 16 : i32
      %shift_right_logical3A_441 = vector.broadcast %shift_right_logical3A_440 : i32 to vector<16xi32>
      %shift_right_logical3A_442 = arith.shrui %get3A_437, %shift_right_logical3A_441 : vector<16xi32>
      %shift_right_logical3A_443 = arith.constant 7 : i32
      %shift_right_logical3A_444 = vector.broadcast %shift_right_logical3A_443 : i32 to vector<16xi32>
      %shift_right_logical3A_445 = arith.shrui %and3A_439, %shift_right_logical3A_444 : vector<16xi32>
      %and3A_446 = arith.constant 127 : i32
      %and3A_447 = vector.broadcast %and3A_446 : i32 to vector<16xi32>
      %and3A_448 = arith.andi %and3A_439, %and3A_447 : vector<16xi32>
      %gather3A_449 = tpu.vector_load_idx %arg10[%shift_right_logical3A_445, %and3A_448] : memref<256x128xf32, #tpu.memory_space<vmem>>[vector<16xi32>, vector<16xi32>], vector<16xf32>,
      %mul3A_450 = arith.constant 32 : i32
      %mul3A_451 = arith.muli %scan3A_431, %mul3A_450 : i32
      %add3A_452 = arith.constant 6400 : i32
      %add3A_453 = arith.addi %add3A_452, %mul3A_451 : i32
      %add3A_454 = arith.constant 0 : i32
      %add3A_455 = arith.addi %add3A_453, %add3A_454 : i32
      %swap3A_456 = arith.index_cast %add3A_455 : i32 to index
      %swap3A_457 = tpu.vector_load %arg11[%swap3A_456] {strides = array<i32>} : memref<25600xf32, #tpu.memory_space<vmem>>, vector<16xf32>,
      tpu.vector_store %arg11[%swap3A_456], %gather3A_449 {strides = array<i32>} : memref<25600xf32, #tpu.memory_space<vmem>>, vector<16xf32>,
      %shift_right_logical3A_458 = arith.constant 7 : i32
      %shift_right_logical3A_459 = vector.broadcast %shift_right_logical3A_458 : i32 to vector<16xi32>
      %shift_right_logical3A_460 = arith.shrui %shift_right_logical3A_442, %shift_right_logical3A_459 : vector<16xi32>
      %and3A_461 = arith.constant 127 : i32
      %and3A_462 = vector.broadcast %and3A_461 : i32 to vector<16xi32>
      %and3A_463 = arith.andi %shift_right_logical3A_442, %and3A_462 : vector<16xi32>
      %gather3A_464 = tpu.vector_load_idx %arg10[%shift_right_logical3A_460, %and3A_463] : memref<256x128xf32, #tpu.memory_space<vmem>>[vector<16xi32>, vector<16xi32>], vector<16xf32>,
      %mul3A_465 = arith.constant 32 : i32
      %mul3A_466 = arith.muli %scan3A_431, %mul3A_465 : i32
      %add3A_467 = arith.constant 6400 : i32
      %add3A_468 = arith.addi %add3A_467, %mul3A_466 : i32
      %add3A_469 = arith.constant 16 : i32
      %add3A_470 = arith.addi %add3A_468, %add3A_469 : i32
      %swap3A_471 = arith.index_cast %add3A_470 : i32 to index
      %swap3A_472 = tpu.vector_load %arg11[%swap3A_471] {strides = array<i32>} : memref<25600xf32, #tpu.memory_space<vmem>>, vector<16xf32>,
      tpu.vector_store %arg11[%swap3A_471], %gather3A_464 {strides = array<i32>} : memref<25600xf32, #tpu.memory_space<vmem>>, vector<16xf32>,
      %scan3A_473 = arith.constant 0 : i32
      %scan3A_474 = arith.constant 7 : i32
      %scan3A_475 = arith.addi %scan3A_171, %scan3A_474 : i32
      %mul3A_476 = arith.constant 16 : i32
      %mul3A_477 = arith.muli %scan3A_475, %mul3A_476 : i32
      %add3A_478 = arith.constant 3200 : i32
      %add3A_479 = arith.addi %add3A_478, %mul3A_477 : i32
      %get3A_480 = arith.index_cast %add3A_479 : i32 to index
      %get3A_481 = tpu.vector_load %arg8[%get3A_480] {strides = array<i32>} : memref<12800xi32, #tpu.memory_space<vmem>>, vector<16xi32>,
      %and3A_482 = vector.broadcast %scan3A_99 : i32 to vector<16xi32>
      %and3A_483 = arith.andi %get3A_481, %and3A_482 : vector<16xi32>
      %shift_right_logical3A_484 = arith.constant 16 : i32
      %shift_right_logical3A_485 = vector.broadcast %shift_right_logical3A_484 : i32 to vector<16xi32>
      %shift_right_logical3A_486 = arith.shrui %get3A_481, %shift_right_logical3A_485 : vector<16xi32>
      %shift_right_logical3A_487 = arith.constant 7 : i32
      %shift_right_logical3A_488 = vector.broadcast %shift_right_logical3A_487 : i32 to vector<16xi32>
      %shift_right_logical3A_489 = arith.shrui %and3A_483, %shift_right_logical3A_488 : vector<16xi32>
      %and3A_490 = arith.constant 127 : i32
      %and3A_491 = vector.broadcast %and3A_490 : i32 to vector<16xi32>
      %and3A_492 = arith.andi %and3A_483, %and3A_491 : vector<16xi32>
      %gather3A_493 = tpu.vector_load_idx %arg10[%shift_right_logical3A_489, %and3A_492] : memref<256x128xf32, #tpu.memory_space<vmem>>[vector<16xi32>, vector<16xi32>], vector<16xf32>,
      %mul3A_494 = arith.constant 32 : i32
      %mul3A_495 = arith.muli %scan3A_475, %mul3A_494 : i32
      %add3A_496 = arith.constant 6400 : i32
      %add3A_497 = arith.addi %add3A_496, %mul3A_495 : i32
      %add3A_498 = arith.constant 0 : i32
      %add3A_499 = arith.addi %add3A_497, %add3A_498 : i32
      %swap3A_500 = arith.index_cast %add3A_499 : i32 to index
      %swap3A_501 = tpu.vector_load %arg11[%swap3A_500] {strides = array<i32>} : memref<25600xf32, #tpu.memory_space<vmem>>, vector<16xf32>,
      tpu.vector_store %arg11[%swap3A_500], %gather3A_493 {strides = array<i32>} : memref<25600xf32, #tpu.memory_space<vmem>>, vector<16xf32>,
      %shift_right_logical3A_502 = arith.constant 7 : i32
      %shift_right_logical3A_503 = vector.broadcast %shift_right_logical3A_502 : i32 to vector<16xi32>
      %shift_right_logical3A_504 = arith.shrui %shift_right_logical3A_486, %shift_right_logical3A_503 : vector<16xi32>
      %and3A_505 = arith.constant 127 : i32
      %and3A_506 = vector.broadcast %and3A_505 : i32 to vector<16xi32>
      %and3A_507 = arith.andi %shift_right_logical3A_486, %and3A_506 : vector<16xi32>
      %gather3A_508 = tpu.vector_load_idx %arg10[%shift_right_logical3A_504, %and3A_507] : memref<256x128xf32, #tpu.memory_space<vmem>>[vector<16xi32>, vector<16xi32>], vector<16xf32>,
      %mul3A_509 = arith.constant 32 : i32
      %mul3A_510 = arith.muli %scan3A_475, %mul3A_509 : i32
      %add3A_511 = arith.constant 6400 : i32
      %add3A_512 = arith.addi %add3A_511, %mul3A_510 : i32
      %add3A_513 = arith.constant 16 : i32
      %add3A_514 = arith.addi %add3A_512, %add3A_513 : i32
      %swap3A_515 = arith.index_cast %add3A_514 : i32 to index
      %swap3A_516 = tpu.vector_load %arg11[%swap3A_515] {strides = array<i32>} : memref<25600xf32, #tpu.memory_space<vmem>>, vector<16xf32>,
      tpu.vector_store %arg11[%swap3A_515], %gather3A_508 {strides = array<i32>} : memref<25600xf32, #tpu.memory_space<vmem>>, vector<16xf32>,
      %scan3A_517 = arith.constant 0 : i32
      scf.yield %scan3A_517 : i32
    }
    %scan3A_106 = arith.constant 200 : i32
    %dma_start3A_107 = arith.constant 0 : i32
    %dma_start3A_108 = arith.constant 0 : i32
    %dma_start3A_109 = tpu.memref_slice %arg10[%dma_start3A_107, %dma_start3A_108] : memref<256x128xf32, #tpu.memory_space<vmem>> -> memref<128x128xf32, #tpu.memory_space<vmem>>
    %dma_start3A_110 = arith.constant 384 : i32
    %dma_start3A_111 = tpu.memref_slice %arg6[%dma_start3A_110] : memref<512xi32, #tpu.memory_space<vmem>> -> memref<128xi32, #tpu.memory_space<vmem>>
    %dma_start3A_112 = arith.constant 0 : i32
    %dma_start3A_113 = arith.constant 0 : i32
    %dma_start3A_114 = tpu.memref_slice %arg2[%dma_start3A_112, %dma_start3A_113] : memref<25856x128xf32, #tpu.memory_space<hbm>> -> memref<25856x128xf32, #tpu.memory_space<hbm>>
    tpu.enqueue_indirect_dma source(%dma_start3A_114 : memref<25856x128xf32, #tpu.memory_space<hbm>>) target(%dma_start3A_109 : memref<128x128xf32, #tpu.memory_space<vmem>>) offsets(%dma_start3A_111 : memref<128xi32, #tpu.memory_space<vmem>>) semaphore(%arg13 : memref<!tpu.dma_semaphore, #tpu.memory_space<semaphore_mem>>)
    %dma_start3A_115 = arith.constant 128 : i32
    %dma_start3A_116 = arith.constant 0 : i32
    %dma_start3A_117 = tpu.memref_slice %arg10[%dma_start3A_115, %dma_start3A_116] : memref<256x128xf32, #tpu.memory_space<vmem>> -> memref<128x128xf32, #tpu.memory_space<vmem>>
    %dma_start3A_118 = arith.constant 384 : i32
    %dma_start3A_119 = tpu.memref_slice %arg7[%dma_start3A_118] : memref<512xi32, #tpu.memory_space<vmem>> -> memref<128xi32, #tpu.memory_space<vmem>>
    %dma_start3A_120 = arith.constant 0 : i32
    %dma_start3A_121 = arith.constant 0 : i32
    %dma_start3A_122 = tpu.memref_slice %arg2[%dma_start3A_120, %dma_start3A_121] : memref<25856x128xf32, #tpu.memory_space<hbm>> -> memref<25856x128xf32, #tpu.memory_space<hbm>>
    tpu.enqueue_indirect_dma source(%dma_start3A_122 : memref<25856x128xf32, #tpu.memory_space<hbm>>) target(%dma_start3A_117 : memref<128x128xf32, #tpu.memory_space<vmem>>) offsets(%dma_start3A_119 : memref<128xi32, #tpu.memory_space<vmem>>) semaphore(%arg13 : memref<!tpu.dma_semaphore, #tpu.memory_space<semaphore_mem>>)
    %dma_wait3A_123 = arith.constant 0 : i32
    %dma_wait3A_124 = arith.constant 0 : i32
    %dma_wait3A_125 = tpu.memref_slice %arg9[%dma_wait3A_123, %dma_wait3A_124] : memref<256x128xf32, #tpu.memory_space<vmem>> -> memref<128x128xf32, #tpu.memory_space<vmem>>
    %dma_wait3A_126 = arith.constant 256 : i32
    %dma_wait3A_127 = tpu.memref_slice %arg6[%dma_wait3A_126] : memref<512xi32, #tpu.memory_space<vmem>> -> memref<128xi32, #tpu.memory_space<vmem>>
    %dma_wait3A_128 = arith.constant 0 : i32
    %dma_wait3A_129 = arith.constant 0 : i32
    %dma_wait3A_130 = tpu.memref_slice %arg2[%dma_wait3A_128, %dma_wait3A_129] : memref<25856x128xf32, #tpu.memory_space<hbm>> -> memref<25856x128xf32, #tpu.memory_space<hbm>>
    tpu.wait_indirect_dma semaphore(%arg12 : memref<!tpu.dma_semaphore, #tpu.memory_space<semaphore_mem>>) src(%dma_wait3A_130 : memref<25856x128xf32, #tpu.memory_space<hbm>>) dst(%dma_wait3A_125 : memref<128x128xf32, #tpu.memory_space<vmem>>)
    %dma_wait3A_131 = arith.constant 128 : i32
    %dma_wait3A_132 = arith.constant 0 : i32
    %dma_wait3A_133 = tpu.memref_slice %arg9[%dma_wait3A_131, %dma_wait3A_132] : memref<256x128xf32, #tpu.memory_space<vmem>> -> memref<128x128xf32, #tpu.memory_space<vmem>>
    %dma_wait3A_134 = arith.constant 256 : i32
    %dma_wait3A_135 = tpu.memref_slice %arg7[%dma_wait3A_134] : memref<512xi32, #tpu.memory_space<vmem>> -> memref<128xi32, #tpu.memory_space<vmem>>
    %dma_wait3A_136 = arith.constant 0 : i32
    %dma_wait3A_137 = arith.constant 0 : i32
    %dma_wait3A_138 = tpu.memref_slice %arg2[%dma_wait3A_136, %dma_wait3A_137] : memref<25856x128xf32, #tpu.memory_space<hbm>> -> memref<25856x128xf32, #tpu.memory_space<hbm>>
    tpu.wait_indirect_dma semaphore(%arg12 : memref<!tpu.dma_semaphore, #tpu.memory_space<semaphore_mem>>) src(%dma_wait3A_138 : memref<25856x128xf32, #tpu.memory_space<hbm>>) dst(%dma_wait3A_133 : memref<128x128xf32, #tpu.memory_space<vmem>>)
    %scan3A_139 = arith.constant 65535 : i32
    %scan3A_140 = arith.constant 0 : i32
    %scan3A_141 = arith.constant 0 : i32
    %scan3A_142 = arith.constant 200 : i32
    %scan3A_143 = arith.addi %scan3A_141, %scan3A_142 : i32
    %scan3A_144 = arith.constant 8 : i32
    %scan3A_145 = scf.for %scan3A_171 = %scan3A_141 to %scan3A_143 step %scan3A_144 iter_args(%scan3A_172 = %scan3A_140) -> (i32)  : i32 {
      %mul3A_173 = arith.constant 16 : i32
      %mul3A_174 = arith.muli %scan3A_171, %mul3A_173 : i32
      %add3A_175 = arith.constant 6400 : i32
      %add3A_176 = arith.addi %add3A_175, %mul3A_174 : i32
      %get3A = arith.index_cast %add3A_176 : i32 to index
      %get3A_177 = tpu.vector_load %arg8[%get3A] {strides = array<i32>} : memref<12800xi32, #tpu.memory_space<vmem>>, vector<16xi32>,
      %and3A = vector.broadcast %scan3A_139 : i32 to vector<16xi32>
      %and3A_178 = arith.andi %get3A_177, %and3A : vector<16xi32>
      %shift_right_logical3A = arith.constant 16 : i32
      %shift_right_logical3A_179 = vector.broadcast %shift_right_logical3A : i32 to vector<16xi32>
      %shift_right_logical3A_180 = arith.shrui %get3A_177, %shift_right_logical3A_179 : vector<16xi32>
      %shift_right_logical3A_181 = arith.constant 7 : i32
      %shift_right_logical3A_182 = vector.broadcast %shift_right_logical3A_181 : i32 to vector<16xi32>
      %shift_right_logical3A_183 = arith.shrui %and3A_178, %shift_right_logical3A_182 : vector<16xi32>
      %and3A_184 = arith.constant 127 : i32
      %and3A_185 = vector.broadcast %and3A_184 : i32 to vector<16xi32>
      %and3A_186 = arith.andi %and3A_178, %and3A_185 : vector<16xi32>
      %gather3A = tpu.vector_load_idx %arg9[%shift_right_logical3A_183, %and3A_186] : memref<256x128xf32, #tpu.memory_space<vmem>>[vector<16xi32>, vector<16xi32>], vector<16xf32>,
      %mul3A_187 = arith.constant 32 : i32
      %mul3A_188 = arith.muli %scan3A_171, %mul3A_187 : i32
      %add3A_189 = arith.constant 12800 : i32
      %add3A_190 = arith.addi %add3A_189, %mul3A_188 : i32
      %add3A_191 = arith.constant 0 : i32
      %add3A_192 = arith.addi %add3A_190, %add3A_191 : i32
      %swap3A = arith.index_cast %add3A_192 : i32 to index
      %swap3A_193 = tpu.vector_load %arg11[%swap3A] {strides = array<i32>} : memref<25600xf32, #tpu.memory_space<vmem>>, vector<16xf32>,
      tpu.vector_store %arg11[%swap3A], %gather3A {strides = array<i32>} : memref<25600xf32, #tpu.memory_space<vmem>>, vector<16xf32>,
      %shift_right_logical3A_194 = arith.constant 7 : i32
      %shift_right_logical3A_195 = vector.broadcast %shift_right_logical3A_194 : i32 to vector<16xi32>
      %shift_right_logical3A_196 = arith.shrui %shift_right_logical3A_180, %shift_right_logical3A_195 : vector<16xi32>
      %and3A_197 = arith.constant 127 : i32
      %and3A_198 = vector.broadcast %and3A_197 : i32 to vector<16xi32>
      %and3A_199 = arith.andi %shift_right_logical3A_180, %and3A_198 : vector<16xi32>
      %gather3A_200 = tpu.vector_load_idx %arg9[%shift_right_logical3A_196, %and3A_199] : memref<256x128xf32, #tpu.memory_space<vmem>>[vector<16xi32>, vector<16xi32>], vector<16xf32>,
      %mul3A_201 = arith.constant 32 : i32
      %mul3A_202 = arith.muli %scan3A_171, %mul3A_201 : i32
      %add3A_203 = arith.constant 12800 : i32
      %add3A_204 = arith.addi %add3A_203, %mul3A_202 : i32
      %add3A_205 = arith.constant 16 : i32
      %add3A_206 = arith.addi %add3A_204, %add3A_205 : i32
      %swap3A_207 = arith.index_cast %add3A_206 : i32 to index
      %swap3A_208 = tpu.vector_load %arg11[%swap3A_207] {strides = array<i32>} : memref<25600xf32, #tpu.memory_space<vmem>>, vector<16xf32>,
      tpu.vector_store %arg11[%swap3A_207], %gather3A_200 {strides = array<i32>} : memref<25600xf32, #tpu.memory_space<vmem>>, vector<16xf32>,
      %scan3A_209 = arith.constant 0 : i32
      %scan3A_210 = arith.constant 1 : i32
      %scan3A_211 = arith.addi %scan3A_171, %scan3A_210 : i32
      %mul3A_212 = arith.constant 16 : i32
      %mul3A_213 = arith.muli %scan3A_211, %mul3A_212 : i32
      %add3A_214 = arith.constant 6400 : i32
      %add3A_215 = arith.addi %add3A_214, %mul3A_213 : i32
      %get3A_216 = arith.index_cast %add3A_215 : i32 to index
      %get3A_217 = tpu.vector_load %arg8[%get3A_216] {strides = array<i32>} : memref<12800xi32, #tpu.memory_space<vmem>>, vector<16xi32>,
      %and3A_218 = vector.broadcast %scan3A_139 : i32 to vector<16xi32>
      %and3A_219 = arith.andi %get3A_217, %and3A_218 : vector<16xi32>
      %shift_right_logical3A_220 = arith.constant 16 : i32
      %shift_right_logical3A_221 = vector.broadcast %shift_right_logical3A_220 : i32 to vector<16xi32>
      %shift_right_logical3A_222 = arith.shrui %get3A_217, %shift_right_logical3A_221 : vector<16xi32>
      %shift_right_logical3A_223 = arith.constant 7 : i32
      %shift_right_logical3A_224 = vector.broadcast %shift_right_logical3A_223 : i32 to vector<16xi32>
      %shift_right_logical3A_225 = arith.shrui %and3A_219, %shift_right_logical3A_224 : vector<16xi32>
      %and3A_226 = arith.constant 127 : i32
      %and3A_227 = vector.broadcast %and3A_226 : i32 to vector<16xi32>
      %and3A_228 = arith.andi %and3A_219, %and3A_227 : vector<16xi32>
      %gather3A_229 = tpu.vector_load_idx %arg9[%shift_right_logical3A_225, %and3A_228] : memref<256x128xf32, #tpu.memory_space<vmem>>[vector<16xi32>, vector<16xi32>], vector<16xf32>,
      %mul3A_230 = arith.constant 32 : i32
      %mul3A_231 = arith.muli %scan3A_211, %mul3A_230 : i32
      %add3A_232 = arith.constant 12800 : i32
      %add3A_233 = arith.addi %add3A_232, %mul3A_231 : i32
      %add3A_234 = arith.constant 0 : i32
      %add3A_235 = arith.addi %add3A_233, %add3A_234 : i32
      %swap3A_236 = arith.index_cast %add3A_235 : i32 to index
      %swap3A_237 = tpu.vector_load %arg11[%swap3A_236] {strides = array<i32>} : memref<25600xf32, #tpu.memory_space<vmem>>, vector<16xf32>,
      tpu.vector_store %arg11[%swap3A_236], %gather3A_229 {strides = array<i32>} : memref<25600xf32, #tpu.memory_space<vmem>>, vector<16xf32>,
      %shift_right_logical3A_238 = arith.constant 7 : i32
      %shift_right_logical3A_239 = vector.broadcast %shift_right_logical3A_238 : i32 to vector<16xi32>
      %shift_right_logical3A_240 = arith.shrui %shift_right_logical3A_222, %shift_right_logical3A_239 : vector<16xi32>
      %and3A_241 = arith.constant 127 : i32
      %and3A_242 = vector.broadcast %and3A_241 : i32 to vector<16xi32>
      %and3A_243 = arith.andi %shift_right_logical3A_222, %and3A_242 : vector<16xi32>
      %gather3A_244 = tpu.vector_load_idx %arg9[%shift_right_logical3A_240, %and3A_243] : memref<256x128xf32, #tpu.memory_space<vmem>>[vector<16xi32>, vector<16xi32>], vector<16xf32>,
      %mul3A_245 = arith.constant 32 : i32
      %mul3A_246 = arith.muli %scan3A_211, %mul3A_245 : i32
      %add3A_247 = arith.constant 12800 : i32
      %add3A_248 = arith.addi %add3A_247, %mul3A_246 : i32
      %add3A_249 = arith.constant 16 : i32
      %add3A_250 = arith.addi %add3A_248, %add3A_249 : i32
      %swap3A_251 = arith.index_cast %add3A_250 : i32 to index
      %swap3A_252 = tpu.vector_load %arg11[%swap3A_251] {strides = array<i32>} : memref<25600xf32, #tpu.memory_space<vmem>>, vector<16xf32>,
      tpu.vector_store %arg11[%swap3A_251], %gather3A_244 {strides = array<i32>} : memref<25600xf32, #tpu.memory_space<vmem>>, vector<16xf32>,
      %scan3A_253 = arith.constant 0 : i32
      %scan3A_254 = arith.constant 2 : i32
      %scan3A_255 = arith.addi %scan3A_171, %scan3A_254 : i32
      %mul3A_256 = arith.constant 16 : i32
      %mul3A_257 = arith.muli %scan3A_255, %mul3A_256 : i32
      %add3A_258 = arith.constant 6400 : i32
      %add3A_259 = arith.addi %add3A_258, %mul3A_257 : i32
      %get3A_260 = arith.index_cast %add3A_259 : i32 to index
      %get3A_261 = tpu.vector_load %arg8[%get3A_260] {strides = array<i32>} : memref<12800xi32, #tpu.memory_space<vmem>>, vector<16xi32>,
      %and3A_262 = vector.broadcast %scan3A_139 : i32 to vector<16xi32>
      %and3A_263 = arith.andi %get3A_261, %and3A_262 : vector<16xi32>
      %shift_right_logical3A_264 = arith.constant 16 : i32
      %shift_right_logical3A_265 = vector.broadcast %shift_right_logical3A_264 : i32 to vector<16xi32>
      %shift_right_logical3A_266 = arith.shrui %get3A_261, %shift_right_logical3A_265 : vector<16xi32>
      %shift_right_logical3A_267 = arith.constant 7 : i32
      %shift_right_logical3A_268 = vector.broadcast %shift_right_logical3A_267 : i32 to vector<16xi32>
      %shift_right_logical3A_269 = arith.shrui %and3A_263, %shift_right_logical3A_268 : vector<16xi32>
      %and3A_270 = arith.constant 127 : i32
      %and3A_271 = vector.broadcast %and3A_270 : i32 to vector<16xi32>
      %and3A_272 = arith.andi %and3A_263, %and3A_271 : vector<16xi32>
      %gather3A_273 = tpu.vector_load_idx %arg9[%shift_right_logical3A_269, %and3A_272] : memref<256x128xf32, #tpu.memory_space<vmem>>[vector<16xi32>, vector<16xi32>], vector<16xf32>,
      %mul3A_274 = arith.constant 32 : i32
      %mul3A_275 = arith.muli %scan3A_255, %mul3A_274 : i32
      %add3A_276 = arith.constant 12800 : i32
      %add3A_277 = arith.addi %add3A_276, %mul3A_275 : i32
      %add3A_278 = arith.constant 0 : i32
      %add3A_279 = arith.addi %add3A_277, %add3A_278 : i32
      %swap3A_280 = arith.index_cast %add3A_279 : i32 to index
      %swap3A_281 = tpu.vector_load %arg11[%swap3A_280] {strides = array<i32>} : memref<25600xf32, #tpu.memory_space<vmem>>, vector<16xf32>,
      tpu.vector_store %arg11[%swap3A_280], %gather3A_273 {strides = array<i32>} : memref<25600xf32, #tpu.memory_space<vmem>>, vector<16xf32>,
      %shift_right_logical3A_282 = arith.constant 7 : i32
      %shift_right_logical3A_283 = vector.broadcast %shift_right_logical3A_282 : i32 to vector<16xi32>
      %shift_right_logical3A_284 = arith.shrui %shift_right_logical3A_266, %shift_right_logical3A_283 : vector<16xi32>
      %and3A_285 = arith.constant 127 : i32
      %and3A_286 = vector.broadcast %and3A_285 : i32 to vector<16xi32>
      %and3A_287 = arith.andi %shift_right_logical3A_266, %and3A_286 : vector<16xi32>
      %gather3A_288 = tpu.vector_load_idx %arg9[%shift_right_logical3A_284, %and3A_287] : memref<256x128xf32, #tpu.memory_space<vmem>>[vector<16xi32>, vector<16xi32>], vector<16xf32>,
      %mul3A_289 = arith.constant 32 : i32
      %mul3A_290 = arith.muli %scan3A_255, %mul3A_289 : i32
      %add3A_291 = arith.constant 12800 : i32
      %add3A_292 = arith.addi %add3A_291, %mul3A_290 : i32
      %add3A_293 = arith.constant 16 : i32
      %add3A_294 = arith.addi %add3A_292, %add3A_293 : i32
      %swap3A_295 = arith.index_cast %add3A_294 : i32 to index
      %swap3A_296 = tpu.vector_load %arg11[%swap3A_295] {strides = array<i32>} : memref<25600xf32, #tpu.memory_space<vmem>>, vector<16xf32>,
      tpu.vector_store %arg11[%swap3A_295], %gather3A_288 {strides = array<i32>} : memref<25600xf32, #tpu.memory_space<vmem>>, vector<16xf32>,
      %scan3A_297 = arith.constant 0 : i32
      %scan3A_298 = arith.constant 3 : i32
      %scan3A_299 = arith.addi %scan3A_171, %scan3A_298 : i32
      %mul3A_300 = arith.constant 16 : i32
      %mul3A_301 = arith.muli %scan3A_299, %mul3A_300 : i32
      %add3A_302 = arith.constant 6400 : i32
      %add3A_303 = arith.addi %add3A_302, %mul3A_301 : i32
      %get3A_304 = arith.index_cast %add3A_303 : i32 to index
      %get3A_305 = tpu.vector_load %arg8[%get3A_304] {strides = array<i32>} : memref<12800xi32, #tpu.memory_space<vmem>>, vector<16xi32>,
      %and3A_306 = vector.broadcast %scan3A_139 : i32 to vector<16xi32>
      %and3A_307 = arith.andi %get3A_305, %and3A_306 : vector<16xi32>
      %shift_right_logical3A_308 = arith.constant 16 : i32
      %shift_right_logical3A_309 = vector.broadcast %shift_right_logical3A_308 : i32 to vector<16xi32>
      %shift_right_logical3A_310 = arith.shrui %get3A_305, %shift_right_logical3A_309 : vector<16xi32>
      %shift_right_logical3A_311 = arith.constant 7 : i32
      %shift_right_logical3A_312 = vector.broadcast %shift_right_logical3A_311 : i32 to vector<16xi32>
      %shift_right_logical3A_313 = arith.shrui %and3A_307, %shift_right_logical3A_312 : vector<16xi32>
      %and3A_314 = arith.constant 127 : i32
      %and3A_315 = vector.broadcast %and3A_314 : i32 to vector<16xi32>
      %and3A_316 = arith.andi %and3A_307, %and3A_315 : vector<16xi32>
      %gather3A_317 = tpu.vector_load_idx %arg9[%shift_right_logical3A_313, %and3A_316] : memref<256x128xf32, #tpu.memory_space<vmem>>[vector<16xi32>, vector<16xi32>], vector<16xf32>,
      %mul3A_318 = arith.constant 32 : i32
      %mul3A_319 = arith.muli %scan3A_299, %mul3A_318 : i32
      %add3A_320 = arith.constant 12800 : i32
      %add3A_321 = arith.addi %add3A_320, %mul3A_319 : i32
      %add3A_322 = arith.constant 0 : i32
      %add3A_323 = arith.addi %add3A_321, %add3A_322 : i32
      %swap3A_324 = arith.index_cast %add3A_323 : i32 to index
      %swap3A_325 = tpu.vector_load %arg11[%swap3A_324] {strides = array<i32>} : memref<25600xf32, #tpu.memory_space<vmem>>, vector<16xf32>,
      tpu.vector_store %arg11[%swap3A_324], %gather3A_317 {strides = array<i32>} : memref<25600xf32, #tpu.memory_space<vmem>>, vector<16xf32>,
      %shift_right_logical3A_326 = arith.constant 7 : i32
      %shift_right_logical3A_327 = vector.broadcast %shift_right_logical3A_326 : i32 to vector<16xi32>
      %shift_right_logical3A_328 = arith.shrui %shift_right_logical3A_310, %shift_right_logical3A_327 : vector<16xi32>
      %and3A_329 = arith.constant 127 : i32
      %and3A_330 = vector.broadcast %and3A_329 : i32 to vector<16xi32>
      %and3A_331 = arith.andi %shift_right_logical3A_310, %and3A_330 : vector<16xi32>
      %gather3A_332 = tpu.vector_load_idx %arg9[%shift_right_logical3A_328, %and3A_331] : memref<256x128xf32, #tpu.memory_space<vmem>>[vector<16xi32>, vector<16xi32>], vector<16xf32>,
      %mul3A_333 = arith.constant 32 : i32
      %mul3A_334 = arith.muli %scan3A_299, %mul3A_333 : i32
      %add3A_335 = arith.constant 12800 : i32
      %add3A_336 = arith.addi %add3A_335, %mul3A_334 : i32
      %add3A_337 = arith.constant 16 : i32
      %add3A_338 = arith.addi %add3A_336, %add3A_337 : i32
      %swap3A_339 = arith.index_cast %add3A_338 : i32 to index
      %swap3A_340 = tpu.vector_load %arg11[%swap3A_339] {strides = array<i32>} : memref<25600xf32, #tpu.memory_space<vmem>>, vector<16xf32>,
      tpu.vector_store %arg11[%swap3A_339], %gather3A_332 {strides = array<i32>} : memref<25600xf32, #tpu.memory_space<vmem>>, vector<16xf32>,
      %scan3A_341 = arith.constant 0 : i32
      %scan3A_342 = arith.constant 4 : i32
      %scan3A_343 = arith.addi %scan3A_171, %scan3A_342 : i32
      %mul3A_344 = arith.constant 16 : i32
      %mul3A_345 = arith.muli %scan3A_343, %mul3A_344 : i32
      %add3A_346 = arith.constant 6400 : i32
      %add3A_347 = arith.addi %add3A_346, %mul3A_345 : i32
      %get3A_348 = arith.index_cast %add3A_347 : i32 to index
      %get3A_349 = tpu.vector_load %arg8[%get3A_348] {strides = array<i32>} : memref<12800xi32, #tpu.memory_space<vmem>>, vector<16xi32>,
      %and3A_350 = vector.broadcast %scan3A_139 : i32 to vector<16xi32>
      %and3A_351 = arith.andi %get3A_349, %and3A_350 : vector<16xi32>
      %shift_right_logical3A_352 = arith.constant 16 : i32
      %shift_right_logical3A_353 = vector.broadcast %shift_right_logical3A_352 : i32 to vector<16xi32>
      %shift_right_logical3A_354 = arith.shrui %get3A_349, %shift_right_logical3A_353 : vector<16xi32>
      %shift_right_logical3A_355 = arith.constant 7 : i32
      %shift_right_logical3A_356 = vector.broadcast %shift_right_logical3A_355 : i32 to vector<16xi32>
      %shift_right_logical3A_357 = arith.shrui %and3A_351, %shift_right_logical3A_356 : vector<16xi32>
      %and3A_358 = arith.constant 127 : i32
      %and3A_359 = vector.broadcast %and3A_358 : i32 to vector<16xi32>
      %and3A_360 = arith.andi %and3A_351, %and3A_359 : vector<16xi32>
      %gather3A_361 = tpu.vector_load_idx %arg9[%shift_right_logical3A_357, %and3A_360] : memref<256x128xf32, #tpu.memory_space<vmem>>[vector<16xi32>, vector<16xi32>], vector<16xf32>,
      %mul3A_362 = arith.constant 32 : i32
      %mul3A_363 = arith.muli %scan3A_343, %mul3A_362 : i32
      %add3A_364 = arith.constant 12800 : i32
      %add3A_365 = arith.addi %add3A_364, %mul3A_363 : i32
      %add3A_366 = arith.constant 0 : i32
      %add3A_367 = arith.addi %add3A_365, %add3A_366 : i32
      %swap3A_368 = arith.index_cast %add3A_367 : i32 to index
      %swap3A_369 = tpu.vector_load %arg11[%swap3A_368] {strides = array<i32>} : memref<25600xf32, #tpu.memory_space<vmem>>, vector<16xf32>,
      tpu.vector_store %arg11[%swap3A_368], %gather3A_361 {strides = array<i32>} : memref<25600xf32, #tpu.memory_space<vmem>>, vector<16xf32>,
      %shift_right_logical3A_370 = arith.constant 7 : i32
      %shift_right_logical3A_371 = vector.broadcast %shift_right_logical3A_370 : i32 to vector<16xi32>
      %shift_right_logical3A_372 = arith.shrui %shift_right_logical3A_354, %shift_right_logical3A_371 : vector<16xi32>
      %and3A_373 = arith.constant 127 : i32
      %and3A_374 = vector.broadcast %and3A_373 : i32 to vector<16xi32>
      %and3A_375 = arith.andi %shift_right_logical3A_354, %and3A_374 : vector<16xi32>
      %gather3A_376 = tpu.vector_load_idx %arg9[%shift_right_logical3A_372, %and3A_375] : memref<256x128xf32, #tpu.memory_space<vmem>>[vector<16xi32>, vector<16xi32>], vector<16xf32>,
      %mul3A_377 = arith.constant 32 : i32
      %mul3A_378 = arith.muli %scan3A_343, %mul3A_377 : i32
      %add3A_379 = arith.constant 12800 : i32
      %add3A_380 = arith.addi %add3A_379, %mul3A_378 : i32
      %add3A_381 = arith.constant 16 : i32
      %add3A_382 = arith.addi %add3A_380, %add3A_381 : i32
      %swap3A_383 = arith.index_cast %add3A_382 : i32 to index
      %swap3A_384 = tpu.vector_load %arg11[%swap3A_383] {strides = array<i32>} : memref<25600xf32, #tpu.memory_space<vmem>>, vector<16xf32>,
      tpu.vector_store %arg11[%swap3A_383], %gather3A_376 {strides = array<i32>} : memref<25600xf32, #tpu.memory_space<vmem>>, vector<16xf32>,
      %scan3A_385 = arith.constant 0 : i32
      %scan3A_386 = arith.constant 5 : i32
      %scan3A_387 = arith.addi %scan3A_171, %scan3A_386 : i32
      %mul3A_388 = arith.constant 16 : i32
      %mul3A_389 = arith.muli %scan3A_387, %mul3A_388 : i32
      %add3A_390 = arith.constant 6400 : i32
      %add3A_391 = arith.addi %add3A_390, %mul3A_389 : i32
      %get3A_392 = arith.index_cast %add3A_391 : i32 to index
      %get3A_393 = tpu.vector_load %arg8[%get3A_392] {strides = array<i32>} : memref<12800xi32, #tpu.memory_space<vmem>>, vector<16xi32>,
      %and3A_394 = vector.broadcast %scan3A_139 : i32 to vector<16xi32>
      %and3A_395 = arith.andi %get3A_393, %and3A_394 : vector<16xi32>
      %shift_right_logical3A_396 = arith.constant 16 : i32
      %shift_right_logical3A_397 = vector.broadcast %shift_right_logical3A_396 : i32 to vector<16xi32>
      %shift_right_logical3A_398 = arith.shrui %get3A_393, %shift_right_logical3A_397 : vector<16xi32>
      %shift_right_logical3A_399 = arith.constant 7 : i32
      %shift_right_logical3A_400 = vector.broadcast %shift_right_logical3A_399 : i32 to vector<16xi32>
      %shift_right_logical3A_401 = arith.shrui %and3A_395, %shift_right_logical3A_400 : vector<16xi32>
      %and3A_402 = arith.constant 127 : i32
      %and3A_403 = vector.broadcast %and3A_402 : i32 to vector<16xi32>
      %and3A_404 = arith.andi %and3A_395, %and3A_403 : vector<16xi32>
      %gather3A_405 = tpu.vector_load_idx %arg9[%shift_right_logical3A_401, %and3A_404] : memref<256x128xf32, #tpu.memory_space<vmem>>[vector<16xi32>, vector<16xi32>], vector<16xf32>,
      %mul3A_406 = arith.constant 32 : i32
      %mul3A_407 = arith.muli %scan3A_387, %mul3A_406 : i32
      %add3A_408 = arith.constant 12800 : i32
      %add3A_409 = arith.addi %add3A_408, %mul3A_407 : i32
      %add3A_410 = arith.constant 0 : i32
      %add3A_411 = arith.addi %add3A_409, %add3A_410 : i32
      %swap3A_412 = arith.index_cast %add3A_411 : i32 to index
      %swap3A_413 = tpu.vector_load %arg11[%swap3A_412] {strides = array<i32>} : memref<25600xf32, #tpu.memory_space<vmem>>, vector<16xf32>,
      tpu.vector_store %arg11[%swap3A_412], %gather3A_405 {strides = array<i32>} : memref<25600xf32, #tpu.memory_space<vmem>>, vector<16xf32>,
      %shift_right_logical3A_414 = arith.constant 7 : i32
      %shift_right_logical3A_415 = vector.broadcast %shift_right_logical3A_414 : i32 to vector<16xi32>
      %shift_right_logical3A_416 = arith.shrui %shift_right_logical3A_398, %shift_right_logical3A_415 : vector<16xi32>
      %and3A_417 = arith.constant 127 : i32
      %and3A_418 = vector.broadcast %and3A_417 : i32 to vector<16xi32>
      %and3A_419 = arith.andi %shift_right_logical3A_398, %and3A_418 : vector<16xi32>
      %gather3A_420 = tpu.vector_load_idx %arg9[%shift_right_logical3A_416, %and3A_419] : memref<256x128xf32, #tpu.memory_space<vmem>>[vector<16xi32>, vector<16xi32>], vector<16xf32>,
      %mul3A_421 = arith.constant 32 : i32
      %mul3A_422 = arith.muli %scan3A_387, %mul3A_421 : i32
      %add3A_423 = arith.constant 12800 : i32
      %add3A_424 = arith.addi %add3A_423, %mul3A_422 : i32
      %add3A_425 = arith.constant 16 : i32
      %add3A_426 = arith.addi %add3A_424, %add3A_425 : i32
      %swap3A_427 = arith.index_cast %add3A_426 : i32 to index
      %swap3A_428 = tpu.vector_load %arg11[%swap3A_427] {strides = array<i32>} : memref<25600xf32, #tpu.memory_space<vmem>>, vector<16xf32>,
      tpu.vector_store %arg11[%swap3A_427], %gather3A_420 {strides = array<i32>} : memref<25600xf32, #tpu.memory_space<vmem>>, vector<16xf32>,
      %scan3A_429 = arith.constant 0 : i32
      %scan3A_430 = arith.constant 6 : i32
      %scan3A_431 = arith.addi %scan3A_171, %scan3A_430 : i32
      %mul3A_432 = arith.constant 16 : i32
      %mul3A_433 = arith.muli %scan3A_431, %mul3A_432 : i32
      %add3A_434 = arith.constant 6400 : i32
      %add3A_435 = arith.addi %add3A_434, %mul3A_433 : i32
      %get3A_436 = arith.index_cast %add3A_435 : i32 to index
      %get3A_437 = tpu.vector_load %arg8[%get3A_436] {strides = array<i32>} : memref<12800xi32, #tpu.memory_space<vmem>>, vector<16xi32>,
      %and3A_438 = vector.broadcast %scan3A_139 : i32 to vector<16xi32>
      %and3A_439 = arith.andi %get3A_437, %and3A_438 : vector<16xi32>
      %shift_right_logical3A_440 = arith.constant 16 : i32
      %shift_right_logical3A_441 = vector.broadcast %shift_right_logical3A_440 : i32 to vector<16xi32>
      %shift_right_logical3A_442 = arith.shrui %get3A_437, %shift_right_logical3A_441 : vector<16xi32>
      %shift_right_logical3A_443 = arith.constant 7 : i32
      %shift_right_logical3A_444 = vector.broadcast %shift_right_logical3A_443 : i32 to vector<16xi32>
      %shift_right_logical3A_445 = arith.shrui %and3A_439, %shift_right_logical3A_444 : vector<16xi32>
      %and3A_446 = arith.constant 127 : i32
      %and3A_447 = vector.broadcast %and3A_446 : i32 to vector<16xi32>
      %and3A_448 = arith.andi %and3A_439, %and3A_447 : vector<16xi32>
      %gather3A_449 = tpu.vector_load_idx %arg9[%shift_right_logical3A_445, %and3A_448] : memref<256x128xf32, #tpu.memory_space<vmem>>[vector<16xi32>, vector<16xi32>], vector<16xf32>,
      %mul3A_450 = arith.constant 32 : i32
      %mul3A_451 = arith.muli %scan3A_431, %mul3A_450 : i32
      %add3A_452 = arith.constant 12800 : i32
      %add3A_453 = arith.addi %add3A_452, %mul3A_451 : i32
      %add3A_454 = arith.constant 0 : i32
      %add3A_455 = arith.addi %add3A_453, %add3A_454 : i32
      %swap3A_456 = arith.index_cast %add3A_455 : i32 to index
      %swap3A_457 = tpu.vector_load %arg11[%swap3A_456] {strides = array<i32>} : memref<25600xf32, #tpu.memory_space<vmem>>, vector<16xf32>,
      tpu.vector_store %arg11[%swap3A_456], %gather3A_449 {strides = array<i32>} : memref<25600xf32, #tpu.memory_space<vmem>>, vector<16xf32>,
      %shift_right_logical3A_458 = arith.constant 7 : i32
      %shift_right_logical3A_459 = vector.broadcast %shift_right_logical3A_458 : i32 to vector<16xi32>
      %shift_right_logical3A_460 = arith.shrui %shift_right_logical3A_442, %shift_right_logical3A_459 : vector<16xi32>
      %and3A_461 = arith.constant 127 : i32
      %and3A_462 = vector.broadcast %and3A_461 : i32 to vector<16xi32>
      %and3A_463 = arith.andi %shift_right_logical3A_442, %and3A_462 : vector<16xi32>
      %gather3A_464 = tpu.vector_load_idx %arg9[%shift_right_logical3A_460, %and3A_463] : memref<256x128xf32, #tpu.memory_space<vmem>>[vector<16xi32>, vector<16xi32>], vector<16xf32>,
      %mul3A_465 = arith.constant 32 : i32
      %mul3A_466 = arith.muli %scan3A_431, %mul3A_465 : i32
      %add3A_467 = arith.constant 12800 : i32
      %add3A_468 = arith.addi %add3A_467, %mul3A_466 : i32
      %add3A_469 = arith.constant 16 : i32
      %add3A_470 = arith.addi %add3A_468, %add3A_469 : i32
      %swap3A_471 = arith.index_cast %add3A_470 : i32 to index
      %swap3A_472 = tpu.vector_load %arg11[%swap3A_471] {strides = array<i32>} : memref<25600xf32, #tpu.memory_space<vmem>>, vector<16xf32>,
      tpu.vector_store %arg11[%swap3A_471], %gather3A_464 {strides = array<i32>} : memref<25600xf32, #tpu.memory_space<vmem>>, vector<16xf32>,
      %scan3A_473 = arith.constant 0 : i32
      %scan3A_474 = arith.constant 7 : i32
      %scan3A_475 = arith.addi %scan3A_171, %scan3A_474 : i32
      %mul3A_476 = arith.constant 16 : i32
      %mul3A_477 = arith.muli %scan3A_475, %mul3A_476 : i32
      %add3A_478 = arith.constant 6400 : i32
      %add3A_479 = arith.addi %add3A_478, %mul3A_477 : i32
      %get3A_480 = arith.index_cast %add3A_479 : i32 to index
      %get3A_481 = tpu.vector_load %arg8[%get3A_480] {strides = array<i32>} : memref<12800xi32, #tpu.memory_space<vmem>>, vector<16xi32>,
      %and3A_482 = vector.broadcast %scan3A_139 : i32 to vector<16xi32>
      %and3A_483 = arith.andi %get3A_481, %and3A_482 : vector<16xi32>
      %shift_right_logical3A_484 = arith.constant 16 : i32
      %shift_right_logical3A_485 = vector.broadcast %shift_right_logical3A_484 : i32 to vector<16xi32>
      %shift_right_logical3A_486 = arith.shrui %get3A_481, %shift_right_logical3A_485 : vector<16xi32>
      %shift_right_logical3A_487 = arith.constant 7 : i32
      %shift_right_logical3A_488 = vector.broadcast %shift_right_logical3A_487 : i32 to vector<16xi32>
      %shift_right_logical3A_489 = arith.shrui %and3A_483, %shift_right_logical3A_488 : vector<16xi32>
      %and3A_490 = arith.constant 127 : i32
      %and3A_491 = vector.broadcast %and3A_490 : i32 to vector<16xi32>
      %and3A_492 = arith.andi %and3A_483, %and3A_491 : vector<16xi32>
      %gather3A_493 = tpu.vector_load_idx %arg9[%shift_right_logical3A_489, %and3A_492] : memref<256x128xf32, #tpu.memory_space<vmem>>[vector<16xi32>, vector<16xi32>], vector<16xf32>,
      %mul3A_494 = arith.constant 32 : i32
      %mul3A_495 = arith.muli %scan3A_475, %mul3A_494 : i32
      %add3A_496 = arith.constant 12800 : i32
      %add3A_497 = arith.addi %add3A_496, %mul3A_495 : i32
      %add3A_498 = arith.constant 0 : i32
      %add3A_499 = arith.addi %add3A_497, %add3A_498 : i32
      %swap3A_500 = arith.index_cast %add3A_499 : i32 to index
      %swap3A_501 = tpu.vector_load %arg11[%swap3A_500] {strides = array<i32>} : memref<25600xf32, #tpu.memory_space<vmem>>, vector<16xf32>,
      tpu.vector_store %arg11[%swap3A_500], %gather3A_493 {strides = array<i32>} : memref<25600xf32, #tpu.memory_space<vmem>>, vector<16xf32>,
      %shift_right_logical3A_502 = arith.constant 7 : i32
      %shift_right_logical3A_503 = vector.broadcast %shift_right_logical3A_502 : i32 to vector<16xi32>
      %shift_right_logical3A_504 = arith.shrui %shift_right_logical3A_486, %shift_right_logical3A_503 : vector<16xi32>
      %and3A_505 = arith.constant 127 : i32
      %and3A_506 = vector.broadcast %and3A_505 : i32 to vector<16xi32>
      %and3A_507 = arith.andi %shift_right_logical3A_486, %and3A_506 : vector<16xi32>
      %gather3A_508 = tpu.vector_load_idx %arg9[%shift_right_logical3A_504, %and3A_507] : memref<256x128xf32, #tpu.memory_space<vmem>>[vector<16xi32>, vector<16xi32>], vector<16xf32>,
      %mul3A_509 = arith.constant 32 : i32
      %mul3A_510 = arith.muli %scan3A_475, %mul3A_509 : i32
      %add3A_511 = arith.constant 12800 : i32
      %add3A_512 = arith.addi %add3A_511, %mul3A_510 : i32
      %add3A_513 = arith.constant 16 : i32
      %add3A_514 = arith.addi %add3A_512, %add3A_513 : i32
      %swap3A_515 = arith.index_cast %add3A_514 : i32 to index
      %swap3A_516 = tpu.vector_load %arg11[%swap3A_515] {strides = array<i32>} : memref<25600xf32, #tpu.memory_space<vmem>>, vector<16xf32>,
      tpu.vector_store %arg11[%swap3A_515], %gather3A_508 {strides = array<i32>} : memref<25600xf32, #tpu.memory_space<vmem>>, vector<16xf32>,
      %scan3A_517 = arith.constant 0 : i32
      scf.yield %scan3A_517 : i32
    }
    %scan3A_146 = arith.constant 200 : i32
    %dma_wait3A_147 = arith.constant 0 : i32
    %dma_wait3A_148 = arith.constant 0 : i32
    %dma_wait3A_149 = tpu.memref_slice %arg10[%dma_wait3A_147, %dma_wait3A_148] : memref<256x128xf32, #tpu.memory_space<vmem>> -> memref<128x128xf32, #tpu.memory_space<vmem>>
    %dma_wait3A_150 = arith.constant 384 : i32
    %dma_wait3A_151 = tpu.memref_slice %arg6[%dma_wait3A_150] : memref<512xi32, #tpu.memory_space<vmem>> -> memref<128xi32, #tpu.memory_space<vmem>>
    %dma_wait3A_152 = arith.constant 0 : i32
    %dma_wait3A_153 = arith.constant 0 : i32
    %dma_wait3A_154 = tpu.memref_slice %arg2[%dma_wait3A_152, %dma_wait3A_153] : memref<25856x128xf32, #tpu.memory_space<hbm>> -> memref<25856x128xf32, #tpu.memory_space<hbm>>
    tpu.wait_indirect_dma semaphore(%arg13 : memref<!tpu.dma_semaphore, #tpu.memory_space<semaphore_mem>>) src(%dma_wait3A_154 : memref<25856x128xf32, #tpu.memory_space<hbm>>) dst(%dma_wait3A_149 : memref<128x128xf32, #tpu.memory_space<vmem>>)
    %dma_wait3A_155 = arith.constant 128 : i32
    %dma_wait3A_156 = arith.constant 0 : i32
    %dma_wait3A_157 = tpu.memref_slice %arg10[%dma_wait3A_155, %dma_wait3A_156] : memref<256x128xf32, #tpu.memory_space<vmem>> -> memref<128x128xf32, #tpu.memory_space<vmem>>
    %dma_wait3A_158 = arith.constant 384 : i32
    %dma_wait3A_159 = tpu.memref_slice %arg7[%dma_wait3A_158] : memref<512xi32, #tpu.memory_space<vmem>> -> memref<128xi32, #tpu.memory_space<vmem>>
    %dma_wait3A_160 = arith.constant 0 : i32
    %dma_wait3A_161 = arith.constant 0 : i32
    %dma_wait3A_162 = tpu.memref_slice %arg2[%dma_wait3A_160, %dma_wait3A_161] : memref<25856x128xf32, #tpu.memory_space<hbm>> -> memref<25856x128xf32, #tpu.memory_space<hbm>>
    tpu.wait_indirect_dma semaphore(%arg13 : memref<!tpu.dma_semaphore, #tpu.memory_space<semaphore_mem>>) src(%dma_wait3A_162 : memref<25856x128xf32, #tpu.memory_space<hbm>>) dst(%dma_wait3A_157 : memref<128x128xf32, #tpu.memory_space<vmem>>)
    %scan3A_163 = arith.constant 65535 : i32
    %scan3A_164 = arith.constant 0 : i32
    %scan3A_165 = arith.constant 0 : i32
    %scan3A_166 = arith.constant 200 : i32
    %scan3A_167 = arith.addi %scan3A_165, %scan3A_166 : i32
    %scan3A_168 = arith.constant 8 : i32
    %scan3A_169 = scf.for %scan3A_171 = %scan3A_165 to %scan3A_167 step %scan3A_168 iter_args(%scan3A_172 = %scan3A_164) -> (i32)  : i32 {
      %mul3A_173 = arith.constant 16 : i32
      %mul3A_174 = arith.muli %scan3A_171, %mul3A_173 : i32
      %add3A_175 = arith.constant 9600 : i32
      %add3A_176 = arith.addi %add3A_175, %mul3A_174 : i32
      %get3A = arith.index_cast %add3A_176 : i32 to index
      %get3A_177 = tpu.vector_load %arg8[%get3A] {strides = array<i32>} : memref<12800xi32, #tpu.memory_space<vmem>>, vector<16xi32>,
      %and3A = vector.broadcast %scan3A_163 : i32 to vector<16xi32>
      %and3A_178 = arith.andi %get3A_177, %and3A : vector<16xi32>
      %shift_right_logical3A = arith.constant 16 : i32
      %shift_right_logical3A_179 = vector.broadcast %shift_right_logical3A : i32 to vector<16xi32>
      %shift_right_logical3A_180 = arith.shrui %get3A_177, %shift_right_logical3A_179 : vector<16xi32>
      %shift_right_logical3A_181 = arith.constant 7 : i32
      %shift_right_logical3A_182 = vector.broadcast %shift_right_logical3A_181 : i32 to vector<16xi32>
      %shift_right_logical3A_183 = arith.shrui %and3A_178, %shift_right_logical3A_182 : vector<16xi32>
      %and3A_184 = arith.constant 127 : i32
      %and3A_185 = vector.broadcast %and3A_184 : i32 to vector<16xi32>
      %and3A_186 = arith.andi %and3A_178, %and3A_185 : vector<16xi32>
      %gather3A = tpu.vector_load_idx %arg10[%shift_right_logical3A_183, %and3A_186] : memref<256x128xf32, #tpu.memory_space<vmem>>[vector<16xi32>, vector<16xi32>], vector<16xf32>,
      %mul3A_187 = arith.constant 32 : i32
      %mul3A_188 = arith.muli %scan3A_171, %mul3A_187 : i32
      %add3A_189 = arith.constant 19200 : i32
      %add3A_190 = arith.addi %add3A_189, %mul3A_188 : i32
      %add3A_191 = arith.constant 0 : i32
      %add3A_192 = arith.addi %add3A_190, %add3A_191 : i32
      %swap3A = arith.index_cast %add3A_192 : i32 to index
      %swap3A_193 = tpu.vector_load %arg11[%swap3A] {strides = array<i32>} : memref<25600xf32, #tpu.memory_space<vmem>>, vector<16xf32>,
      tpu.vector_store %arg11[%swap3A], %gather3A {strides = array<i32>} : memref<25600xf32, #tpu.memory_space<vmem>>, vector<16xf32>,
      %shift_right_logical3A_194 = arith.constant 7 : i32
      %shift_right_logical3A_195 = vector.broadcast %shift_right_logical3A_194 : i32 to vector<16xi32>
      %shift_right_logical3A_196 = arith.shrui %shift_right_logical3A_180, %shift_right_logical3A_195 : vector<16xi32>
      %and3A_197 = arith.constant 127 : i32
      %and3A_198 = vector.broadcast %and3A_197 : i32 to vector<16xi32>
      %and3A_199 = arith.andi %shift_right_logical3A_180, %and3A_198 : vector<16xi32>
      %gather3A_200 = tpu.vector_load_idx %arg10[%shift_right_logical3A_196, %and3A_199] : memref<256x128xf32, #tpu.memory_space<vmem>>[vector<16xi32>, vector<16xi32>], vector<16xf32>,
      %mul3A_201 = arith.constant 32 : i32
      %mul3A_202 = arith.muli %scan3A_171, %mul3A_201 : i32
      %add3A_203 = arith.constant 19200 : i32
      %add3A_204 = arith.addi %add3A_203, %mul3A_202 : i32
      %add3A_205 = arith.constant 16 : i32
      %add3A_206 = arith.addi %add3A_204, %add3A_205 : i32
      %swap3A_207 = arith.index_cast %add3A_206 : i32 to index
      %swap3A_208 = tpu.vector_load %arg11[%swap3A_207] {strides = array<i32>} : memref<25600xf32, #tpu.memory_space<vmem>>, vector<16xf32>,
      tpu.vector_store %arg11[%swap3A_207], %gather3A_200 {strides = array<i32>} : memref<25600xf32, #tpu.memory_space<vmem>>, vector<16xf32>,
      %scan3A_209 = arith.constant 0 : i32
      %scan3A_210 = arith.constant 1 : i32
      %scan3A_211 = arith.addi %scan3A_171, %scan3A_210 : i32
      %mul3A_212 = arith.constant 16 : i32
      %mul3A_213 = arith.muli %scan3A_211, %mul3A_212 : i32
      %add3A_214 = arith.constant 9600 : i32
      %add3A_215 = arith.addi %add3A_214, %mul3A_213 : i32
      %get3A_216 = arith.index_cast %add3A_215 : i32 to index
      %get3A_217 = tpu.vector_load %arg8[%get3A_216] {strides = array<i32>} : memref<12800xi32, #tpu.memory_space<vmem>>, vector<16xi32>,
      %and3A_218 = vector.broadcast %scan3A_163 : i32 to vector<16xi32>
      %and3A_219 = arith.andi %get3A_217, %and3A_218 : vector<16xi32>
      %shift_right_logical3A_220 = arith.constant 16 : i32
      %shift_right_logical3A_221 = vector.broadcast %shift_right_logical3A_220 : i32 to vector<16xi32>
      %shift_right_logical3A_222 = arith.shrui %get3A_217, %shift_right_logical3A_221 : vector<16xi32>
      %shift_right_logical3A_223 = arith.constant 7 : i32
      %shift_right_logical3A_224 = vector.broadcast %shift_right_logical3A_223 : i32 to vector<16xi32>
      %shift_right_logical3A_225 = arith.shrui %and3A_219, %shift_right_logical3A_224 : vector<16xi32>
      %and3A_226 = arith.constant 127 : i32
      %and3A_227 = vector.broadcast %and3A_226 : i32 to vector<16xi32>
      %and3A_228 = arith.andi %and3A_219, %and3A_227 : vector<16xi32>
      %gather3A_229 = tpu.vector_load_idx %arg10[%shift_right_logical3A_225, %and3A_228] : memref<256x128xf32, #tpu.memory_space<vmem>>[vector<16xi32>, vector<16xi32>], vector<16xf32>,
      %mul3A_230 = arith.constant 32 : i32
      %mul3A_231 = arith.muli %scan3A_211, %mul3A_230 : i32
      %add3A_232 = arith.constant 19200 : i32
      %add3A_233 = arith.addi %add3A_232, %mul3A_231 : i32
      %add3A_234 = arith.constant 0 : i32
      %add3A_235 = arith.addi %add3A_233, %add3A_234 : i32
      %swap3A_236 = arith.index_cast %add3A_235 : i32 to index
      %swap3A_237 = tpu.vector_load %arg11[%swap3A_236] {strides = array<i32>} : memref<25600xf32, #tpu.memory_space<vmem>>, vector<16xf32>,
      tpu.vector_store %arg11[%swap3A_236], %gather3A_229 {strides = array<i32>} : memref<25600xf32, #tpu.memory_space<vmem>>, vector<16xf32>,
      %shift_right_logical3A_238 = arith.constant 7 : i32
      %shift_right_logical3A_239 = vector.broadcast %shift_right_logical3A_238 : i32 to vector<16xi32>
      %shift_right_logical3A_240 = arith.shrui %shift_right_logical3A_222, %shift_right_logical3A_239 : vector<16xi32>
      %and3A_241 = arith.constant 127 : i32
      %and3A_242 = vector.broadcast %and3A_241 : i32 to vector<16xi32>
      %and3A_243 = arith.andi %shift_right_logical3A_222, %and3A_242 : vector<16xi32>
      %gather3A_244 = tpu.vector_load_idx %arg10[%shift_right_logical3A_240, %and3A_243] : memref<256x128xf32, #tpu.memory_space<vmem>>[vector<16xi32>, vector<16xi32>], vector<16xf32>,
      %mul3A_245 = arith.constant 32 : i32
      %mul3A_246 = arith.muli %scan3A_211, %mul3A_245 : i32
      %add3A_247 = arith.constant 19200 : i32
      %add3A_248 = arith.addi %add3A_247, %mul3A_246 : i32
      %add3A_249 = arith.constant 16 : i32
      %add3A_250 = arith.addi %add3A_248, %add3A_249 : i32
      %swap3A_251 = arith.index_cast %add3A_250 : i32 to index
      %swap3A_252 = tpu.vector_load %arg11[%swap3A_251] {strides = array<i32>} : memref<25600xf32, #tpu.memory_space<vmem>>, vector<16xf32>,
      tpu.vector_store %arg11[%swap3A_251], %gather3A_244 {strides = array<i32>} : memref<25600xf32, #tpu.memory_space<vmem>>, vector<16xf32>,
      %scan3A_253 = arith.constant 0 : i32
      %scan3A_254 = arith.constant 2 : i32
      %scan3A_255 = arith.addi %scan3A_171, %scan3A_254 : i32
      %mul3A_256 = arith.constant 16 : i32
      %mul3A_257 = arith.muli %scan3A_255, %mul3A_256 : i32
      %add3A_258 = arith.constant 9600 : i32
      %add3A_259 = arith.addi %add3A_258, %mul3A_257 : i32
      %get3A_260 = arith.index_cast %add3A_259 : i32 to index
      %get3A_261 = tpu.vector_load %arg8[%get3A_260] {strides = array<i32>} : memref<12800xi32, #tpu.memory_space<vmem>>, vector<16xi32>,
      %and3A_262 = vector.broadcast %scan3A_163 : i32 to vector<16xi32>
      %and3A_263 = arith.andi %get3A_261, %and3A_262 : vector<16xi32>
      %shift_right_logical3A_264 = arith.constant 16 : i32
      %shift_right_logical3A_265 = vector.broadcast %shift_right_logical3A_264 : i32 to vector<16xi32>
      %shift_right_logical3A_266 = arith.shrui %get3A_261, %shift_right_logical3A_265 : vector<16xi32>
      %shift_right_logical3A_267 = arith.constant 7 : i32
      %shift_right_logical3A_268 = vector.broadcast %shift_right_logical3A_267 : i32 to vector<16xi32>
      %shift_right_logical3A_269 = arith.shrui %and3A_263, %shift_right_logical3A_268 : vector<16xi32>
      %and3A_270 = arith.constant 127 : i32
      %and3A_271 = vector.broadcast %and3A_270 : i32 to vector<16xi32>
      %and3A_272 = arith.andi %and3A_263, %and3A_271 : vector<16xi32>
      %gather3A_273 = tpu.vector_load_idx %arg10[%shift_right_logical3A_269, %and3A_272] : memref<256x128xf32, #tpu.memory_space<vmem>>[vector<16xi32>, vector<16xi32>], vector<16xf32>,
      %mul3A_274 = arith.constant 32 : i32
      %mul3A_275 = arith.muli %scan3A_255, %mul3A_274 : i32
      %add3A_276 = arith.constant 19200 : i32
      %add3A_277 = arith.addi %add3A_276, %mul3A_275 : i32
      %add3A_278 = arith.constant 0 : i32
      %add3A_279 = arith.addi %add3A_277, %add3A_278 : i32
      %swap3A_280 = arith.index_cast %add3A_279 : i32 to index
      %swap3A_281 = tpu.vector_load %arg11[%swap3A_280] {strides = array<i32>} : memref<25600xf32, #tpu.memory_space<vmem>>, vector<16xf32>,
      tpu.vector_store %arg11[%swap3A_280], %gather3A_273 {strides = array<i32>} : memref<25600xf32, #tpu.memory_space<vmem>>, vector<16xf32>,
      %shift_right_logical3A_282 = arith.constant 7 : i32
      %shift_right_logical3A_283 = vector.broadcast %shift_right_logical3A_282 : i32 to vector<16xi32>
      %shift_right_logical3A_284 = arith.shrui %shift_right_logical3A_266, %shift_right_logical3A_283 : vector<16xi32>
      %and3A_285 = arith.constant 127 : i32
      %and3A_286 = vector.broadcast %and3A_285 : i32 to vector<16xi32>
      %and3A_287 = arith.andi %shift_right_logical3A_266, %and3A_286 : vector<16xi32>
      %gather3A_288 = tpu.vector_load_idx %arg10[%shift_right_logical3A_284, %and3A_287] : memref<256x128xf32, #tpu.memory_space<vmem>>[vector<16xi32>, vector<16xi32>], vector<16xf32>,
      %mul3A_289 = arith.constant 32 : i32
      %mul3A_290 = arith.muli %scan3A_255, %mul3A_289 : i32
      %add3A_291 = arith.constant 19200 : i32
      %add3A_292 = arith.addi %add3A_291, %mul3A_290 : i32
      %add3A_293 = arith.constant 16 : i32
      %add3A_294 = arith.addi %add3A_292, %add3A_293 : i32
      %swap3A_295 = arith.index_cast %add3A_294 : i32 to index
      %swap3A_296 = tpu.vector_load %arg11[%swap3A_295] {strides = array<i32>} : memref<25600xf32, #tpu.memory_space<vmem>>, vector<16xf32>,
      tpu.vector_store %arg11[%swap3A_295], %gather3A_288 {strides = array<i32>} : memref<25600xf32, #tpu.memory_space<vmem>>, vector<16xf32>,
      %scan3A_297 = arith.constant 0 : i32
      %scan3A_298 = arith.constant 3 : i32
      %scan3A_299 = arith.addi %scan3A_171, %scan3A_298 : i32
      %mul3A_300 = arith.constant 16 : i32
      %mul3A_301 = arith.muli %scan3A_299, %mul3A_300 : i32
      %add3A_302 = arith.constant 9600 : i32
      %add3A_303 = arith.addi %add3A_302, %mul3A_301 : i32
      %get3A_304 = arith.index_cast %add3A_303 : i32 to index
      %get3A_305 = tpu.vector_load %arg8[%get3A_304] {strides = array<i32>} : memref<12800xi32, #tpu.memory_space<vmem>>, vector<16xi32>,
      %and3A_306 = vector.broadcast %scan3A_163 : i32 to vector<16xi32>
      %and3A_307 = arith.andi %get3A_305, %and3A_306 : vector<16xi32>
      %shift_right_logical3A_308 = arith.constant 16 : i32
      %shift_right_logical3A_309 = vector.broadcast %shift_right_logical3A_308 : i32 to vector<16xi32>
      %shift_right_logical3A_310 = arith.shrui %get3A_305, %shift_right_logical3A_309 : vector<16xi32>
      %shift_right_logical3A_311 = arith.constant 7 : i32
      %shift_right_logical3A_312 = vector.broadcast %shift_right_logical3A_311 : i32 to vector<16xi32>
      %shift_right_logical3A_313 = arith.shrui %and3A_307, %shift_right_logical3A_312 : vector<16xi32>
      %and3A_314 = arith.constant 127 : i32
      %and3A_315 = vector.broadcast %and3A_314 : i32 to vector<16xi32>
      %and3A_316 = arith.andi %and3A_307, %and3A_315 : vector<16xi32>
      %gather3A_317 = tpu.vector_load_idx %arg10[%shift_right_logical3A_313, %and3A_316] : memref<256x128xf32, #tpu.memory_space<vmem>>[vector<16xi32>, vector<16xi32>], vector<16xf32>,
      %mul3A_318 = arith.constant 32 : i32
      %mul3A_319 = arith.muli %scan3A_299, %mul3A_318 : i32
      %add3A_320 = arith.constant 19200 : i32
      %add3A_321 = arith.addi %add3A_320, %mul3A_319 : i32
      %add3A_322 = arith.constant 0 : i32
      %add3A_323 = arith.addi %add3A_321, %add3A_322 : i32
      %swap3A_324 = arith.index_cast %add3A_323 : i32 to index
      %swap3A_325 = tpu.vector_load %arg11[%swap3A_324] {strides = array<i32>} : memref<25600xf32, #tpu.memory_space<vmem>>, vector<16xf32>,
      tpu.vector_store %arg11[%swap3A_324], %gather3A_317 {strides = array<i32>} : memref<25600xf32, #tpu.memory_space<vmem>>, vector<16xf32>,
      %shift_right_logical3A_326 = arith.constant 7 : i32
      %shift_right_logical3A_327 = vector.broadcast %shift_right_logical3A_326 : i32 to vector<16xi32>
      %shift_right_logical3A_328 = arith.shrui %shift_right_logical3A_310, %shift_right_logical3A_327 : vector<16xi32>
      %and3A_329 = arith.constant 127 : i32
      %and3A_330 = vector.broadcast %and3A_329 : i32 to vector<16xi32>
      %and3A_331 = arith.andi %shift_right_logical3A_310, %and3A_330 : vector<16xi32>
      %gather3A_332 = tpu.vector_load_idx %arg10[%shift_right_logical3A_328, %and3A_331] : memref<256x128xf32, #tpu.memory_space<vmem>>[vector<16xi32>, vector<16xi32>], vector<16xf32>,
      %mul3A_333 = arith.constant 32 : i32
      %mul3A_334 = arith.muli %scan3A_299, %mul3A_333 : i32
      %add3A_335 = arith.constant 19200 : i32
      %add3A_336 = arith.addi %add3A_335, %mul3A_334 : i32
      %add3A_337 = arith.constant 16 : i32
      %add3A_338 = arith.addi %add3A_336, %add3A_337 : i32
      %swap3A_339 = arith.index_cast %add3A_338 : i32 to index
      %swap3A_340 = tpu.vector_load %arg11[%swap3A_339] {strides = array<i32>} : memref<25600xf32, #tpu.memory_space<vmem>>, vector<16xf32>,
      tpu.vector_store %arg11[%swap3A_339], %gather3A_332 {strides = array<i32>} : memref<25600xf32, #tpu.memory_space<vmem>>, vector<16xf32>,
      %scan3A_341 = arith.constant 0 : i32
      %scan3A_342 = arith.constant 4 : i32
      %scan3A_343 = arith.addi %scan3A_171, %scan3A_342 : i32
      %mul3A_344 = arith.constant 16 : i32
      %mul3A_345 = arith.muli %scan3A_343, %mul3A_344 : i32
      %add3A_346 = arith.constant 9600 : i32
      %add3A_347 = arith.addi %add3A_346, %mul3A_345 : i32
      %get3A_348 = arith.index_cast %add3A_347 : i32 to index
      %get3A_349 = tpu.vector_load %arg8[%get3A_348] {strides = array<i32>} : memref<12800xi32, #tpu.memory_space<vmem>>, vector<16xi32>,
      %and3A_350 = vector.broadcast %scan3A_163 : i32 to vector<16xi32>
      %and3A_351 = arith.andi %get3A_349, %and3A_350 : vector<16xi32>
      %shift_right_logical3A_352 = arith.constant 16 : i32
      %shift_right_logical3A_353 = vector.broadcast %shift_right_logical3A_352 : i32 to vector<16xi32>
      %shift_right_logical3A_354 = arith.shrui %get3A_349, %shift_right_logical3A_353 : vector<16xi32>
      %shift_right_logical3A_355 = arith.constant 7 : i32
      %shift_right_logical3A_356 = vector.broadcast %shift_right_logical3A_355 : i32 to vector<16xi32>
      %shift_right_logical3A_357 = arith.shrui %and3A_351, %shift_right_logical3A_356 : vector<16xi32>
      %and3A_358 = arith.constant 127 : i32
      %and3A_359 = vector.broadcast %and3A_358 : i32 to vector<16xi32>
      %and3A_360 = arith.andi %and3A_351, %and3A_359 : vector<16xi32>
      %gather3A_361 = tpu.vector_load_idx %arg10[%shift_right_logical3A_357, %and3A_360] : memref<256x128xf32, #tpu.memory_space<vmem>>[vector<16xi32>, vector<16xi32>], vector<16xf32>,
      %mul3A_362 = arith.constant 32 : i32
      %mul3A_363 = arith.muli %scan3A_343, %mul3A_362 : i32
      %add3A_364 = arith.constant 19200 : i32
      %add3A_365 = arith.addi %add3A_364, %mul3A_363 : i32
      %add3A_366 = arith.constant 0 : i32
      %add3A_367 = arith.addi %add3A_365, %add3A_366 : i32
      %swap3A_368 = arith.index_cast %add3A_367 : i32 to index
      %swap3A_369 = tpu.vector_load %arg11[%swap3A_368] {strides = array<i32>} : memref<25600xf32, #tpu.memory_space<vmem>>, vector<16xf32>,
      tpu.vector_store %arg11[%swap3A_368], %gather3A_361 {strides = array<i32>} : memref<25600xf32, #tpu.memory_space<vmem>>, vector<16xf32>,
      %shift_right_logical3A_370 = arith.constant 7 : i32
      %shift_right_logical3A_371 = vector.broadcast %shift_right_logical3A_370 : i32 to vector<16xi32>
      %shift_right_logical3A_372 = arith.shrui %shift_right_logical3A_354, %shift_right_logical3A_371 : vector<16xi32>
      %and3A_373 = arith.constant 127 : i32
      %and3A_374 = vector.broadcast %and3A_373 : i32 to vector<16xi32>
      %and3A_375 = arith.andi %shift_right_logical3A_354, %and3A_374 : vector<16xi32>
      %gather3A_376 = tpu.vector_load_idx %arg10[%shift_right_logical3A_372, %and3A_375] : memref<256x128xf32, #tpu.memory_space<vmem>>[vector<16xi32>, vector<16xi32>], vector<16xf32>,
      %mul3A_377 = arith.constant 32 : i32
      %mul3A_378 = arith.muli %scan3A_343, %mul3A_377 : i32
      %add3A_379 = arith.constant 19200 : i32
      %add3A_380 = arith.addi %add3A_379, %mul3A_378 : i32
      %add3A_381 = arith.constant 16 : i32
      %add3A_382 = arith.addi %add3A_380, %add3A_381 : i32
      %swap3A_383 = arith.index_cast %add3A_382 : i32 to index
      %swap3A_384 = tpu.vector_load %arg11[%swap3A_383] {strides = array<i32>} : memref<25600xf32, #tpu.memory_space<vmem>>, vector<16xf32>,
      tpu.vector_store %arg11[%swap3A_383], %gather3A_376 {strides = array<i32>} : memref<25600xf32, #tpu.memory_space<vmem>>, vector<16xf32>,
      %scan3A_385 = arith.constant 0 : i32
      %scan3A_386 = arith.constant 5 : i32
      %scan3A_387 = arith.addi %scan3A_171, %scan3A_386 : i32
      %mul3A_388 = arith.constant 16 : i32
      %mul3A_389 = arith.muli %scan3A_387, %mul3A_388 : i32
      %add3A_390 = arith.constant 9600 : i32
      %add3A_391 = arith.addi %add3A_390, %mul3A_389 : i32
      %get3A_392 = arith.index_cast %add3A_391 : i32 to index
      %get3A_393 = tpu.vector_load %arg8[%get3A_392] {strides = array<i32>} : memref<12800xi32, #tpu.memory_space<vmem>>, vector<16xi32>,
      %and3A_394 = vector.broadcast %scan3A_163 : i32 to vector<16xi32>
      %and3A_395 = arith.andi %get3A_393, %and3A_394 : vector<16xi32>
      %shift_right_logical3A_396 = arith.constant 16 : i32
      %shift_right_logical3A_397 = vector.broadcast %shift_right_logical3A_396 : i32 to vector<16xi32>
      %shift_right_logical3A_398 = arith.shrui %get3A_393, %shift_right_logical3A_397 : vector<16xi32>
      %shift_right_logical3A_399 = arith.constant 7 : i32
      %shift_right_logical3A_400 = vector.broadcast %shift_right_logical3A_399 : i32 to vector<16xi32>
      %shift_right_logical3A_401 = arith.shrui %and3A_395, %shift_right_logical3A_400 : vector<16xi32>
      %and3A_402 = arith.constant 127 : i32
      %and3A_403 = vector.broadcast %and3A_402 : i32 to vector<16xi32>
      %and3A_404 = arith.andi %and3A_395, %and3A_403 : vector<16xi32>
      %gather3A_405 = tpu.vector_load_idx %arg10[%shift_right_logical3A_401, %and3A_404] : memref<256x128xf32, #tpu.memory_space<vmem>>[vector<16xi32>, vector<16xi32>], vector<16xf32>,
      %mul3A_406 = arith.constant 32 : i32
      %mul3A_407 = arith.muli %scan3A_387, %mul3A_406 : i32
      %add3A_408 = arith.constant 19200 : i32
      %add3A_409 = arith.addi %add3A_408, %mul3A_407 : i32
      %add3A_410 = arith.constant 0 : i32
      %add3A_411 = arith.addi %add3A_409, %add3A_410 : i32
      %swap3A_412 = arith.index_cast %add3A_411 : i32 to index
      %swap3A_413 = tpu.vector_load %arg11[%swap3A_412] {strides = array<i32>} : memref<25600xf32, #tpu.memory_space<vmem>>, vector<16xf32>,
      tpu.vector_store %arg11[%swap3A_412], %gather3A_405 {strides = array<i32>} : memref<25600xf32, #tpu.memory_space<vmem>>, vector<16xf32>,
      %shift_right_logical3A_414 = arith.constant 7 : i32
      %shift_right_logical3A_415 = vector.broadcast %shift_right_logical3A_414 : i32 to vector<16xi32>
      %shift_right_logical3A_416 = arith.shrui %shift_right_logical3A_398, %shift_right_logical3A_415 : vector<16xi32>
      %and3A_417 = arith.constant 127 : i32
      %and3A_418 = vector.broadcast %and3A_417 : i32 to vector<16xi32>
      %and3A_419 = arith.andi %shift_right_logical3A_398, %and3A_418 : vector<16xi32>
      %gather3A_420 = tpu.vector_load_idx %arg10[%shift_right_logical3A_416, %and3A_419] : memref<256x128xf32, #tpu.memory_space<vmem>>[vector<16xi32>, vector<16xi32>], vector<16xf32>,
      %mul3A_421 = arith.constant 32 : i32
      %mul3A_422 = arith.muli %scan3A_387, %mul3A_421 : i32
      %add3A_423 = arith.constant 19200 : i32
      %add3A_424 = arith.addi %add3A_423, %mul3A_422 : i32
      %add3A_425 = arith.constant 16 : i32
      %add3A_426 = arith.addi %add3A_424, %add3A_425 : i32
      %swap3A_427 = arith.index_cast %add3A_426 : i32 to index
      %swap3A_428 = tpu.vector_load %arg11[%swap3A_427] {strides = array<i32>} : memref<25600xf32, #tpu.memory_space<vmem>>, vector<16xf32>,
      tpu.vector_store %arg11[%swap3A_427], %gather3A_420 {strides = array<i32>} : memref<25600xf32, #tpu.memory_space<vmem>>, vector<16xf32>,
      %scan3A_429 = arith.constant 0 : i32
      %scan3A_430 = arith.constant 6 : i32
      %scan3A_431 = arith.addi %scan3A_171, %scan3A_430 : i32
      %mul3A_432 = arith.constant 16 : i32
      %mul3A_433 = arith.muli %scan3A_431, %mul3A_432 : i32
      %add3A_434 = arith.constant 9600 : i32
      %add3A_435 = arith.addi %add3A_434, %mul3A_433 : i32
      %get3A_436 = arith.index_cast %add3A_435 : i32 to index
      %get3A_437 = tpu.vector_load %arg8[%get3A_436] {strides = array<i32>} : memref<12800xi32, #tpu.memory_space<vmem>>, vector<16xi32>,
      %and3A_438 = vector.broadcast %scan3A_163 : i32 to vector<16xi32>
      %and3A_439 = arith.andi %get3A_437, %and3A_438 : vector<16xi32>
      %shift_right_logical3A_440 = arith.constant 16 : i32
      %shift_right_logical3A_441 = vector.broadcast %shift_right_logical3A_440 : i32 to vector<16xi32>
      %shift_right_logical3A_442 = arith.shrui %get3A_437, %shift_right_logical3A_441 : vector<16xi32>
      %shift_right_logical3A_443 = arith.constant 7 : i32
      %shift_right_logical3A_444 = vector.broadcast %shift_right_logical3A_443 : i32 to vector<16xi32>
      %shift_right_logical3A_445 = arith.shrui %and3A_439, %shift_right_logical3A_444 : vector<16xi32>
      %and3A_446 = arith.constant 127 : i32
      %and3A_447 = vector.broadcast %and3A_446 : i32 to vector<16xi32>
      %and3A_448 = arith.andi %and3A_439, %and3A_447 : vector<16xi32>
      %gather3A_449 = tpu.vector_load_idx %arg10[%shift_right_logical3A_445, %and3A_448] : memref<256x128xf32, #tpu.memory_space<vmem>>[vector<16xi32>, vector<16xi32>], vector<16xf32>,
      %mul3A_450 = arith.constant 32 : i32
      %mul3A_451 = arith.muli %scan3A_431, %mul3A_450 : i32
      %add3A_452 = arith.constant 19200 : i32
      %add3A_453 = arith.addi %add3A_452, %mul3A_451 : i32
      %add3A_454 = arith.constant 0 : i32
      %add3A_455 = arith.addi %add3A_453, %add3A_454 : i32
      %swap3A_456 = arith.index_cast %add3A_455 : i32 to index
      %swap3A_457 = tpu.vector_load %arg11[%swap3A_456] {strides = array<i32>} : memref<25600xf32, #tpu.memory_space<vmem>>, vector<16xf32>,
      tpu.vector_store %arg11[%swap3A_456], %gather3A_449 {strides = array<i32>} : memref<25600xf32, #tpu.memory_space<vmem>>, vector<16xf32>,
      %shift_right_logical3A_458 = arith.constant 7 : i32
      %shift_right_logical3A_459 = vector.broadcast %shift_right_logical3A_458 : i32 to vector<16xi32>
      %shift_right_logical3A_460 = arith.shrui %shift_right_logical3A_442, %shift_right_logical3A_459 : vector<16xi32>
      %and3A_461 = arith.constant 127 : i32
      %and3A_462 = vector.broadcast %and3A_461 : i32 to vector<16xi32>
      %and3A_463 = arith.andi %shift_right_logical3A_442, %and3A_462 : vector<16xi32>
      %gather3A_464 = tpu.vector_load_idx %arg10[%shift_right_logical3A_460, %and3A_463] : memref<256x128xf32, #tpu.memory_space<vmem>>[vector<16xi32>, vector<16xi32>], vector<16xf32>,
      %mul3A_465 = arith.constant 32 : i32
      %mul3A_466 = arith.muli %scan3A_431, %mul3A_465 : i32
      %add3A_467 = arith.constant 19200 : i32
      %add3A_468 = arith.addi %add3A_467, %mul3A_466 : i32
      %add3A_469 = arith.constant 16 : i32
      %add3A_470 = arith.addi %add3A_468, %add3A_469 : i32
      %swap3A_471 = arith.index_cast %add3A_470 : i32 to index
      %swap3A_472 = tpu.vector_load %arg11[%swap3A_471] {strides = array<i32>} : memref<25600xf32, #tpu.memory_space<vmem>>, vector<16xf32>,
      tpu.vector_store %arg11[%swap3A_471], %gather3A_464 {strides = array<i32>} : memref<25600xf32, #tpu.memory_space<vmem>>, vector<16xf32>,
      %scan3A_473 = arith.constant 0 : i32
      %scan3A_474 = arith.constant 7 : i32
      %scan3A_475 = arith.addi %scan3A_171, %scan3A_474 : i32
      %mul3A_476 = arith.constant 16 : i32
      %mul3A_477 = arith.muli %scan3A_475, %mul3A_476 : i32
      %add3A_478 = arith.constant 9600 : i32
      %add3A_479 = arith.addi %add3A_478, %mul3A_477 : i32
      %get3A_480 = arith.index_cast %add3A_479 : i32 to index
      %get3A_481 = tpu.vector_load %arg8[%get3A_480] {strides = array<i32>} : memref<12800xi32, #tpu.memory_space<vmem>>, vector<16xi32>,
      %and3A_482 = vector.broadcast %scan3A_163 : i32 to vector<16xi32>
      %and3A_483 = arith.andi %get3A_481, %and3A_482 : vector<16xi32>
      %shift_right_logical3A_484 = arith.constant 16 : i32
      %shift_right_logical3A_485 = vector.broadcast %shift_right_logical3A_484 : i32 to vector<16xi32>
      %shift_right_logical3A_486 = arith.shrui %get3A_481, %shift_right_logical3A_485 : vector<16xi32>
      %shift_right_logical3A_487 = arith.constant 7 : i32
      %shift_right_logical3A_488 = vector.broadcast %shift_right_logical3A_487 : i32 to vector<16xi32>
      %shift_right_logical3A_489 = arith.shrui %and3A_483, %shift_right_logical3A_488 : vector<16xi32>
      %and3A_490 = arith.constant 127 : i32
      %and3A_491 = vector.broadcast %and3A_490 : i32 to vector<16xi32>
      %and3A_492 = arith.andi %and3A_483, %and3A_491 : vector<16xi32>
      %gather3A_493 = tpu.vector_load_idx %arg10[%shift_right_logical3A_489, %and3A_492] : memref<256x128xf32, #tpu.memory_space<vmem>>[vector<16xi32>, vector<16xi32>], vector<16xf32>,
      %mul3A_494 = arith.constant 32 : i32
      %mul3A_495 = arith.muli %scan3A_475, %mul3A_494 : i32
      %add3A_496 = arith.constant 19200 : i32
      %add3A_497 = arith.addi %add3A_496, %mul3A_495 : i32
      %add3A_498 = arith.constant 0 : i32
      %add3A_499 = arith.addi %add3A_497, %add3A_498 : i32
      %swap3A_500 = arith.index_cast %add3A_499 : i32 to index
      %swap3A_501 = tpu.vector_load %arg11[%swap3A_500] {strides = array<i32>} : memref<25600xf32, #tpu.memory_space<vmem>>, vector<16xf32>,
      tpu.vector_store %arg11[%swap3A_500], %gather3A_493 {strides = array<i32>} : memref<25600xf32, #tpu.memory_space<vmem>>, vector<16xf32>,
      %shift_right_logical3A_502 = arith.constant 7 : i32
      %shift_right_logical3A_503 = vector.broadcast %shift_right_logical3A_502 : i32 to vector<16xi32>
      %shift_right_logical3A_504 = arith.shrui %shift_right_logical3A_486, %shift_right_logical3A_503 : vector<16xi32>
      %and3A_505 = arith.constant 127 : i32
      %and3A_506 = vector.broadcast %and3A_505 : i32 to vector<16xi32>
      %and3A_507 = arith.andi %shift_right_logical3A_486, %and3A_506 : vector<16xi32>
      %gather3A_508 = tpu.vector_load_idx %arg10[%shift_right_logical3A_504, %and3A_507] : memref<256x128xf32, #tpu.memory_space<vmem>>[vector<16xi32>, vector<16xi32>], vector<16xf32>,
      %mul3A_509 = arith.constant 32 : i32
      %mul3A_510 = arith.muli %scan3A_475, %mul3A_509 : i32
      %add3A_511 = arith.constant 19200 : i32
      %add3A_512 = arith.addi %add3A_511, %mul3A_510 : i32
      %add3A_513 = arith.constant 16 : i32
      %add3A_514 = arith.addi %add3A_512, %add3A_513 : i32
      %swap3A_515 = arith.index_cast %add3A_514 : i32 to index
      %swap3A_516 = tpu.vector_load %arg11[%swap3A_515] {strides = array<i32>} : memref<25600xf32, #tpu.memory_space<vmem>>, vector<16xf32>,
      tpu.vector_store %arg11[%swap3A_515], %gather3A_508 {strides = array<i32>} : memref<25600xf32, #tpu.memory_space<vmem>>, vector<16xf32>,
      %scan3A_517 = arith.constant 0 : i32
      scf.yield %scan3A_517 : i32
    }
    %scan3A_170 = arith.constant 200 : i32
    "tpu.region"() ({
      %run_scoped3A = tpu.sem_alloc : memref<!tpu.dma_semaphore, #tpu.memory_space<semaphore_mem>>
      %dma_start3A_171 = tpu.memref_slice %arg5[%mul3A_6] : memref<819200xf32, #tpu.memory_space<hbm>> -> memref<25600xf32, #tpu.memory_space<hbm>>
      %dma_start3A_172 = tpu.memref_slice %arg5[%mul3A_6] : memref<819200xf32, #tpu.memory_space<hbm>> -> memref<25600xf32, #tpu.memory_space<hbm>>
      tpu.enqueue_dma source(%arg11 : memref<25600xf32, #tpu.memory_space<vmem>>) target(%dma_start3A_172 : memref<25600xf32, #tpu.memory_space<hbm>>) target_semaphore(%run_scoped3A : memref<!tpu.dma_semaphore, #tpu.memory_space<semaphore_mem>>)
      %dma_wait3A_173 = tpu.memref_slice %arg5[%mul3A_6] : memref<819200xf32, #tpu.memory_space<hbm>> -> memref<25600xf32, #tpu.memory_space<hbm>>
      %dma_wait3A_174 = tpu.memref_slice %arg5[%mul3A_6] : memref<819200xf32, #tpu.memory_space<hbm>> -> memref<25600xf32, #tpu.memory_space<hbm>>
      tpu.wait_dma2 semaphore(%run_scoped3A : memref<!tpu.dma_semaphore, #tpu.memory_space<semaphore_mem>>) src(%arg11 : memref<25600xf32, #tpu.memory_space<vmem>>) dst(%dma_wait3A_174 : memref<25600xf32, #tpu.memory_space<hbm>>)
      tpu.yield
    }) : () -> ()
    return
  }
}

module attributes {stable_mosaic.version = 14 : i64} {
  func.func @_offsets_body(%arg0: i32, %arg1: memref<200x512xi32, #tpu.memory_space<vmem>>, %arg2: memref<50x512xi32, #tpu.memory_space<vmem>>, %arg3: memref<1x512xi32, #tpu.memory_space<vmem>>, %arg4: memref<25x512xi32, #tpu.memory_space<vmem>>, %arg5: memref<1xi32, #tpu.memory_space<smem>>) attributes {dimension_semantics = [#tpu.dimension_semantics<arbitrary>], iteration_bounds = array<i64: 32>, scalar_prefetch = 0 : i64, scratch_operands = 1 : i64, tpu.core_type = #tpu.core_type<tc>, window_params = [{transform_indices = @transform_0, window_bounds = array<i64: 200, 512>}, {transform_indices = @transform_1, window_bounds = array<i64: 50, 512>}, {transform_indices = @transform_2, window_bounds = array<i64: 1, 512>}, {transform_indices = @transform_3, window_bounds = array<i64: 25, 512>}]} {
    %eq3A = arith.constant 0 : i32
    %eq3A_0 = arith.cmpi eq, %arg0, %eq3A : i32
    %convert_element_type3A = arith.extui %eq3A_0 : i1 to i32
    %cond3A = arith.constant 0 : i32
    %cond3A_1 = arith.cmpi ne, %convert_element_type3A, %cond3A : i32
    scf.if %cond3A_1 {
      %swap3A_128 = arith.constant 0 : i32
      %swap3A_129 = arith.constant 0 : index
      %swap3A_130 = memref.load %arg5[%swap3A_129] : memref<1xi32, #tpu.memory_space<smem>>
      memref.store %swap3A_128, %arg5[%swap3A_129] : memref<1xi32, #tpu.memory_space<smem>>
    } else {
    }
    %iota3A = tpu.iota {dimensions = array<i32: 0>} : vector<32x512xi32>
    %broadcast_in_dim3A = arith.constant 0 : i32
    %broadcast_in_dim3A_2 = vector.broadcast %broadcast_in_dim3A : i32 to vector<32x512xi32>
    %scan3A = arith.constant 0 : i32
    %scan3A_3 = arith.constant 200 : i32
    %scan3A_4 = arith.addi %scan3A, %scan3A_3 : i32
    %scan3A_5 = arith.constant 8 : i32
    %scan3A_6 = scf.for %scan3A_128 = %scan3A to %scan3A_4 step %scan3A_5 iter_args(%scan3A_129 = %broadcast_in_dim3A_2) -> (vector<32x512xi32>)  : i32 {
      %get3A_130 = arith.index_cast %scan3A_128 : i32 to index
      %get3A_131 = arith.constant 0 : index
      %get3A_132 = vector.load %arg1[%get3A_130, %get3A_131] : memref<200x512xi32, #tpu.memory_space<vmem>>, vector<1x512xi32>
      %shift_right_logical3A_133 = arith.constant 5 : i32
      %shift_right_logical3A_134 = vector.broadcast %shift_right_logical3A_133 : i32 to vector<1x512xi32>
      %shift_right_logical3A_135 = arith.shrui %get3A_132, %shift_right_logical3A_134 : vector<1x512xi32>
      %and3A_136 = arith.constant 31 : i32
      %and3A_137 = vector.broadcast %and3A_136 : i32 to vector<1x512xi32>
      %and3A_138 = arith.andi %get3A_132, %and3A_137 : vector<1x512xi32>
      %shift_left3A_139 = arith.constant 1 : i32
      %shift_left3A_140 = vector.broadcast %shift_left3A_139 : i32 to vector<1x512xi32>
      %shift_left3A_141 = arith.shli %shift_left3A_140, %and3A_138 : vector<1x512xi32>
      %eq3A_142 = vector.broadcast %shift_right_logical3A_135 : vector<1x512xi32> to vector<32x512xi32>
      %eq3A_143 = arith.cmpi eq, %iota3A, %eq3A_142 : vector<32x512xi32>
      %jit3A_144 = arith.constant 0 : i32
      %broadcast_in_dim3A_145 = vector.shape_cast %shift_left3A_141 : vector<1x512xi32> to vector<1x512xi32>
      %broadcast_in_dim3A_146 = vector.broadcast %broadcast_in_dim3A_145 : vector<1x512xi32> to vector<32x512xi32>
      %broadcast_in_dim3A_147 = vector.broadcast %jit3A_144 : i32 to vector<32x512xi32>
      %select_n3A_148 = arith.select %eq3A_143, %broadcast_in_dim3A_146, %broadcast_in_dim3A_147 : vector<32x512xi1>, vector<32x512xi32>
      %or3A_149 = arith.ori %scan3A_129, %select_n3A_148 : vector<32x512xi32>
      %scan3A_150 = arith.constant 1 : i32
      %scan3A_151 = arith.addi %scan3A_128, %scan3A_150 : i32
      %get3A_152 = arith.index_cast %scan3A_151 : i32 to index
      %get3A_153 = arith.constant 0 : index
      %get3A_154 = vector.load %arg1[%get3A_152, %get3A_153] : memref<200x512xi32, #tpu.memory_space<vmem>>, vector<1x512xi32>
      %shift_right_logical3A_155 = arith.constant 5 : i32
      %shift_right_logical3A_156 = vector.broadcast %shift_right_logical3A_155 : i32 to vector<1x512xi32>
      %shift_right_logical3A_157 = arith.shrui %get3A_154, %shift_right_logical3A_156 : vector<1x512xi32>
      %and3A_158 = arith.constant 31 : i32
      %and3A_159 = vector.broadcast %and3A_158 : i32 to vector<1x512xi32>
      %and3A_160 = arith.andi %get3A_154, %and3A_159 : vector<1x512xi32>
      %shift_left3A_161 = arith.constant 1 : i32
      %shift_left3A_162 = vector.broadcast %shift_left3A_161 : i32 to vector<1x512xi32>
      %shift_left3A_163 = arith.shli %shift_left3A_162, %and3A_160 : vector<1x512xi32>
      %eq3A_164 = vector.broadcast %shift_right_logical3A_157 : vector<1x512xi32> to vector<32x512xi32>
      %eq3A_165 = arith.cmpi eq, %iota3A, %eq3A_164 : vector<32x512xi32>
      %jit3A_166 = arith.constant 0 : i32
      %broadcast_in_dim3A_167 = vector.shape_cast %shift_left3A_163 : vector<1x512xi32> to vector<1x512xi32>
      %broadcast_in_dim3A_168 = vector.broadcast %broadcast_in_dim3A_167 : vector<1x512xi32> to vector<32x512xi32>
      %broadcast_in_dim3A_169 = vector.broadcast %jit3A_166 : i32 to vector<32x512xi32>
      %select_n3A_170 = arith.select %eq3A_165, %broadcast_in_dim3A_168, %broadcast_in_dim3A_169 : vector<32x512xi1>, vector<32x512xi32>
      %or3A_171 = arith.ori %or3A_149, %select_n3A_170 : vector<32x512xi32>
      %scan3A_172 = arith.constant 2 : i32
      %scan3A_173 = arith.addi %scan3A_128, %scan3A_172 : i32
      %get3A_174 = arith.index_cast %scan3A_173 : i32 to index
      %get3A_175 = arith.constant 0 : index
      %get3A_176 = vector.load %arg1[%get3A_174, %get3A_175] : memref<200x512xi32, #tpu.memory_space<vmem>>, vector<1x512xi32>
      %shift_right_logical3A_177 = arith.constant 5 : i32
      %shift_right_logical3A_178 = vector.broadcast %shift_right_logical3A_177 : i32 to vector<1x512xi32>
      %shift_right_logical3A_179 = arith.shrui %get3A_176, %shift_right_logical3A_178 : vector<1x512xi32>
      %and3A_180 = arith.constant 31 : i32
      %and3A_181 = vector.broadcast %and3A_180 : i32 to vector<1x512xi32>
      %and3A_182 = arith.andi %get3A_176, %and3A_181 : vector<1x512xi32>
      %shift_left3A_183 = arith.constant 1 : i32
      %shift_left3A_184 = vector.broadcast %shift_left3A_183 : i32 to vector<1x512xi32>
      %shift_left3A_185 = arith.shli %shift_left3A_184, %and3A_182 : vector<1x512xi32>
      %eq3A_186 = vector.broadcast %shift_right_logical3A_179 : vector<1x512xi32> to vector<32x512xi32>
      %eq3A_187 = arith.cmpi eq, %iota3A, %eq3A_186 : vector<32x512xi32>
      %jit3A_188 = arith.constant 0 : i32
      %broadcast_in_dim3A_189 = vector.shape_cast %shift_left3A_185 : vector<1x512xi32> to vector<1x512xi32>
      %broadcast_in_dim3A_190 = vector.broadcast %broadcast_in_dim3A_189 : vector<1x512xi32> to vector<32x512xi32>
      %broadcast_in_dim3A_191 = vector.broadcast %jit3A_188 : i32 to vector<32x512xi32>
      %select_n3A_192 = arith.select %eq3A_187, %broadcast_in_dim3A_190, %broadcast_in_dim3A_191 : vector<32x512xi1>, vector<32x512xi32>
      %or3A_193 = arith.ori %or3A_171, %select_n3A_192 : vector<32x512xi32>
      %scan3A_194 = arith.constant 3 : i32
      %scan3A_195 = arith.addi %scan3A_128, %scan3A_194 : i32
      %get3A_196 = arith.index_cast %scan3A_195 : i32 to index
      %get3A_197 = arith.constant 0 : index
      %get3A_198 = vector.load %arg1[%get3A_196, %get3A_197] : memref<200x512xi32, #tpu.memory_space<vmem>>, vector<1x512xi32>
      %shift_right_logical3A_199 = arith.constant 5 : i32
      %shift_right_logical3A_200 = vector.broadcast %shift_right_logical3A_199 : i32 to vector<1x512xi32>
      %shift_right_logical3A_201 = arith.shrui %get3A_198, %shift_right_logical3A_200 : vector<1x512xi32>
      %and3A_202 = arith.constant 31 : i32
      %and3A_203 = vector.broadcast %and3A_202 : i32 to vector<1x512xi32>
      %and3A_204 = arith.andi %get3A_198, %and3A_203 : vector<1x512xi32>
      %shift_left3A_205 = arith.constant 1 : i32
      %shift_left3A_206 = vector.broadcast %shift_left3A_205 : i32 to vector<1x512xi32>
      %shift_left3A_207 = arith.shli %shift_left3A_206, %and3A_204 : vector<1x512xi32>
      %eq3A_208 = vector.broadcast %shift_right_logical3A_201 : vector<1x512xi32> to vector<32x512xi32>
      %eq3A_209 = arith.cmpi eq, %iota3A, %eq3A_208 : vector<32x512xi32>
      %jit3A_210 = arith.constant 0 : i32
      %broadcast_in_dim3A_211 = vector.shape_cast %shift_left3A_207 : vector<1x512xi32> to vector<1x512xi32>
      %broadcast_in_dim3A_212 = vector.broadcast %broadcast_in_dim3A_211 : vector<1x512xi32> to vector<32x512xi32>
      %broadcast_in_dim3A_213 = vector.broadcast %jit3A_210 : i32 to vector<32x512xi32>
      %select_n3A_214 = arith.select %eq3A_209, %broadcast_in_dim3A_212, %broadcast_in_dim3A_213 : vector<32x512xi1>, vector<32x512xi32>
      %or3A_215 = arith.ori %or3A_193, %select_n3A_214 : vector<32x512xi32>
      %scan3A_216 = arith.constant 4 : i32
      %scan3A_217 = arith.addi %scan3A_128, %scan3A_216 : i32
      %get3A_218 = arith.index_cast %scan3A_217 : i32 to index
      %get3A_219 = arith.constant 0 : index
      %get3A_220 = vector.load %arg1[%get3A_218, %get3A_219] : memref<200x512xi32, #tpu.memory_space<vmem>>, vector<1x512xi32>
      %shift_right_logical3A_221 = arith.constant 5 : i32
      %shift_right_logical3A_222 = vector.broadcast %shift_right_logical3A_221 : i32 to vector<1x512xi32>
      %shift_right_logical3A_223 = arith.shrui %get3A_220, %shift_right_logical3A_222 : vector<1x512xi32>
      %and3A_224 = arith.constant 31 : i32
      %and3A_225 = vector.broadcast %and3A_224 : i32 to vector<1x512xi32>
      %and3A_226 = arith.andi %get3A_220, %and3A_225 : vector<1x512xi32>
      %shift_left3A_227 = arith.constant 1 : i32
      %shift_left3A_228 = vector.broadcast %shift_left3A_227 : i32 to vector<1x512xi32>
      %shift_left3A_229 = arith.shli %shift_left3A_228, %and3A_226 : vector<1x512xi32>
      %eq3A_230 = vector.broadcast %shift_right_logical3A_223 : vector<1x512xi32> to vector<32x512xi32>
      %eq3A_231 = arith.cmpi eq, %iota3A, %eq3A_230 : vector<32x512xi32>
      %jit3A_232 = arith.constant 0 : i32
      %broadcast_in_dim3A_233 = vector.shape_cast %shift_left3A_229 : vector<1x512xi32> to vector<1x512xi32>
      %broadcast_in_dim3A_234 = vector.broadcast %broadcast_in_dim3A_233 : vector<1x512xi32> to vector<32x512xi32>
      %broadcast_in_dim3A_235 = vector.broadcast %jit3A_232 : i32 to vector<32x512xi32>
      %select_n3A_236 = arith.select %eq3A_231, %broadcast_in_dim3A_234, %broadcast_in_dim3A_235 : vector<32x512xi1>, vector<32x512xi32>
      %or3A_237 = arith.ori %or3A_215, %select_n3A_236 : vector<32x512xi32>
      %scan3A_238 = arith.constant 5 : i32
      %scan3A_239 = arith.addi %scan3A_128, %scan3A_238 : i32
      %get3A_240 = arith.index_cast %scan3A_239 : i32 to index
      %get3A_241 = arith.constant 0 : index
      %get3A_242 = vector.load %arg1[%get3A_240, %get3A_241] : memref<200x512xi32, #tpu.memory_space<vmem>>, vector<1x512xi32>
      %shift_right_logical3A_243 = arith.constant 5 : i32
      %shift_right_logical3A_244 = vector.broadcast %shift_right_logical3A_243 : i32 to vector<1x512xi32>
      %shift_right_logical3A_245 = arith.shrui %get3A_242, %shift_right_logical3A_244 : vector<1x512xi32>
      %and3A_246 = arith.constant 31 : i32
      %and3A_247 = vector.broadcast %and3A_246 : i32 to vector<1x512xi32>
      %and3A_248 = arith.andi %get3A_242, %and3A_247 : vector<1x512xi32>
      %shift_left3A_249 = arith.constant 1 : i32
      %shift_left3A_250 = vector.broadcast %shift_left3A_249 : i32 to vector<1x512xi32>
      %shift_left3A_251 = arith.shli %shift_left3A_250, %and3A_248 : vector<1x512xi32>
      %eq3A_252 = vector.broadcast %shift_right_logical3A_245 : vector<1x512xi32> to vector<32x512xi32>
      %eq3A_253 = arith.cmpi eq, %iota3A, %eq3A_252 : vector<32x512xi32>
      %jit3A_254 = arith.constant 0 : i32
      %broadcast_in_dim3A_255 = vector.shape_cast %shift_left3A_251 : vector<1x512xi32> to vector<1x512xi32>
      %broadcast_in_dim3A_256 = vector.broadcast %broadcast_in_dim3A_255 : vector<1x512xi32> to vector<32x512xi32>
      %broadcast_in_dim3A_257 = vector.broadcast %jit3A_254 : i32 to vector<32x512xi32>
      %select_n3A_258 = arith.select %eq3A_253, %broadcast_in_dim3A_256, %broadcast_in_dim3A_257 : vector<32x512xi1>, vector<32x512xi32>
      %or3A_259 = arith.ori %or3A_237, %select_n3A_258 : vector<32x512xi32>
      %scan3A_260 = arith.constant 6 : i32
      %scan3A_261 = arith.addi %scan3A_128, %scan3A_260 : i32
      %get3A_262 = arith.index_cast %scan3A_261 : i32 to index
      %get3A_263 = arith.constant 0 : index
      %get3A_264 = vector.load %arg1[%get3A_262, %get3A_263] : memref<200x512xi32, #tpu.memory_space<vmem>>, vector<1x512xi32>
      %shift_right_logical3A_265 = arith.constant 5 : i32
      %shift_right_logical3A_266 = vector.broadcast %shift_right_logical3A_265 : i32 to vector<1x512xi32>
      %shift_right_logical3A_267 = arith.shrui %get3A_264, %shift_right_logical3A_266 : vector<1x512xi32>
      %and3A_268 = arith.constant 31 : i32
      %and3A_269 = vector.broadcast %and3A_268 : i32 to vector<1x512xi32>
      %and3A_270 = arith.andi %get3A_264, %and3A_269 : vector<1x512xi32>
      %shift_left3A_271 = arith.constant 1 : i32
      %shift_left3A_272 = vector.broadcast %shift_left3A_271 : i32 to vector<1x512xi32>
      %shift_left3A_273 = arith.shli %shift_left3A_272, %and3A_270 : vector<1x512xi32>
      %eq3A_274 = vector.broadcast %shift_right_logical3A_267 : vector<1x512xi32> to vector<32x512xi32>
      %eq3A_275 = arith.cmpi eq, %iota3A, %eq3A_274 : vector<32x512xi32>
      %jit3A_276 = arith.constant 0 : i32
      %broadcast_in_dim3A_277 = vector.shape_cast %shift_left3A_273 : vector<1x512xi32> to vector<1x512xi32>
      %broadcast_in_dim3A_278 = vector.broadcast %broadcast_in_dim3A_277 : vector<1x512xi32> to vector<32x512xi32>
      %broadcast_in_dim3A_279 = vector.broadcast %jit3A_276 : i32 to vector<32x512xi32>
      %select_n3A_280 = arith.select %eq3A_275, %broadcast_in_dim3A_278, %broadcast_in_dim3A_279 : vector<32x512xi1>, vector<32x512xi32>
      %or3A_281 = arith.ori %or3A_259, %select_n3A_280 : vector<32x512xi32>
      %scan3A_282 = arith.constant 7 : i32
      %scan3A_283 = arith.addi %scan3A_128, %scan3A_282 : i32
      %get3A_284 = arith.index_cast %scan3A_283 : i32 to index
      %get3A_285 = arith.constant 0 : index
      %get3A_286 = vector.load %arg1[%get3A_284, %get3A_285] : memref<200x512xi32, #tpu.memory_space<vmem>>, vector<1x512xi32>
      %shift_right_logical3A_287 = arith.constant 5 : i32
      %shift_right_logical3A_288 = vector.broadcast %shift_right_logical3A_287 : i32 to vector<1x512xi32>
      %shift_right_logical3A_289 = arith.shrui %get3A_286, %shift_right_logical3A_288 : vector<1x512xi32>
      %and3A_290 = arith.constant 31 : i32
      %and3A_291 = vector.broadcast %and3A_290 : i32 to vector<1x512xi32>
      %and3A_292 = arith.andi %get3A_286, %and3A_291 : vector<1x512xi32>
      %shift_left3A_293 = arith.constant 1 : i32
      %shift_left3A_294 = vector.broadcast %shift_left3A_293 : i32 to vector<1x512xi32>
      %shift_left3A_295 = arith.shli %shift_left3A_294, %and3A_292 : vector<1x512xi32>
      %eq3A_296 = vector.broadcast %shift_right_logical3A_289 : vector<1x512xi32> to vector<32x512xi32>
      %eq3A_297 = arith.cmpi eq, %iota3A, %eq3A_296 : vector<32x512xi32>
      %jit3A_298 = arith.constant 0 : i32
      %broadcast_in_dim3A_299 = vector.shape_cast %shift_left3A_295 : vector<1x512xi32> to vector<1x512xi32>
      %broadcast_in_dim3A_300 = vector.broadcast %broadcast_in_dim3A_299 : vector<1x512xi32> to vector<32x512xi32>
      %broadcast_in_dim3A_301 = vector.broadcast %jit3A_298 : i32 to vector<32x512xi32>
      %select_n3A_302 = arith.select %eq3A_297, %broadcast_in_dim3A_300, %broadcast_in_dim3A_301 : vector<32x512xi1>, vector<32x512xi32>
      %or3A_303 = arith.ori %or3A_281, %select_n3A_302 : vector<32x512xi32>
      scf.yield %or3A_303 : vector<32x512xi32>
    }
    %scan3A_7 = arith.constant 200 : i32
    %shift_right_logical3A = arith.constant 1 : i32
    %shift_right_logical3A_8 = vector.broadcast %shift_right_logical3A : i32 to vector<32x512xi32>
    %shift_right_logical3A_9 = arith.shrui %scan3A_6, %shift_right_logical3A_8 : vector<32x512xi32>
    %and3A = arith.constant 1431655765 : i32
    %and3A_10 = vector.broadcast %and3A : i32 to vector<32x512xi32>
    %and3A_11 = arith.andi %shift_right_logical3A_9, %and3A_10 : vector<32x512xi32>
    %sub3A = arith.subi %scan3A_6, %and3A_11 : vector<32x512xi32>
    %and3A_12 = arith.constant 858993459 : i32
    %and3A_13 = vector.broadcast %and3A_12 : i32 to vector<32x512xi32>
    %and3A_14 = arith.andi %sub3A, %and3A_13 : vector<32x512xi32>
    %shift_right_logical3A_15 = arith.constant 2 : i32
    %shift_right_logical3A_16 = vector.broadcast %shift_right_logical3A_15 : i32 to vector<32x512xi32>
    %shift_right_logical3A_17 = arith.shrui %sub3A, %shift_right_logical3A_16 : vector<32x512xi32>
    %and3A_18 = arith.constant 858993459 : i32
    %and3A_19 = vector.broadcast %and3A_18 : i32 to vector<32x512xi32>
    %and3A_20 = arith.andi %shift_right_logical3A_17, %and3A_19 : vector<32x512xi32>
    %add3A = arith.addi %and3A_14, %and3A_20 : vector<32x512xi32>
    %shift_right_logical3A_21 = arith.constant 4 : i32
    %shift_right_logical3A_22 = vector.broadcast %shift_right_logical3A_21 : i32 to vector<32x512xi32>
    %shift_right_logical3A_23 = arith.shrui %add3A, %shift_right_logical3A_22 : vector<32x512xi32>
    %add3A_24 = arith.addi %add3A, %shift_right_logical3A_23 : vector<32x512xi32>
    %and3A_25 = arith.constant 252645135 : i32
    %and3A_26 = vector.broadcast %and3A_25 : i32 to vector<32x512xi32>
    %and3A_27 = arith.andi %add3A_24, %and3A_26 : vector<32x512xi32>
    %mul3A = arith.constant 16843009 : i32
    %mul3A_28 = vector.broadcast %mul3A : i32 to vector<32x512xi32>
    %mul3A_29 = arith.muli %and3A_27, %mul3A_28 : vector<32x512xi32>
    %shift_right_logical3A_30 = arith.constant 24 : i32
    %shift_right_logical3A_31 = vector.broadcast %shift_right_logical3A_30 : i32 to vector<32x512xi32>
    %shift_right_logical3A_32 = arith.shrui %mul3A_29, %shift_right_logical3A_31 : vector<32x512xi32>
    %reduce_sum3A = arith.constant dense<0> : vector<512xi32>
    %reduce_sum3A_33 = vector.multi_reduction <add>, %shift_right_logical3A_32, %reduce_sum3A [0] : vector<32x512xi32> to vector<512xi32>
    %broadcast_in_dim3A_34 = vector.shape_cast %reduce_sum3A_33 : vector<512xi32> to vector<1x512xi32>
    %add3A_35 = arith.constant 1 : i32
    %add3A_36 = vector.broadcast %add3A_35 : i32 to vector<1x512xi32>
    %add3A_37 = arith.addi %broadcast_in_dim3A_34, %add3A_36 : vector<1x512xi32>
    %broadcast_in_dim3A_38 = arith.constant 0 : i32
    %broadcast_in_dim3A_39 = vector.broadcast %broadcast_in_dim3A_38 : i32 to vector<1x1xi32>
    %slice3A = vector.extract_strided_slice %add3A_37 {offsets = [0, 0], sizes = [1, 511], strides = [1, 1]} : vector<1x512xi32> to vector<1x511xi32>
    %concatenate3A = tpu.concatenate %broadcast_in_dim3A_39, %slice3A in 1 : vector<1x1xi32>, vector<1x511xi32> -> vector<1x512xi32>
    %add3A_40 = arith.addi %add3A_37, %concatenate3A : vector<1x512xi32>
    %broadcast_in_dim3A_41 = arith.constant 0 : i32
    %broadcast_in_dim3A_42 = vector.broadcast %broadcast_in_dim3A_41 : i32 to vector<1x2xi32>
    %slice3A_43 = vector.extract_strided_slice %add3A_40 {offsets = [0, 0], sizes = [1, 510], strides = [1, 1]} : vector<1x512xi32> to vector<1x510xi32>
    %concatenate3A_44 = tpu.concatenate %broadcast_in_dim3A_42, %slice3A_43 in 1 : vector<1x2xi32>, vector<1x510xi32> -> vector<1x512xi32>
    %add3A_45 = arith.addi %add3A_40, %concatenate3A_44 : vector<1x512xi32>
    %broadcast_in_dim3A_46 = arith.constant 0 : i32
    %broadcast_in_dim3A_47 = vector.broadcast %broadcast_in_dim3A_46 : i32 to vector<1x4xi32>
    %slice3A_48 = vector.extract_strided_slice %add3A_45 {offsets = [0, 0], sizes = [1, 508], strides = [1, 1]} : vector<1x512xi32> to vector<1x508xi32>
    %concatenate3A_49 = tpu.concatenate %broadcast_in_dim3A_47, %slice3A_48 in 1 : vector<1x4xi32>, vector<1x508xi32> -> vector<1x512xi32>
    %add3A_50 = arith.addi %add3A_45, %concatenate3A_49 : vector<1x512xi32>
    %broadcast_in_dim3A_51 = arith.constant 0 : i32
    %broadcast_in_dim3A_52 = vector.broadcast %broadcast_in_dim3A_51 : i32 to vector<1x8xi32>
    %slice3A_53 = vector.extract_strided_slice %add3A_50 {offsets = [0, 0], sizes = [1, 504], strides = [1, 1]} : vector<1x512xi32> to vector<1x504xi32>
    %concatenate3A_54 = tpu.concatenate %broadcast_in_dim3A_52, %slice3A_53 in 1 : vector<1x8xi32>, vector<1x504xi32> -> vector<1x512xi32>
    %add3A_55 = arith.addi %add3A_50, %concatenate3A_54 : vector<1x512xi32>
    %broadcast_in_dim3A_56 = arith.constant 0 : i32
    %broadcast_in_dim3A_57 = vector.broadcast %broadcast_in_dim3A_56 : i32 to vector<1x16xi32>
    %slice3A_58 = vector.extract_strided_slice %add3A_55 {offsets = [0, 0], sizes = [1, 496], strides = [1, 1]} : vector<1x512xi32> to vector<1x496xi32>
    %concatenate3A_59 = tpu.concatenate %broadcast_in_dim3A_57, %slice3A_58 in 1 : vector<1x16xi32>, vector<1x496xi32> -> vector<1x512xi32>
    %add3A_60 = arith.addi %add3A_55, %concatenate3A_59 : vector<1x512xi32>
    %broadcast_in_dim3A_61 = arith.constant 0 : i32
    %broadcast_in_dim3A_62 = vector.broadcast %broadcast_in_dim3A_61 : i32 to vector<1x32xi32>
    %slice3A_63 = vector.extract_strided_slice %add3A_60 {offsets = [0, 0], sizes = [1, 480], strides = [1, 1]} : vector<1x512xi32> to vector<1x480xi32>
    %concatenate3A_64 = tpu.concatenate %broadcast_in_dim3A_62, %slice3A_63 in 1 : vector<1x32xi32>, vector<1x480xi32> -> vector<1x512xi32>
    %add3A_65 = arith.addi %add3A_60, %concatenate3A_64 : vector<1x512xi32>
    %broadcast_in_dim3A_66 = arith.constant 0 : i32
    %broadcast_in_dim3A_67 = vector.broadcast %broadcast_in_dim3A_66 : i32 to vector<1x64xi32>
    %slice3A_68 = vector.extract_strided_slice %add3A_65 {offsets = [0, 0], sizes = [1, 448], strides = [1, 1]} : vector<1x512xi32> to vector<1x448xi32>
    %concatenate3A_69 = tpu.concatenate %broadcast_in_dim3A_67, %slice3A_68 in 1 : vector<1x64xi32>, vector<1x448xi32> -> vector<1x512xi32>
    %add3A_70 = arith.addi %add3A_65, %concatenate3A_69 : vector<1x512xi32>
    %broadcast_in_dim3A_71 = arith.constant 0 : i32
    %broadcast_in_dim3A_72 = vector.broadcast %broadcast_in_dim3A_71 : i32 to vector<1x128xi32>
    %slice3A_73 = vector.extract_strided_slice %add3A_70 {offsets = [0, 0], sizes = [1, 384], strides = [1, 1]} : vector<1x512xi32> to vector<1x384xi32>
    %concatenate3A_74 = tpu.concatenate %broadcast_in_dim3A_72, %slice3A_73 in 1 : vector<1x128xi32>, vector<1x384xi32> -> vector<1x512xi32>
    %add3A_75 = arith.addi %add3A_70, %concatenate3A_74 : vector<1x512xi32>
    %broadcast_in_dim3A_76 = arith.constant 0 : i32
    %broadcast_in_dim3A_77 = vector.broadcast %broadcast_in_dim3A_76 : i32 to vector<1x256xi32>
    %slice3A_78 = vector.extract_strided_slice %add3A_75 {offsets = [0, 0], sizes = [1, 256], strides = [1, 1]} : vector<1x512xi32> to vector<1x256xi32>
    %concatenate3A_79 = tpu.concatenate %broadcast_in_dim3A_77, %slice3A_78 in 1 : vector<1x256xi32>, vector<1x256xi32> -> vector<1x512xi32>
    %add3A_80 = arith.addi %add3A_75, %concatenate3A_79 : vector<1x512xi32>
    %sub3A_81 = arith.subi %add3A_80, %add3A_37 : vector<1x512xi32>
    %get3A = arith.constant 0 : index
    %get3A_82 = memref.load %arg5[%get3A] : memref<1xi32, #tpu.memory_space<smem>>
    %add3A_83 = vector.broadcast %get3A_82 : i32 to vector<1x512xi32>
    %add3A_84 = arith.addi %sub3A_81, %add3A_83 : vector<1x512xi32>
    %reduce_sum3A_85 = vector.shape_cast %add3A_37 : vector<1x512xi32> to vector<1x1x512xi32>
    %reduce_sum3A_86 = arith.constant dense<0> : vector<1xi32>
    %reduce_sum3A_87 = vector.multi_reduction <add>, %reduce_sum3A_85, %reduce_sum3A_86 [1, 2] : vector<1x1x512xi32> to vector<1xi32>
    %reduce_sum3A_88 = vector.shape_cast %reduce_sum3A_87 : vector<1xi32> to vector<1x1x1xi32>
    %reduce_sum3A_89 = vector.extract %reduce_sum3A_88[0, 0, 0] : i32 from vector<1x1x1xi32>
    %add3A_90 = arith.addi %get3A_82, %reduce_sum3A_89 : i32
    %swap3A = arith.constant 0 : index
    %swap3A_91 = memref.load %arg5[%swap3A] : memref<1xi32, #tpu.memory_space<smem>>
    memref.store %add3A_90, %arg5[%swap3A] : memref<1xi32, #tpu.memory_space<smem>>
    %shift_right_logical3A_92 = arith.constant 7 : i32
    %shift_right_logical3A_93 = vector.broadcast %shift_right_logical3A_92 : i32 to vector<1x512xi32>
    %shift_right_logical3A_94 = arith.shrui %add3A_84, %shift_right_logical3A_93 : vector<1x512xi32>
    %swap3A_95 = arith.constant 0 : index
    %swap3A_96 = arith.constant 0 : index
    %swap3A_97 = vector.load %arg3[%swap3A_95, %swap3A_96] : memref<1x512xi32, #tpu.memory_space<vmem>>, vector<1x512xi32>
    tpu.vector_store %arg3[%swap3A_95, %swap3A_96], %shift_right_logical3A_94 {strides = array<i32>} : memref<1x512xi32, #tpu.memory_space<vmem>>, vector<1x512xi32>,
    %iota3A_98 = tpu.iota {dimensions = array<i32: 1>} : vector<1x512xi32>
    %and3A_99 = arith.constant 127 : i32
    %and3A_100 = vector.broadcast %and3A_99 : i32 to vector<1x512xi32>
    %and3A_101 = arith.andi %iota3A_98, %and3A_100 : vector<1x512xi32>
    %mul3A_102 = arith.constant 128 : i32
    %mul3A_103 = vector.broadcast %mul3A_102 : i32 to vector<1x512xi32>
    %mul3A_104 = arith.muli %and3A_101, %mul3A_103 : vector<1x512xi32>
    %get3A_105 = arith.constant 0 : index
    %get3A_106 = arith.constant 0 : index
    %get3A_107 = vector.load %arg2[%get3A_105, %get3A_106] : memref<50x512xi32, #tpu.memory_space<vmem>>, vector<50x512xi32>
    %and3A_108 = arith.constant 127 : i32
    %and3A_109 = vector.broadcast %and3A_108 : i32 to vector<1x512xi32>
    %and3A_110 = arith.andi %add3A_84, %and3A_109 : vector<1x512xi32>
    %add3A_111 = vector.broadcast %and3A_110 : vector<1x512xi32> to vector<50x512xi32>
    %add3A_112 = arith.addi %get3A_107, %add3A_111 : vector<50x512xi32>
    %add3A_113 = vector.broadcast %mul3A_104 : vector<1x512xi32> to vector<50x512xi32>
    %add3A_114 = arith.addi %add3A_112, %add3A_113 : vector<50x512xi32>
    %ge3A = arith.constant 128 : i32
    %ge3A_115 = vector.broadcast %ge3A : i32 to vector<50x512xi32>
    %ge3A_116 = arith.cmpi sge, %add3A_112, %ge3A_115 : vector<50x512xi32>
    %jit3A = arith.constant 16256 : i32
    %jit3A_117 = arith.constant 0 : i32
    %broadcast_in_dim3A_118 = vector.broadcast %jit3A : i32 to vector<50x512xi32>
    %broadcast_in_dim3A_119 = vector.broadcast %jit3A_117 : i32 to vector<50x512xi32>
    %select_n3A = arith.select %ge3A_116, %broadcast_in_dim3A_118, %broadcast_in_dim3A_119 : vector<50x512xi1>, vector<50x512xi32>
    %add3A_120 = arith.addi %add3A_114, %select_n3A : vector<50x512xi32>
    %slice3A_121 = vector.extract_strided_slice %add3A_120 {offsets = [0, 0], sizes = [25, 512], strides = [1, 1]} : vector<50x512xi32> to vector<25x512xi32>
    %slice3A_122 = vector.extract_strided_slice %add3A_120 {offsets = [25, 0], sizes = [25, 512], strides = [1, 1]} : vector<50x512xi32> to vector<25x512xi32>
    %shift_left3A = arith.constant 16 : i32
    %shift_left3A_123 = vector.broadcast %shift_left3A : i32 to vector<25x512xi32>
    %shift_left3A_124 = arith.shli %slice3A_122, %shift_left3A_123 : vector<25x512xi32>
    %or3A = arith.ori %slice3A_121, %shift_left3A_124 : vector<25x512xi32>
    %swap3A_125 = arith.constant 0 : index
    %swap3A_126 = arith.constant 0 : index
    %swap3A_127 = vector.load %arg4[%swap3A_125, %swap3A_126] : memref<25x512xi32, #tpu.memory_space<vmem>>, vector<25x512xi32>
    tpu.vector_store %arg4[%swap3A_125, %swap3A_126], %or3A {strides = array<i32>} : memref<25x512xi32, #tpu.memory_space<vmem>>, vector<25x512xi32>,
    return
  }
  func.func @transform_0(%arg0: i32) -> (i32, i32) {
    %c0_i32 = arith.constant 0 : i32
    %c0_i32_0 = arith.constant 0 : i32
    return %c0_i32, %arg0 : i32, i32
  }
  func.func @transform_1(%arg0: i32) -> (i32, i32) {
    %c0_i32 = arith.constant 0 : i32
    %c0_i32_0 = arith.constant 0 : i32
    return %c0_i32, %arg0 : i32, i32
  }
  func.func @transform_2(%arg0: i32) -> (i32, i32) {
    %c0_i32 = arith.constant 0 : i32
    %c0_i32_0 = arith.constant 0 : i32
    return %c0_i32, %arg0 : i32, i32
  }
  func.func @transform_3(%arg0: i32) -> (i32, i32) {
    %c0_i32 = arith.constant 0 : i32
    %c0_i32_0 = arith.constant 0 : i32
    return %c0_i32, %arg0 : i32, i32
  }
}

module attributes {stable_mosaic.version = 14 : i64} {
  func.func @_loss_body(%arg0: memref<6400x128xf32, #tpu.memory_space<vmem>>, %arg1: memref<1x1xf32, #tpu.memory_space<smem>>) attributes {dimension_semantics = [], scalar_prefetch = 0 : i64, scratch_operands = 0 : i64, tpu.core_type = #tpu.core_type<tc>} {
    %get3A = arith.constant 0 : index
    %get3A_0 = arith.constant 0 : index
    %get3A_1 = vector.load %arg0[%get3A, %get3A_0] : memref<6400x128xf32, #tpu.memory_space<vmem>>, vector<6400x128xf32>
    %logistic3A = arith.negf %get3A_1 : vector<6400x128xf32>
    %logistic3A_2 = math.exp %logistic3A : vector<6400x128xf32>
    %logistic3A_3 = arith.constant 1.000000e+00 : f32
    %logistic3A_4 = vector.broadcast %logistic3A_3 : f32 to vector<6400x128xf32>
    %logistic3A_5 = arith.addf %logistic3A_4, %logistic3A_2 : vector<6400x128xf32>
    %logistic3A_6 = arith.divf %logistic3A_4, %logistic3A_5 : vector<6400x128xf32>
    %add3A = arith.constant 9.99999993E-9 : f32
    %add3A_7 = vector.broadcast %add3A : f32 to vector<6400x128xf32>
    %add3A_8 = arith.addf %logistic3A_6, %add3A_7 : vector<6400x128xf32>
    %log3A = math.log %add3A_8 : vector<6400x128xf32>
    %neg3A = arith.constant 0.000000e+00 : f32
    %neg3A_9 = vector.broadcast %neg3A : f32 to vector<6400x128xf32>
    %neg3A_10 = arith.subf %neg3A_9, %log3A : vector<6400x128xf32>
    %reduce_sum3A = vector.shape_cast %neg3A_10 : vector<6400x128xf32> to vector<1x6400x128xf32>
    %reduce_sum3A_11 = arith.constant dense<0.000000e+00> : vector<1xf32>
    %reduce_sum3A_12 = vector.multi_reduction <add>, %reduce_sum3A, %reduce_sum3A_11 [1, 2] : vector<1x6400x128xf32> to vector<1xf32>
    %reduce_sum3A_13 = vector.shape_cast %reduce_sum3A_12 : vector<1xf32> to vector<1x1x1xf32>
    %reduce_sum3A_14 = vector.extract %reduce_sum3A_13[0, 0, 0] : f32 from vector<1x1x1xf32>
    %mul3A = arith.constant 1.2207031E-6 : f32
    %mul3A_15 = arith.mulf %reduce_sum3A_14, %mul3A : f32
    %swap3A = arith.constant 0 : index
    %swap3A_16 = arith.constant 0 : index
    %swap3A_17 = memref.load %arg1[%swap3A, %swap3A_16] : memref<1x1xf32, #tpu.memory_space<smem>>
    memref.store %mul3A_15, %arg1[%swap3A, %swap3A_16] : memref<1x1xf32, #tpu.memory_space<smem>>
    return
  }
}

</mosaic_0001>

<sc_bundles>
// kernel: kernel.5.cloned.1.call-start
scs
__scs_entry_jumppad:
0x0: {  	(pc) =	sbr.rel $0x88, $3  }
0x1: {  	(tag) =	ssettag $0x0;
	lr =	simm.s32 $0x1  }
0x2: {  	[smem:$0x3F9E] =	sst lr;
	_ =	strace $0xD0000000  }
0x3: {  	_ = 	snop  }
0x4: {  	_ = 	snop  }
0x5: {  	_ = 	snop  }
0x6: {  	_ = 	snop  }
0x7: {  	_ = 	snop  }
__scs_overlays_trampoline_lowered:
0x8: {  	[smem:$0x3FAD] =	sst s0  }
0x9: {  	[smem:$0x3FAE] =	sst s1  }
0xa: {  	[smem:$0x3FAF] =	sst s2  }
0xb: {  	[smem:$0x3FB0] =	sst s3  }
0xc: {  	[smem:$0x3FB1] =	sst s4  }
0xd: {  	[smem:$0x3FB2] =	sst s5  }
0xe: {  	[smem:$0x3FB3] =	sst s6  }
0xf: {  	[smem:$0x3FB4] =	sst s7  }
0x10: {  	[smem:$0x3FB5] =	sst s8  }
0x11: {  	[smem:$0x3FB6] =	sst s9;
	s0 =	simm.s32 @!p0 $0x0  }
0x12: {  	s1 =	sld [smem:$0x3F9C];
	s0 =	simm.s32 @p0 $0x1  }
0x13: {  	[smem:$0x3FB7] =	sst s0;
	s0 =	simm.s32 @!p1 $0x0  }
0x14: {  	s2 =	sld [smem:$0x3F9B];
	s0 =	simm.s32 @p1 $0x1  }
0x15: {  	[smem:$0x3FB8] =	sst s0;
	s0 =	simm.s32 @!p2 $0x0  }
0x16: {  	s3 =	sld [smem:$0x3FDB];
	s0 =	simm.s32 @p2 $0x1  }
0x17: {  	s4 =	simm.s32 $0x1BF5;
	[smem:$0x3FBA] =	sst s0  }
0x18: {  	s0 =	sld [smem:$0x3F9D];
	_ =	swait.ge [sflag:s4], $0x0  }
0x19: {  	s7 =	sld [smem:$0x3F9E]  }
0x1a: {  	s8 =	sadd.s32 $0xFFFFE003, lr  }
0x1b: {  	s9 =	sadd.s32 $0xFFFFFEF7, lr;
	s5 =	simm.s32 $0xFFFFFFFF;
	p2 =	slt.u32 s8, $0xFFFFF086  }
0x1c: {  	p1 =	slt.u32 s9, $0xF7A;
	s5 =	simm.s32 @!p2 $0x0  }
0x1d: {  	s5 =	simm.s32 @p1 $0x1;
	p0 =	seq.s32 s7, s2  }
0x1e: {  	s7 =	smul.u32 @!p0 $0xF7A, s2;
	p2 =	seq.s32 @!p0 s5, $0x0  }
0x1f: {  	s9 =	smul.u32 $0xF7A, s1;
	s8 =	simm.s32 @!p0 $0x1BF5;
	p2 =	por !p2, p0  }
0x20: {  	[sflag:s8] =	ssyncset.s32 @!p0 $0xFFFFF086;
	s6 =	sadd.s32 @!p0 s3, s7;
	s7 =	simm.s32 @!p0 $0x108  }
0x21: {  	s3 =	sadd.s32 s3, s9;
	s6 =	sadd.s32 @!p0 $0x88, s6;
	s7 =	simm.s32 @p2 $0x1082  }
0x22: {  	[simem:s7], [sflag:s8] =	dma.local @!p0 [hbm:s6], $0xF7A  }
0x23: {  	s9 =	sor.u32 $0xD0000000, s2;
	s6 =	simm.s32 $0x108;
	_ =	swait.ge @!p0 [sflag:s8], $0x0  }
0x24: {  	s3 =	sadd.s32 $0x88, s3;
	s6 =	simm.s32 @!p1 $0x1082;
	[sflag:s4] =	ssyncset.s32 $0xFFFFF086  }
0x25: {  	[simem:s6], [sflag:s4] =	dma.local [hbm:s3], $0xF7A  }
0x26: {  	[smem:$0x3F9E] =	sst s1;
	(tag) =	ssettag s2;
	_ =	strace s9  }
0x27: {  	s1 =	sld [smem:$0x3FAE]  }
0x28: {  	s2 =	sld [smem:$0x3FAF]  }
0x29: {  	s4 =	sld [smem:$0x3FB1]  }
0x2a: {  	p0 =	seq.s32 s5, $0x0;
	s5 =	sld [smem:$0x3FB2]  }
0x2b: {  	s6 =	sld [smem:$0x3FB3]  }
0x2c: {  	s7 =	sld [smem:$0x3FB4]  }
0x2d: {  	s3 =	simm.s32 $0x108;
	s8 =	sld [smem:$0x3FB5]  }
0x2e: {  	s3 =	simm.s32 @!p0 $0x1082;
	s9 =	sld [smem:$0x3FB6]  }
0x2f: {  	lr =	sadd.s32 s0, s3;
	s0 =	sld [smem:$0x3FAD]  }
0x30: {  	s3 =	sld [smem:$0x3FB0]  }
0x31: {  	[smem:$0x3FB9] =	sst s10  }
0x32: {  	s10 =	sld [smem:$0x3FB7];
	_ =	sdelay $0x3  }
0x33: {  	p0 =	seq.s32 s10, $0x1;
	s10 =	sld [smem:$0x3FB9];
	_ =	sdelay $0x3  }
0x34: {  	[smem:$0x3FB9] =	sst s10  }
0x35: {  	s10 =	sld [smem:$0x3FB8];
	_ =	sdelay $0x3  }
0x36: {  	p1 =	seq.s32 s10, $0x1;
	s10 =	sld [smem:$0x3FB9];
	_ =	sdelay $0x3  }
0x37: {  	[smem:$0x3FB9] =	sst s10  }
0x38: {  	s10 =	sld [smem:$0x3FBA]  }
0x39: {  	_ = 	snop;
	(pc) =	sbr.ind lr, $3  }
0x3a: {  	_ = 	snop  }
0x3b: {  	_ = 	snop  }
0x3c: {  	p2 =	seq.s32 s10, $0x1;
	s10 =	sld [smem:$0x3FB9]  }
0x3d: {  	_ =	shalt  }
0x3e: {  	_ =	shalt  }
0x3f: {  	_ =	shalt  }
0x40: {  	_ =	shalt  }
0x41: {  	_ =	shalt  }
0x42: {  	_ =	shalt  }
0x43: {  	_ =	shalt  }
0x44: {  	_ =	shalt  }
0x45: {  	_ =	shalt  }
0x46: {  	_ =	shalt  }
0x47: {  	_ =	shalt  }
0x48: {  	_ =	shalt  }
0x49: {  	_ =	shalt  }
0x4a: {  	_ =	shalt  }
0x4b: {  	_ =	shalt  }
0x4c: {  	_ =	shalt  }
0x4d: {  	_ =	shalt  }
0x4e: {  	_ =	shalt  }
0x4f: {  	_ =	shalt  }
0x50: {  	_ =	shalt  }
0x51: {  	_ =	shalt  }
0x52: {  	_ =	shalt  }
0x53: {  	_ =	shalt  }
0x54: {  	_ =	shalt  }
0x55: {  	_ =	shalt  }
0x56: {  	_ =	shalt  }
0x57: {  	_ =	shalt  }
0x58: {  	_ =	shalt  }
0x59: {  	_ =	shalt  }
0x5a: {  	_ =	shalt  }
0x5b: {  	_ =	shalt  }
0x5c: {  	_ =	shalt  }
0x5d: {  	_ =	shalt  }
0x5e: {  	_ =	shalt  }
0x5f: {  	_ =	shalt  }
0x60: {  	_ =	shalt  }
0x61: {  	_ =	shalt  }
0x62: {  	_ =	shalt  }
0x63: {  	_ =	shalt  }
0x64: {  	_ =	shalt  }
0x65: {  	_ =	shalt  }
0x66: {  	_ =	shalt  }
0x67: {  	_ =	shalt  }
0x68: {  	_ =	shalt  }
0x69: {  	_ =	shalt  }
0x6a: {  	_ =	shalt  }
0x6b: {  	_ =	shalt  }
0x6c: {  	_ =	shalt  }
0x6d: {  	_ =	shalt  }
0x6e: {  	_ =	shalt  }
0x6f: {  	_ =	shalt  }
0x70: {  	_ =	shalt  }
0x71: {  	_ =	shalt  }
0x72: {  	_ =	shalt  }
0x73: {  	_ =	shalt  }
0x74: {  	_ =	shalt  }
0x75: {  	_ =	shalt  }
0x76: {  	_ =	shalt  }
0x77: {  	_ =	shalt  }
0x78: {  	_ =	shalt  }
0x79: {  	_ =	shalt  }
0x7a: {  	_ =	shalt  }
0x7b: {  	_ =	shalt  }
0x7c: {  	_ =	shalt  }
0x7d: {  	_ =	shalt  }
0x7e: {  	_ =	shalt  }
0x7f: {  	_ =	shalt  }
0x80: {  	_ =	shalt  }
0x81: {  	_ =	shalt  }
0x82: {  	_ =	shalt  }
0x83: {  	_ =	shalt  }
0x84: {  	_ =	shalt  }
0x85: {  	_ =	shalt  }
0x86: {  	_ =	shalt  }
0x87: {  	_ =	shalt  }
.Lfunc_end0:
.L_simem_size_0:
called_computation_lowered:
.L_overlay_start_0:
0x88: {  	s2 =	sld [smem:$0x3FD9]  }
0x89: {  	s3 =	sld [smem:$0x3FFE];
	_ =	sdelay $0x1  }
0x8a: {  	s1 =	srdreg.scid  }
0x8b: {  	s0 =	sand.u32 $0x1, s1  }
0x8c: {  	s17 =	sshll.u32 s0, $0xA;
	s2 =	sadd.s32 s3, s2  }
0x8d: {  	s2 =	sadd.s32 s2, s17  }
0x8e: {  	[smem:$0x3FC5] =	sst s2  }
0x8f: {  	_ = 	snop  }
0x90: {  	s2 =	sld [smem:$0x3FC9];
	(tm) =	ssettm $0x1  }
0x91: {  	s18 =	sld [smem:$0x3FFB];
	_ =	sdelay $0x3  }
0x92: {  	_ =	strace s18  }
0x93: {  	s3 =	sld [smem:$0x3FFC];
	_ =	sdelay $0x3  }
0x94: {  	_ =	strace s3  }
0x95: {  	s3 =	sld [smem:$0x3FFD];
	_ =	sdelay $0x3  }
0x96: {  	_ =	strace s3  }
0x97: {  	_ =	strace $0x8FFFFFFF  }
0x98: {  	s19 =	sld [smem:$0x3FDB];
	_ =	sdelay $0x1  }
0x99: {  	s4 =	simm.s32 $_scs_section_size  }
0x9a: {  	s5 =	simm.s32 $_size__tile_overlayer_lowered;
	s6 =	simm.s32 $_tile_overlayer_lowered  }
0x9b: {  	s22 =	simm.s32 $0x1BFF;
	s21 =	sshll.u32 s6, $0x1;
	s3 =	sadd.s32 s4, s19  }
0x9c: {  	s7 =	simm.s32 $0x0;
	s20 =	sshll.u32 s5, $0x1;
	s5 =	sadd.s32 s21, s3  }
0x9d: {  	[timem:s7], [sflag:s22] =	dma.local [hbm:s5], s20  }
0x9e: {  	_ =	swait.ge [sflag:s22], s20  }
0x9f: {  	s4 =	ssub.s32 $0x0, s20;
	[sflag:s22] =	ssyncset.done $0x0  }
0xa0: {  	[sflag:s22] =	ssyncadd.s32 s4;
	_ =	sdelay $0x1  }
0xa1: {  	s23 =	simm.s32 $0x1B8B  }
0xa2: {  	_ =	swait.ge [sflag:s23], $0x1  }
0xa3: {  	[sflag:s23] =	ssyncset.done $0x0  }
0xa4: {  	s25 =	simm.s32 $0x1B8E;
	s24 =	sld [smem:$0x3FFE];
	[sflag:s23] =	ssyncadd.s32 $0xFFFFFFFF  }
0xa5: {  	s26 =	simm.s32 $execute0_lowered;
	[smem:$0x3FD2] =	sst s25  }
0xa6: {  	s5 =	sshll.u32 s26, $0x1;
	_ =	strace $0x80000046;
	[dreg:$0x1] =	wrdreg $0xFFFFFFFF  }
0xa7: {  	s28 =	simm.s32 $_size_execute0_lowered;
	s3 =	sadd.s32 s3, s5;
	[dreg:$0x0] =	wrdreg $0x0  }
0xa8: {  	s5 =	sshll.u32 s28, $0x1;
	[dreg:$0x2] =	wrdreg s3  }
0xa9: {  	[dreg:$0x3] =	wrdreg s5  }
0xaa: {  	[dreg:$0x4] =	wrdreg $0xC0  }
0xab: {  	_ =	task [dreg:s7], $0x5FFFF  }
0xac: {  	[dreg:$0x1] =	wrdreg $0xFFFFFFFF  }
0xad: {  	[dreg:$0x0] =	wrdreg $0x60  }
0xae: {  	[dreg:$0x2] =	wrdreg s2  }
0xaf: {  	[dreg:$0x3] =	wrdreg s24  }
0xb0: {  	[dreg:$0x4] =	wrdreg $0x9  }
0xb1: {  	_ =	task.clear_ibuf [dreg:s7], $0x5FFFF;
	_ =	strace $0x90000046  }
0xb2: {  	s29 =	simm.s32 $0x9;
	_ =	strace $0x80000048  }
0xb3: {  	_ =	swait.ge [sflag:s29], $0x1  }
0xb4: {  	[sflag:s29] =	ssyncadd.s32 $0xFFFFFFFF  }
0xb5: {  	_ =	strace $0x90000048  }
0xb6: {  	_ =	sfence  }
0xb7: {  	s30 =	sld [smem:$0x0];
	_ =	sdelay $0x2  }
0xb8: {  	s31 =	sshll.u32 s1, $0xD;
	s1 =	sshrl.u32 s1, $0x2  }
0xb9: {  	s3 =	sand.u32 $0x4000, s31;
	s1 =	sadd.s32 s1, s30  }
0xba: {  	s0 =	sor.u32 s3, s0;
	s1 =	sshll.u32 s1, $0x11  }
0xbb: {  	s0 =	sor.u32 s1, s0  }
0xbc: {  	s0 =	sadd.s32 $0x8F2B, s0  }
0xbd: {  	[sflag:s0] =	ssyncadd.remote.s32 $0x1  }
0xbe: {  	_ =	sfence.sel $0xFFFF  }
0xbf: {  	[dreg:$0x0] =	wrdreg $0xFFFFFFFF;
	(pc) =	sbr.abs _section_cstart, $3  }
0xc0: {  	[dreg:$0x1] =	wrdreg $0xFFFFFFFF  }
0xc1: {  	_ =	task.clear_ibuf [dreg:s7], $0x2FFFF;
	_ =	strace $0x9FFFFFFF  }
0xc2: {  	(tm) =	ssettm $0x7FFFFFFF  }
0xc3: {  	_ =	shalt  }
tec
execute0_lowered:
.L_overlay_start_1:
0x0: {  	(tag) =	ssettag $0x1  }
0x1: {  	s2 =	rddreg [dreg:$0x0];
	s1 =	srdreg.scid  }
0x2: {  	s0 =	stileid.u32;
	s4 =	rddreg [dreg:$0x1];
	s3 =	simm.s32 $0x0  }
0x3: {  	s10 =	simm.s32 $0x3600;
	s11 =	simm.s32 $0x200;
	s12 =	simm.s32 $0x7600  }
0x4: {  	s13 =	simm.s32 $0x400;
	s14 =	simm.s32 $0xB600;
	s15 =	simm.s32 $0x280  }
0x5: {  	s16 =	simm.s32 $0xF600;
	s17 =	simm.s32 $0x1;
	s18 =	simm.s32 $0x100  }
0x6: {  	s19 =	simm.s32 $0x300;
	s20 =	simm.s32 $0x2;
	s21 =	simm.s32 $0x180  }
0x7: {  	s22 =	simm.s32 $0x380;
	s5 =	sand.u32 $0x1, s1;
	s6 =	sshll.u32 s0, $0x1  }
0x8: {  	s23 =	simm.s32 $0x13600;
	s1 =	rddreg [dreg:$0x2];
	s6 =	sor.u32 s5, s6  }
0x9: {  	s24 =	simm.s32 $0x0;
	[smem:$0x7FF] =	sst s3;
	s7 =	smul.u32 $0x640, s6  }
0xa: {  	s5 =	ssub.s32 $0x2, s5;
	s8 =	sshll.u32 s6, $0x6;
	s6 =	smul.u32 $0xC80, s6  }
0xb: {  	_ =	strace $0x80000047;
	s9 =	sshrl.u32 s5, $0x1;
	s8 =	sadd.s32 s8, s4  }
0xc: {  	s9 =	ssub.s32 s5, s9;
	s7 =	sadd.s32 s7, s4;
	s6 =	sadd.s32 s6, s4  }
0xd: {  	s4 =	sadd.s32 $0xE00, s8;
	s8 =	simm.s32 $0x3;
	s5 =	sadd.s32 $0x1600, s7  }
0xe: {  	s6 =	sadd.s32 $0xDE00, s6;
	s7 =	smax.u32 s9, $0x1;
	s9 =	simm.s32 $0x80  }
.LBB2_1:
0xf: {  	[tilespmem:s3], [sflag:$0x3] =	stream.linear.gather [hbm4b:s4+s3], $0x200, $0x38;
	[tilespmem:$0x19A00] =	vst v63  }
0x10: {  	_ =	swait.ge [sflag:s8], $0x200  }
0x11: {  	[sflag:s8] =	ssyncset.done $0x0  }
0x12: {  	[sflag:s8] =	ssyncadd.s32 $0xFFFFFE00  }
0x13: {  	v0 =	vld [tilespmem:$0x0]  }
0x14: {  	v1 =	vld [tilespmem:$0x10]  }
0x15: {  	v2 =	vld [tilespmem:$0x20]  }
0x16: {  	v3 =	vld [tilespmem:$0x30]  }
0x17: {  	v4 =	vld [tilespmem:$0x40]  }
0x18: {  	v5 =	vld [tilespmem:$0x50];
	v0 =	vadd.s32 $0x1, v0  }
0x19: {  	v8 =	vld [tilespmem:$0x60];
	v7 =	vadd.s32 $0x1, v1;
	[tilespmem:$0x200] =	vst v0  }
0x1a: {  	v10 =	vld [tilespmem:$0x70];
	v9 =	vadd.s32 $0x1, v2;
	[tilespmem:$0x210] =	vst v7  }
0x1b: {  	v12 =	vld [tilespmem:$0x80];
	v11 =	vadd.s32 $0x1, v3;
	[tilespmem:$0x220] =	vst v9  }
0x1c: {  	v14 =	vld [tilespmem:$0x90];
	v13 =	vadd.s32 $0x1, v4;
	[tilespmem:$0x230] =	vst v11  }
0x1d: {  	v16 =	vld [tilespmem:$0xA0];
	v15 =	vadd.s32 $0x1, v5;
	[tilespmem:$0x240] =	vst v13  }
0x1e: {  	v18 =	vld [tilespmem:$0xB0];
	v17 =	vadd.s32 $0x1, v8;
	[tilespmem:$0x250] =	vst v15  }
0x1f: {  	v20 =	vld [tilespmem:$0xC0];
	v19 =	vadd.s32 $0x1, v10;
	[tilespmem:$0x260] =	vst v17  }
0x20: {  	v22 =	vld [tilespmem:$0xD0];
	v21 =	vadd.s32 $0x1, v12;
	[tilespmem:$0x270] =	vst v19  }
0x21: {  	v24 =	vld [tilespmem:$0xE0];
	v23 =	vadd.s32 $0x1, v14;
	[tilespmem:$0x280] =	vst v21  }
0x22: {  	v26 =	vld [tilespmem:$0xF0];
	v25 =	vadd.s32 $0x1, v16;
	[tilespmem:$0x290] =	vst v23  }
0x23: {  	v28 =	vld [tilespmem:$0x100];
	v27 =	vadd.s32 $0x1, v18;
	[tilespmem:$0x2A0] =	vst v25  }
0x24: {  	v30 =	vld [tilespmem:$0x110];
	v29 =	vadd.s32 $0x1, v20;
	[tilespmem:$0x2B0] =	vst v27  }
0x25: {  	v32 =	vld [tilespmem:$0x120];
	v31 =	vadd.s32 $0x1, v22;
	[tilespmem:$0x2C0] =	vst v29  }
0x26: {  	v34 =	vld [tilespmem:$0x130];
	v33 =	vadd.s32 $0x1, v24;
	[tilespmem:$0x2D0] =	vst v31  }
0x27: {  	v36 =	vld [tilespmem:$0x140];
	v35 =	vadd.s32 $0x1, v26;
	[tilespmem:$0x2E0] =	vst v33  }
0x28: {  	v38 =	vld [tilespmem:$0x150];
	v37 =	vadd.s32 $0x1, v28;
	[tilespmem:$0x2F0] =	vst v35  }
0x29: {  	v40 =	vld [tilespmem:$0x160];
	v39 =	vadd.s32 $0x1, v30;
	[tilespmem:$0x300] =	vst v37  }
0x2a: {  	v42 =	vld [tilespmem:$0x170];
	v41 =	vadd.s32 $0x1, v32;
	[tilespmem:$0x310] =	vst v39  }
0x2b: {  	v44 =	vld [tilespmem:$0x180];
	v43 =	vadd.s32 $0x1, v34;
	[tilespmem:$0x320] =	vst v41  }
0x2c: {  	v46 =	vld [tilespmem:$0x190];
	v45 =	vadd.s32 $0x1, v36;
	[tilespmem:$0x330] =	vst v43  }
0x2d: {  	v48 =	vld [tilespmem:$0x1A0];
	v47 =	vadd.s32 $0x1, v38;
	[tilespmem:$0x340] =	vst v45  }
0x2e: {  	v50 =	vld [tilespmem:$0x1B0];
	v49 =	vadd.s32 $0x1, v40;
	[tilespmem:$0x350] =	vst v47  }
0x2f: {  	v52 =	vld [tilespmem:$0x1C0];
	v51 =	vadd.s32 $0x1, v42;
	[tilespmem:$0x360] =	vst v49  }
0x30: {  	v54 =	vld [tilespmem:$0x1D0];
	v53 =	vadd.s32 $0x1, v44;
	[tilespmem:$0x370] =	vst v51  }
0x31: {  	v56 =	vld [tilespmem:$0x1E0];
	v55 =	vadd.s32 $0x1, v46;
	[tilespmem:$0x380] =	vst v53  }
0x32: {  	v58 =	vld [tilespmem:$0x1F0];
	v57 =	vadd.s32 $0x1, v48;
	[tilespmem:$0x390] =	vst v55  }
0x33: {  	v59 =	vadd.s32 $0x1, v50;
	[tilespmem:$0x3A0] =	vst v57  }
0x34: {  	v60 =	vadd.s32 $0x1, v52;
	[tilespmem:$0x3B0] =	vst v59  }
0x35: {  	v61 =	vadd.s32 $0x1, v54;
	[tilespmem:$0x3C0] =	vst v60  }
0x36: {  	v62 =	vadd.s32 $0x1, v56;
	[tilespmem:$0x3D0] =	vst v61  }
0x37: {  	v63 =	vadd.s32 $0x1, v58;
	[tilespmem:$0x3E0] =	vst v62  }
0x38: {  	[tilespmem:$0x3F0] =	vst v63  }
0x39: {  	[tilespmem:s10], [sflag:$0x1] =	stream.indirect.gather [hbm4b:s2+s9], $0x80, s3, s9, $0xb8;
	[tilespmem:$0x19A00] =	vst v63  }
0x3a: {  	_ = 	snop  }
0x3b: {  	[tilespmem:s12], [sflag:$0x1] =	stream.indirect.gather [hbm4b:s2+s9], $0x80, s11, s9, $0xb8;
	[tilespmem:$0x19A00] =	vst v63  }
0x3c: {  	_ = 	snop  }
0x3d: {  	[tilespmem:s13], [sflag:$0x3] =	stream.linear.gather [hbm4b:s5+s3], $0x3200, $0x38;
	[tilespmem:$0x19A00] =	vst v63  }
0x3e: {  	_ =	swait.ge [sflag:s8], $0x3200  }
0x3f: {  	[sflag:s8] =	ssyncset.done $0x0  }
0x40: {  	[sflag:s8] =	ssyncadd.s32 $0xFFFFCE00  }
0x41: {  	[tilespmem:s14], [sflag:$0x2] =	stream.indirect.gather [hbm4b:s2+s9], $0x80, s9, s9, $0xb8;
	[tilespmem:$0x19A00] =	vst v63  }
0x42: {  	_ = 	snop  }
0x43: {  	[tilespmem:s16], [sflag:$0x2] =	stream.indirect.gather [hbm4b:s2+s9], $0x80, s15, s9, $0xb8;
	[tilespmem:$0x19A00] =	vst v63  }
0x44: {  	_ =	swait.ge [sflag:s17], $0x4000  }
0x45: {  	[sflag:s17] =	ssyncset.done $0x0  }
0x46: {  	[sflag:s17] =	ssyncadd.s32 $0xFFFFC000  }
0x47: {  	_ =	swait.ge [sflag:s17], $0x4000  }
0x48: {  	s25 =	simm.s32 $0xFFFFFFF8;
	[sflag:s17] =	ssyncset.done $0x0  }
0x49: {  	s26 =	simm.s32 $0x13680;
	s28 =	simm.s32 $0x440;
	[sflag:s17] =	ssyncadd.s32 $0xFFFFC000  }
.LBB2_2:
0x4a: {  	v0 =	vld [tilespmem:s28+$0xFFFFFFC0];
	_ =	sdelay $0x4  }
0x4b: {  	v1 =	vand.u32 $0xFFFF, v0;
	_ =	sdelay $0x4  }
0x4c: {  	v1 =	vld.idx.msk [tilespmem:v1+s10+$0x0], $0xffff  }
0x4d: {  	v0 =	vshrl.u32 v0, $0x10;
	_ =	sdelay $0x3  }
0x4e: {  	[tilespmem:s26+$0xFFFFFF80] =	vst v1  }
0x4f: {  	v0 =	vld.idx.msk [tilespmem:v0+s10+$0x0], $0xffff;
	_ =	sdelay $0x4  }
0x50: {  	[tilespmem:s26+$0xFFFFFF90] =	vst v0  }
0x51: {  	v0 =	vld [tilespmem:s28+$0xFFFFFFD0];
	_ =	sdelay $0x4  }
0x52: {  	v57 =	vand.u32 $0xFFFF, v0;
	_ =	sdelay $0x4  }
0x53: {  	v1 =	vld.idx.msk [tilespmem:v57+s10+$0x0], $0xffff  }
0x54: {  	v0 =	vshrl.u32 v0, $0x10;
	_ =	sdelay $0x3  }
0x55: {  	[tilespmem:s26+$0xFFFFFFA0] =	vst v1  }
0x56: {  	v0 =	vld.idx.msk [tilespmem:v0+s10+$0x0], $0xffff;
	_ =	sdelay $0x4  }
0x57: {  	[tilespmem:s26+$0xFFFFFFB0] =	vst v0  }
0x58: {  	v0 =	vld [tilespmem:s28+$0xFFFFFFE0];
	_ =	sdelay $0x4  }
0x59: {  	v58 =	vand.u32 $0xFFFF, v0;
	_ =	sdelay $0x4  }
0x5a: {  	v1 =	vld.idx.msk [tilespmem:v58+s10+$0x0], $0xffff  }
0x5b: {  	v0 =	vshrl.u32 v0, $0x10;
	_ =	sdelay $0x3  }
0x5c: {  	[tilespmem:s26+$0xFFFFFFC0] =	vst v1  }
0x5d: {  	v0 =	vld.idx.msk [tilespmem:v0+s10+$0x0], $0xffff;
	_ =	sdelay $0x4  }
0x5e: {  	[tilespmem:s26+$0xFFFFFFD0] =	vst v0  }
0x5f: {  	v0 =	vld [tilespmem:s28+$0xFFFFFFF0];
	_ =	sdelay $0x4  }
0x60: {  	v59 =	vand.u32 $0xFFFF, v0;
	_ =	sdelay $0x4  }
0x61: {  	v1 =	vld.idx.msk [tilespmem:v59+s10+$0x0], $0xffff  }
0x62: {  	v0 =	vshrl.u32 v0, $0x10;
	_ =	sdelay $0x3  }
0x63: {  	[tilespmem:s26+$0xFFFFFFE0] =	vst v1  }
0x64: {  	v0 =	vld.idx.msk [tilespmem:v0+s10+$0x0], $0xffff;
	_ =	sdelay $0x4  }
0x65: {  	[tilespmem:s26+$0xFFFFFFF0] =	vst v0  }
0x66: {  	v0 =	vld [tilespmem:s28+$0x0];
	_ =	sdelay $0x4  }
0x67: {  	v60 =	vand.u32 $0xFFFF, v0;
	_ =	sdelay $0x4  }
0x68: {  	v1 =	vld.idx.msk [tilespmem:v60+s10+$0x0], $0xffff  }
0x69: {  	v0 =	vshrl.u32 v0, $0x10;
	_ =	sdelay $0x3  }
0x6a: {  	[tilespmem:s26+$0x0] =	vst v1  }
0x6b: {  	v0 =	vld.idx.msk [tilespmem:v0+s10+$0x0], $0xffff;
	_ =	sdelay $0x4  }
0x6c: {  	[tilespmem:s26+$0x10] =	vst v0  }
0x6d: {  	v0 =	vld [tilespmem:s28+$0x10];
	_ =	sdelay $0x4  }
0x6e: {  	v61 =	vand.u32 $0xFFFF, v0;
	_ =	sdelay $0x4  }
0x6f: {  	v1 =	vld.idx.msk [tilespmem:v61+s10+$0x0], $0xffff  }
0x70: {  	v0 =	vshrl.u32 v0, $0x10;
	_ =	sdelay $0x3  }
0x71: {  	[tilespmem:s26+$0x20] =	vst v1  }
0x72: {  	v0 =	vld.idx.msk [tilespmem:v0+s10+$0x0], $0xffff;
	_ =	sdelay $0x4  }
0x73: {  	[tilespmem:s26+$0x30] =	vst v0  }
0x74: {  	v0 =	vld [tilespmem:s28+$0x20];
	_ =	sdelay $0x4  }
0x75: {  	v62 =	vand.u32 $0xFFFF, v0;
	_ =	sdelay $0x4  }
0x76: {  	v1 =	vld.idx.msk [tilespmem:v62+s10+$0x0], $0xffff  }
0x77: {  	v0 =	vshrl.u32 v0, $0x10;
	_ =	sdelay $0x3  }
0x78: {  	[tilespmem:s26+$0x40] =	vst v1  }
0x79: {  	v0 =	vld.idx.msk [tilespmem:v0+s10+$0x0], $0xffff;
	_ =	sdelay $0x4  }
0x7a: {  	[tilespmem:s26+$0x50] =	vst v0  }
0x7b: {  	v0 =	vld [tilespmem:s28+$0x30];
	_ =	sdelay $0x4  }
0x7c: {  	v63 =	vand.u32 $0xFFFF, v0;
	_ =	sdelay $0x4  }
0x7d: {  	v1 =	vld.idx.msk [tilespmem:v63+s10+$0x0], $0xffff  }
0x7e: {  	v0 =	vshrl.u32 v0, $0x10;
	_ =	sdelay $0x3  }
0x7f: {  	s25 =	sadd.s32 $0x8, s25;
	[tilespmem:s26+$0x60] =	vst v1  }
0x80: {  	p0 =	slt.u32 s25, $0xC0;
	v0 =	vld.idx.msk [tilespmem:v0+s10+$0x0], $0xffff  }
.Ltmp0:
0x81: {  	_ = 	snop;
	(pc) =	sbr.rel @p0 .LBB2_2-.Ltmp0, $2  }
0x82: {  	_ =	sdelay $0x2  }
0x83: {  	s28 =	sadd.s32 $0x80, s28;
	[tilespmem:s26+$0x70] =	vst v0;
	s26 =	sadd.s32 $0x100, s26  }
0x84: {  	[tilespmem:s10], [sflag:$0x1] =	stream.indirect.gather [hbm4b:s2+s9], $0x80, s18, s9, $0xb8;
	[tilespmem:$0x19A00] =	vst v63  }
0x85: {  	_ = 	snop  }
0x86: {  	[tilespmem:s12], [sflag:$0x1] =	stream.indirect.gather [hbm4b:s2+s9], $0x80, s19, s9, $0xb8;
	[tilespmem:$0x19A00] =	vst v63  }
0x87: {  	_ =	swait.ge [sflag:s20], $0x4000  }
0x88: {  	[sflag:s20] =	ssyncset.done $0x0  }
0x89: {  	[sflag:s20] =	ssyncadd.s32 $0xFFFFC000  }
0x8a: {  	_ =	swait.ge [sflag:s20], $0x4000  }
0x8b: {  	s25 =	simm.s32 $0xFFFFFFF8;
	[sflag:s20] =	ssyncset.done $0x0  }
0x8c: {  	s26 =	simm.s32 $0x14FF0;
	s28 =	simm.s32 $0x10F0;
	[sflag:s20] =	ssyncadd.s32 $0xFFFFC000  }
.LBB2_4:
0x8d: {  	v0 =	vld [tilespmem:s28+$0xFFFFFF90];
	_ =	sdelay $0x4  }
0x8e: {  	v1 =	vand.u32 $0xFFFF, v0;
	_ =	sdelay $0x4  }
0x8f: {  	v1 =	vld.idx.msk [tilespmem:v1+s14+$0x0], $0xffff  }
0x90: {  	v0 =	vshrl.u32 v0, $0x10;
	_ =	sdelay $0x3  }
0x91: {  	[tilespmem:s26+$0xFFFFFF10] =	vst v1  }
0x92: {  	v0 =	vld.idx.msk [tilespmem:v0+s14+$0x0], $0xffff;
	_ =	sdelay $0x4  }
0x93: {  	[tilespmem:s26+$0xFFFFFF20] =	vst v0  }
0x94: {  	v0 =	vld [tilespmem:s28+$0xFFFFFFA0];
	_ =	sdelay $0x4  }
0x95: {  	v57 =	vand.u32 $0xFFFF, v0;
	_ =	sdelay $0x4  }
0x96: {  	v1 =	vld.idx.msk [tilespmem:v57+s14+$0x0], $0xffff  }
0x97: {  	v0 =	vshrl.u32 v0, $0x10;
	_ =	sdelay $0x3  }
0x98: {  	[tilespmem:s26+$0xFFFFFF30] =	vst v1  }
0x99: {  	v0 =	vld.idx.msk [tilespmem:v0+s14+$0x0], $0xffff;
	_ =	sdelay $0x4  }
0x9a: {  	[tilespmem:s26+$0xFFFFFF40] =	vst v0  }
0x9b: {  	v0 =	vld [tilespmem:s28+$0xFFFFFFB0];
	_ =	sdelay $0x4  }
0x9c: {  	v58 =	vand.u32 $0xFFFF, v0;
	_ =	sdelay $0x4  }
0x9d: {  	v1 =	vld.idx.msk [tilespmem:v58+s14+$0x0], $0xffff  }
0x9e: {  	v0 =	vshrl.u32 v0, $0x10;
	_ =	sdelay $0x3  }
0x9f: {  	[tilespmem:s26+$0xFFFFFF50] =	vst v1  }
0xa0: {  	v0 =	vld.idx.msk [tilespmem:v0+s14+$0x0], $0xffff;
	_ =	sdelay $0x4  }
0xa1: {  	[tilespmem:s26+$0xFFFFFF60] =	vst v0  }
0xa2: {  	v0 =	vld [tilespmem:s28+$0xFFFFFFC0];
	_ =	sdelay $0x4  }
0xa3: {  	v59 =	vand.u32 $0xFFFF, v0;
	_ =	sdelay $0x4  }
0xa4: {  	v1 =	vld.idx.msk [tilespmem:v59+s14+$0x0], $0xffff  }
0xa5: {  	v0 =	vshrl.u32 v0, $0x10;
	_ =	sdelay $0x3  }
0xa6: {  	[tilespmem:s26+$0xFFFFFF70] =	vst v1  }
0xa7: {  	v0 =	vld.idx.msk [tilespmem:v0+s14+$0x0], $0xffff;
	_ =	sdelay $0x4  }
0xa8: {  	[tilespmem:s26+$0xFFFFFF80] =	vst v0  }
0xa9: {  	v0 =	vld [tilespmem:s28+$0xFFFFFFD0];
	_ =	sdelay $0x4  }
0xaa: {  	v60 =	vand.u32 $0xFFFF, v0;
	_ =	sdelay $0x4  }
0xab: {  	v1 =	vld.idx.msk [tilespmem:v60+s14+$0x0], $0xffff  }
0xac: {  	v0 =	vshrl.u32 v0, $0x10;
	_ =	sdelay $0x3  }
0xad: {  	[tilespmem:s26+$0xFFFFFF90] =	vst v1  }
0xae: {  	v0 =	vld.idx.msk [tilespmem:v0+s14+$0x0], $0xffff;
	_ =	sdelay $0x4  }
0xaf: {  	[tilespmem:s26+$0xFFFFFFA0] =	vst v0  }
0xb0: {  	v0 =	vld [tilespmem:s28+$0xFFFFFFE0];
	_ =	sdelay $0x4  }
0xb1: {  	v61 =	vand.u32 $0xFFFF, v0;
	_ =	sdelay $0x4  }
0xb2: {  	v1 =	vld.idx.msk [tilespmem:v61+s14+$0x0], $0xffff  }
0xb3: {  	v0 =	vshrl.u32 v0, $0x10;
	_ =	sdelay $0x3  }
0xb4: {  	[tilespmem:s26+$0xFFFFFFB0] =	vst v1  }
0xb5: {  	v0 =	vld.idx.msk [tilespmem:v0+s14+$0x0], $0xffff;
	_ =	sdelay $0x4  }
0xb6: {  	[tilespmem:s26+$0xFFFFFFC0] =	vst v0  }
0xb7: {  	v0 =	vld [tilespmem:s28+$0xFFFFFFF0];
	_ =	sdelay $0x4  }
0xb8: {  	v62 =	vand.u32 $0xFFFF, v0;
	_ =	sdelay $0x4  }
0xb9: {  	v1 =	vld.idx.msk [tilespmem:v62+s14+$0x0], $0xffff  }
0xba: {  	v0 =	vshrl.u32 v0, $0x10;
	_ =	sdelay $0x3  }
0xbb: {  	[tilespmem:s26+$0xFFFFFFD0] =	vst v1  }
0xbc: {  	v0 =	vld.idx.msk [tilespmem:v0+s14+$0x0], $0xffff;
	_ =	sdelay $0x4  }
0xbd: {  	[tilespmem:s26+$0xFFFFFFE0] =	vst v0  }
0xbe: {  	v0 =	vld [tilespmem:s28+$0x0];
	_ =	sdelay $0x4  }
0xbf: {  	v63 =	vand.u32 $0xFFFF, v0;
	_ =	sdelay $0x4  }
0xc0: {  	v1 =	vld.idx.msk [tilespmem:v63+s14+$0x0], $0xffff  }
0xc1: {  	v0 =	vshrl.u32 v0, $0x10;
	_ =	sdelay $0x3  }
0xc2: {  	s25 =	sadd.s32 $0x8, s25;
	[tilespmem:s26+$0xFFFFFFF0] =	vst v1  }
0xc3: {  	p0 =	slt.u32 s25, $0xC0;
	v0 =	vld.idx.msk [tilespmem:v0+s14+$0x0], $0xffff  }
.Ltmp1:
0xc4: {  	_ = 	snop;
	(pc) =	sbr.rel @p0 .LBB2_4-.Ltmp1, $2  }
0xc5: {  	_ =	sdelay $0x2  }
0xc6: {  	s28 =	sadd.s32 $0x80, s28;
	[tilespmem:s26+$0x0] =	vst v0;
	s26 =	sadd.s32 $0x100, s26  }
0xc7: {  	[tilespmem:s14], [sflag:$0x2] =	stream.indirect.gather [hbm4b:s2+s9], $0x80, s21, s9, $0xb8;
	[tilespmem:$0x19A00] =	vst v63  }
0xc8: {  	_ = 	snop  }
0xc9: {  	[tilespmem:s16], [sflag:$0x2] =	stream.indirect.gather [hbm4b:s2+s9], $0x80, s22, s9, $0xb8;
	[tilespmem:$0x19A00] =	vst v63  }
0xca: {  	_ =	swait.ge [sflag:s17], $0x4000  }
0xcb: {  	[sflag:s17] =	ssyncset.done $0x0  }
0xcc: {  	[sflag:s17] =	ssyncadd.s32 $0xFFFFC000  }
0xcd: {  	_ =	swait.ge [sflag:s17], $0x4000  }
0xce: {  	s25 =	simm.s32 $0xFFFFFFF8;
	[sflag:s17] =	ssyncset.done $0x0  }
0xcf: {  	s26 =	simm.s32 $0x168F0;
	s28 =	simm.s32 $0x1D70;
	[sflag:s17] =	ssyncadd.s32 $0xFFFFC000  }
.LBB2_6:
0xd0: {  	v0 =	vld [tilespmem:s28+$0xFFFFFF90];
	_ =	sdelay $0x4  }
0xd1: {  	v1 =	vand.u32 $0xFFFF, v0;
	_ =	sdelay $0x4  }
0xd2: {  	v1 =	vld.idx.msk [tilespmem:v1+s10+$0x0], $0xffff  }
0xd3: {  	v0 =	vshrl.u32 v0, $0x10;
	_ =	sdelay $0x3  }
0xd4: {  	[tilespmem:s26+$0xFFFFFF10] =	vst v1  }
0xd5: {  	v0 =	vld.idx.msk [tilespmem:v0+s10+$0x0], $0xffff;
	_ =	sdelay $0x4  }
0xd6: {  	[tilespmem:s26+$0xFFFFFF20] =	vst v0  }
0xd7: {  	v0 =	vld [tilespmem:s28+$0xFFFFFFA0];
	_ =	sdelay $0x4  }
0xd8: {  	v57 =	vand.u32 $0xFFFF, v0;
	_ =	sdelay $0x4  }
0xd9: {  	v1 =	vld.idx.msk [tilespmem:v57+s10+$0x0], $0xffff  }
0xda: {  	v0 =	vshrl.u32 v0, $0x10;
	_ =	sdelay $0x3  }
0xdb: {  	[tilespmem:s26+$0xFFFFFF30] =	vst v1  }
0xdc: {  	v0 =	vld.idx.msk [tilespmem:v0+s10+$0x0], $0xffff;
	_ =	sdelay $0x4  }
0xdd: {  	[tilespmem:s26+$0xFFFFFF40] =	vst v0  }
0xde: {  	v0 =	vld [tilespmem:s28+$0xFFFFFFB0];
	_ =	sdelay $0x4  }
0xdf: {  	v58 =	vand.u32 $0xFFFF, v0;
	_ =	sdelay $0x4  }
0xe0: {  	v1 =	vld.idx.msk [tilespmem:v58+s10+$0x0], $0xffff  }
0xe1: {  	v0 =	vshrl.u32 v0, $0x10;
	_ =	sdelay $0x3  }
0xe2: {  	[tilespmem:s26+$0xFFFFFF50] =	vst v1  }
0xe3: {  	v0 =	vld.idx.msk [tilespmem:v0+s10+$0x0], $0xffff;
	_ =	sdelay $0x4  }
0xe4: {  	[tilespmem:s26+$0xFFFFFF60] =	vst v0  }
0xe5: {  	v0 =	vld [tilespmem:s28+$0xFFFFFFC0];
	_ =	sdelay $0x4  }
0xe6: {  	v59 =	vand.u32 $0xFFFF, v0;
	_ =	sdelay $0x4  }
0xe7: {  	v1 =	vld.idx.msk [tilespmem:v59+s10+$0x0], $0xffff  }
0xe8: {  	v0 =	vshrl.u32 v0, $0x10;
	_ =	sdelay $0x3  }
0xe9: {  	[tilespmem:s26+$0xFFFFFF70] =	vst v1  }
0xea: {  	v0 =	vld.idx.msk [tilespmem:v0+s10+$0x0], $0xffff;
	_ =	sdelay $0x4  }
0xeb: {  	[tilespmem:s26+$0xFFFFFF80] =	vst v0  }
0xec: {  	v0 =	vld [tilespmem:s28+$0xFFFFFFD0];
	_ =	sdelay $0x4  }
0xed: {  	v60 =	vand.u32 $0xFFFF, v0;
	_ =	sdelay $0x4  }
0xee: {  	v1 =	vld.idx.msk [tilespmem:v60+s10+$0x0], $0xffff  }
0xef: {  	v0 =	vshrl.u32 v0, $0x10;
	_ =	sdelay $0x3  }
0xf0: {  	[tilespmem:s26+$0xFFFFFF90] =	vst v1  }
0xf1: {  	v0 =	vld.idx.msk [tilespmem:v0+s10+$0x0], $0xffff;
	_ =	sdelay $0x4  }
0xf2: {  	[tilespmem:s26+$0xFFFFFFA0] =	vst v0  }
0xf3: {  	v0 =	vld [tilespmem:s28+$0xFFFFFFE0];
	_ =	sdelay $0x4  }
0xf4: {  	v61 =	vand.u32 $0xFFFF, v0;
	_ =	sdelay $0x4  }
0xf5: {  	v1 =	vld.idx.msk [tilespmem:v61+s10+$0x0], $0xffff  }
0xf6: {  	v0 =	vshrl.u32 v0, $0x10;
	_ =	sdelay $0x3  }
0xf7: {  	[tilespmem:s26+$0xFFFFFFB0] =	vst v1  }
0xf8: {  	v0 =	vld.idx.msk [tilespmem:v0+s10+$0x0], $0xffff;
	_ =	sdelay $0x4  }
0xf9: {  	[tilespmem:s26+$0xFFFFFFC0] =	vst v0  }
0xfa: {  	v0 =	vld [tilespmem:s28+$0xFFFFFFF0];
	_ =	sdelay $0x4  }
0xfb: {  	v62 =	vand.u32 $0xFFFF, v0;
	_ =	sdelay $0x4  }
0xfc: {  	v1 =	vld.idx.msk [tilespmem:v62+s10+$0x0], $0xffff  }
0xfd: {  	v0 =	vshrl.u32 v0, $0x10;
	_ =	sdelay $0x3  }
0xfe: {  	[tilespmem:s26+$0xFFFFFFD0] =	vst v1  }
0xff: {  	v0 =	vld.idx.msk [tilespmem:v0+s10+$0x0], $0xffff;
	_ =	sdelay $0x4  }
0x100: {  	[tilespmem:s26+$0xFFFFFFE0] =	vst v0  }
0x101: {  	v0 =	vld [tilespmem:s28+$0x0];
	_ =	sdelay $0x4  }
0x102: {  	v63 =	vand.u32 $0xFFFF, v0;
	_ =	sdelay $0x4  }
0x103: {  	v1 =	vld.idx.msk [tilespmem:v63+s10+$0x0], $0xffff  }
0x104: {  	v0 =	vshrl.u32 v0, $0x10;
	_ =	sdelay $0x3  }
0x105: {  	s25 =	sadd.s32 $0x8, s25;
	[tilespmem:s26+$0xFFFFFFF0] =	vst v1  }
0x106: {  	p0 =	slt.u32 s25, $0xC0;
	v0 =	vld.idx.msk [tilespmem:v0+s10+$0x0], $0xffff  }
.Ltmp2:
0x107: {  	_ = 	snop;
	(pc) =	sbr.rel @p0 .LBB2_6-.Ltmp2, $2  }
0x108: {  	_ =	sdelay $0x2  }
0x109: {  	s28 =	sadd.s32 $0x80, s28;
	[tilespmem:s26+$0x0] =	vst v0;
	s26 =	sadd.s32 $0x100, s26  }
0x10a: {  	_ =	swait.ge [sflag:s20], $0x4000  }
0x10b: {  	[sflag:s20] =	ssyncset.done $0x0  }
0x10c: {  	[sflag:s20] =	ssyncadd.s32 $0xFFFFC000  }
0x10d: {  	_ =	swait.ge [sflag:s20], $0x4000  }
0x10e: {  	s25 =	simm.s32 $0xFFFFFFF8;
	[sflag:s20] =	ssyncset.done $0x0  }
0x10f: {  	s26 =	simm.s32 $0x18100;
	s28 =	simm.s32 $0x29F0;
	[sflag:s20] =	ssyncadd.s32 $0xFFFFC000  }
.LBB2_8:
0x110: {  	v0 =	vld [tilespmem:s28+$0xFFFFFF90];
	_ =	sdelay $0x4  }
0x111: {  	v1 =	vand.u32 $0xFFFF, v0;
	_ =	sdelay $0x4  }
0x112: {  	v1 =	vld.idx.msk [tilespmem:v1+s14+$0x0], $0xffff  }
0x113: {  	v0 =	vshrl.u32 v0, $0x10;
	_ =	sdelay $0x3  }
0x114: {  	[tilespmem:s26+$0x0] =	vst v1  }
0x115: {  	v0 =	vld.idx.msk [tilespmem:v0+s14+$0x0], $0xffff;
	_ =	sdelay $0x4  }
0x116: {  	[tilespmem:s26+$0x10] =	vst v0  }
0x117: {  	v0 =	vld [tilespmem:s28+$0xFFFFFFA0];
	_ =	sdelay $0x4  }
0x118: {  	v57 =	vand.u32 $0xFFFF, v0;
	_ =	sdelay $0x4  }
0x119: {  	v1 =	vld.idx.msk [tilespmem:v57+s14+$0x0], $0xffff  }
0x11a: {  	v0 =	vshrl.u32 v0, $0x10;
	_ =	sdelay $0x3  }
0x11b: {  	[tilespmem:s26+$0x20] =	vst v1  }
0x11c: {  	v0 =	vld.idx.msk [tilespmem:v0+s14+$0x0], $0xffff;
	_ =	sdelay $0x4  }
0x11d: {  	[tilespmem:s26+$0x30] =	vst v0  }
0x11e: {  	v0 =	vld [tilespmem:s28+$0xFFFFFFB0];
	_ =	sdelay $0x4  }
0x11f: {  	v58 =	vand.u32 $0xFFFF, v0;
	_ =	sdelay $0x4  }
0x120: {  	v1 =	vld.idx.msk [tilespmem:v58+s14+$0x0], $0xffff  }
0x121: {  	v0 =	vshrl.u32 v0, $0x10;
	_ =	sdelay $0x3  }
0x122: {  	[tilespmem:s26+$0x40] =	vst v1  }
0x123: {  	v0 =	vld.idx.msk [tilespmem:v0+s14+$0x0], $0xffff;
	_ =	sdelay $0x4  }
0x124: {  	[tilespmem:s26+$0x50] =	vst v0  }
0x125: {  	v0 =	vld [tilespmem:s28+$0xFFFFFFC0];
	_ =	sdelay $0x4  }
0x126: {  	v59 =	vand.u32 $0xFFFF, v0;
	_ =	sdelay $0x4  }
0x127: {  	v1 =	vld.idx.msk [tilespmem:v59+s14+$0x0], $0xffff  }
0x128: {  	v0 =	vshrl.u32 v0, $0x10;
	_ =	sdelay $0x3  }
0x129: {  	[tilespmem:s26+$0x60] =	vst v1  }
0x12a: {  	v0 =	vld.idx.msk [tilespmem:v0+s14+$0x0], $0xffff;
	_ =	sdelay $0x4  }
0x12b: {  	[tilespmem:s26+$0x70] =	vst v0  }
0x12c: {  	v0 =	vld [tilespmem:s28+$0xFFFFFFD0];
	_ =	sdelay $0x4  }
0x12d: {  	v60 =	vand.u32 $0xFFFF, v0;
	_ =	sdelay $0x4  }
0x12e: {  	v1 =	vld.idx.msk [tilespmem:v60+s14+$0x0], $0xffff  }
0x12f: {  	v0 =	vshrl.u32 v0, $0x10;
	_ =	sdelay $0x3  }
0x130: {  	[tilespmem:s26+$0x80] =	vst v1  }
0x131: {  	v0 =	vld.idx.msk [tilespmem:v0+s14+$0x0], $0xffff;
	_ =	sdelay $0x4  }
0x132: {  	[tilespmem:s26+$0x90] =	vst v0  }
0x133: {  	v0 =	vld [tilespmem:s28+$0xFFFFFFE0];
	_ =	sdelay $0x4  }
0x134: {  	v61 =	vand.u32 $0xFFFF, v0;
	_ =	sdelay $0x4  }
0x135: {  	v1 =	vld.idx.msk [tilespmem:v61+s14+$0x0], $0xffff  }
0x136: {  	v0 =	vshrl.u32 v0, $0x10;
	_ =	sdelay $0x3  }
0x137: {  	[tilespmem:s26+$0xA0] =	vst v1  }
0x138: {  	v0 =	vld.idx.msk [tilespmem:v0+s14+$0x0], $0xffff;
	_ =	sdelay $0x4  }
0x139: {  	[tilespmem:s26+$0xB0] =	vst v0  }
0x13a: {  	v0 =	vld [tilespmem:s28+$0xFFFFFFF0];
	_ =	sdelay $0x4  }
0x13b: {  	v62 =	vand.u32 $0xFFFF, v0;
	_ =	sdelay $0x4  }
0x13c: {  	v1 =	vld.idx.msk [tilespmem:v62+s14+$0x0], $0xffff  }
0x13d: {  	v0 =	vshrl.u32 v0, $0x10;
	_ =	sdelay $0x3  }
0x13e: {  	[tilespmem:s26+$0xC0] =	vst v1  }
0x13f: {  	v0 =	vld.idx.msk [tilespmem:v0+s14+$0x0], $0xffff;
	_ =	sdelay $0x4  }
0x140: {  	[tilespmem:s26+$0xD0] =	vst v0  }
0x141: {  	v0 =	vld [tilespmem:s28+$0x0];
	_ =	sdelay $0x4  }
0x142: {  	v63 =	vand.u32 $0xFFFF, v0;
	_ =	sdelay $0x4  }
0x143: {  	v1 =	vld.idx.msk [tilespmem:v63+s14+$0x0], $0xffff  }
0x144: {  	v0 =	vshrl.u32 v0, $0x10;
	_ =	sdelay $0x3  }
0x145: {  	s25 =	sadd.s32 $0x8, s25;
	[tilespmem:s26+$0xE0] =	vst v1  }
0x146: {  	p0 =	slt.u32 s25, $0xC0;
	v0 =	vld.idx.msk [tilespmem:v0+s14+$0x0], $0xffff  }
.Ltmp3:
0x147: {  	_ = 	snop;
	(pc) =	sbr.rel @p0 .LBB2_8-.Ltmp3, $2  }
0x148: {  	_ =	sdelay $0x2  }
0x149: {  	s28 =	sadd.s32 $0x80, s28;
	[tilespmem:s26+$0xF0] =	vst v0;
	s26 =	sadd.s32 $0x100, s26  }
0x14a: {  	s24 =	sadd.s32 $0x1, s24  }
0x14b: {  	p0 =	sne.s32 s24, s7  }
.Ltmp4:
0x14c: {  	_ = 	snop;
	(pc) =	sbr.rel @p0 .LBB2_1-.Ltmp4, $4  }
0x14d: {  	[hbm4b:s6+s3] =	stream.linear.scatter [tilespmem:s23], [sflag:$0x3], $0x6400, $0x38;
	[tilespmem:$0x19A00] =	vst v63  }
0x14e: {  	_ =	swait.ge [sflag:s8], $0x6400  }
0x14f: {  	[sflag:s8] =	ssyncset.done $0x0  }
0x150: {  	[sflag:s8] =	ssyncadd.s32 $0xFFFF9C00  }
0x151: {  	_ =	sfence.sel $0x180000  }
0x152: {  	[bflag:$0x0] =	sbarrier.arrive $0xFFFF  }
0x153: {  	p0 =	sne.s32 s0, $0x0;
	_ =	strace $0x90000047  }
0x154: {  	s0 =	sadd.s32 @!p0 $0x100000, s1;
	[bflag:$0x2] =	sbarrier.arrive $0xFFFF  }
0x155: {  	[sflag:s0] =	ssyncadd.tile.s32 @!p0 $0x1;
	_ =	shalt  }
.Lfunc_end2:
_tile_overlayer_lowered:
.L_overlay_start_2:
0x156: {  	(tag) =	ssettag $0x2  }
0x157: {  	s0 =	rddreg [dreg:$0x0];
	s2 =	stileid.u32  }
0x158: {  	s1 =	rddreg [dreg:$0x1];
	p0 =	sne.s32 s2, $0x0  }
0x159: {  	s3 =	rddreg [dreg:$0x2];
	[bflag:$0x3] =	sbarrier.arrive $0xFFFF;
	s2 =	simm.s32 @!p0 $0x1C03  }
0x15a: {  	[timem:s3], [sflag:s2] =	dma.local @!p0 [hbm:s0], s1  }
0x15b: {  	s0 =	simm.s32 @!p0 $0x3  }
0x15c: {  	_ =	swait.ge @!p0 [sflag:s0], s1  }
0x15d: {  	s1 =	ssub.s32 @!p0 $0x0, s1;
	[sflag:s0] =	ssyncset.done @!p0 $0x0  }
0x15e: {  	[sflag:s0] =	ssyncadd.s32 @!p0 s1  }
0x15f: {  	[bflag:$0x3] =	sbarrier.arrive $0xFFFF  }
0x160: {  	_ =	shalt  }

</sc_bundles>
